<compile_context>
chip_gen: v7x
topology: tpu7x:2x2x1
jax: 0.10.2.dev20260603
libtpu: 0.0.44.dev20260713+nightly
codegen_flags: <defaults>
</compile_context>

<pallas_src>
import functools

import jax
import jax.numpy as jnp
from jax import lax
from jax.experimental import pallas as pl
from jax.experimental.pallas import tpu as pltpu
from jax.experimental.pallas import tpu_sc as plsc

BATCH = 16384
HIST = 50
DIM = 32
NC = 2
NS = 16
NW = NC * NS
R = 32
NG = BATCH // (NW * R)
NI = NG // 2


def _emb_kernel(table_hbm, x_hbm, out_hbm, idx_v, rows_v, gsem0, gsem1):
    wid = lax.axis_index("s") * NC + lax.axis_index("c")
    rbase = wid * NG * R

    def fire(r0, b, gsem):
        pltpu.sync_copy(x_hbm.at[pl.ds(r0, R)], idx_v.at[b])
        return [
            pltpu.async_copy(
                table_hbm.at[idx_v.at[b, r]], rows_v.at[b, r], gsem
            )
            for r in range(R)
        ]

    def drain(r0, b, descs):
        for d in descs:
            d.wait()
        pltpu.sync_copy(rows_v.at[b], out_hbm.at[pl.ds(r0, R)])

    def iter_body(i, carry):
        r0 = rbase + 2 * i * R
        d0 = fire(r0, 0, gsem0)
        d1 = fire(r0 + R, 1, gsem1)
        drain(r0, 0, d0)
        drain(r0 + R, 1, d1)
        return carry

    lax.fori_loop(0, NI, iter_body, 0)


@jax.jit
def kernel(x, table):
    assert x.shape == (BATCH, HIST) and table.shape[1] == DIM
    run = functools.partial(
        pl.kernel,
        out_type=jax.ShapeDtypeStruct((BATCH, HIST, DIM), jnp.float32),
        mesh=plsc.VectorSubcoreMesh(core_axis_name="c", subcore_axis_name="s"),
        compiler_params=pltpu.CompilerParams(use_tc_tiling_on_sc=False),
        scratch_types=[
            pltpu.VMEM((2, R, HIST), jnp.int32),
            pltpu.VMEM((2, R, HIST, DIM), jnp.float32),
            pltpu.SemaphoreType.DMA,
            pltpu.SemaphoreType.DMA,
        ],
    )(_emb_kernel)
    return run(table, x.astype(jnp.int32))

# --- scband reference (transcript-rebuilt; emitter-appended) ---
"""Pipeline reference for scband-parallel-embedding-76785425318106 (READ-ONLY COPY).

The authoritative reference and input builder live on the scoring server;
editing this copy changes nothing except your own understanding.
"""

import jax, jax.numpy as jnp
import numpy as np

VOCAB = 1000000
DIM = 32
BATCH = 16384
HIST = 50

def setup_inputs(seed: int = 0) -> dict:
    key = jax.random.key(seed)
    k_idx, k_tab = jax.random.split(key)
    x = jax.random.randint(k_idx, (BATCH, HIST), 0, VOCAB, dtype=jnp.int64 if jax.config.jax_enable_x64 else jnp.int32)
    table = jax.random.normal(k_tab, (VOCAB, DIM), dtype=jnp.float32)
    return {"x": x, "table": table}

def reference(x, table):
    # nn.Embedding forward: gather rows of the table by index
    return jnp.take(table, x, axis=0)

if __name__ == "__main__":
    import jax
    _d = setup_inputs()
    print(jax.jit(kernel)(*tuple(_d.values())))

</pallas_src>

<mosaic_0001>
#map = affine_map<(d0, d1) -> (0, 0)>
#map1 = affine_map<(d0, d1) -> (0, 0, 0)>
module attributes {stable_mosaic.version = 14 : i64} {
  func.func @_emb_kernel(%arg0: i32, %arg1: i32, %arg2: memref<1000000x32xf32, #tpu.memory_space<hbm>>, %arg3: memref<16384x50xi32, #tpu.memory_space<hbm>>, %arg4: memref<16384x50x32xf32, #tpu.memory_space<hbm>>, %arg5: memref<2x32x50xi32, #tpu.memory_space<vmem>>, %arg6: memref<2x32x50x32xf32, #tpu.memory_space<vmem>>, %arg7: memref<!tpu.dma_semaphore, #tpu.memory_space<semaphore_mem>>, %arg8: memref<!tpu.dma_semaphore, #tpu.memory_space<semaphore_mem>>) attributes {dimension_semantics = [#tpu.dimension_semantics<core_parallel>, #tpu.dimension_semantics<subcore_parallel>], iteration_bounds = array<i64: 2, 16>, scalar_prefetch = 0 : i64, scratch_operands = 4 : i64, tpu.core_type = #tpu.core_type<sc_vector_subcore>, window_params = [{transform_indices = #map}, {transform_indices = #map}, {transform_indices = #map1}]} {
    %mul3A = arith.constant 2 : i32
    %mul3A_0 = arith.muli %arg1, %mul3A : i32
    %add3A = arith.addi %mul3A_0, %arg0 : i32
    %mul3A_1 = arith.constant 16 : i32
    %mul3A_2 = arith.muli %add3A, %mul3A_1 : i32
    %mul3A_3 = arith.constant 32 : i32
    %mul3A_4 = arith.muli %mul3A_2, %mul3A_3 : i32
    %scan3A = arith.constant 0 : i32
    %scan3A_5 = arith.constant 0 : i32
    %scan3A_6 = arith.constant 8 : i32
    %scan3A_7 = arith.addi %scan3A_5, %scan3A_6 : i32
    %scan3A_8 = arith.constant 1 : i32
    scf.for %scan3A_10 = %scan3A_5 to %scan3A_7 step %scan3A_8  : i32 {
      %mul3A_11 = arith.constant 2 : i32
      %mul3A_12 = arith.muli %mul3A_11, %scan3A_10 : i32
      %mul3A_13 = arith.constant 32 : i32
      %mul3A_14 = arith.muli %mul3A_12, %mul3A_13 : i32
      %add3A_15 = arith.addi %mul3A_4, %mul3A_14 : i32
      %run_scoped3A = arith.constant 0 : i32
      "tpu.region"() ({
        %run_scoped3A_1813 = tpu.sem_alloc : memref<!tpu.dma_semaphore, #tpu.memory_space<semaphore_mem>>
        %dma_start3A_1814 = arith.constant 0 : i32
        %dma_start3A_1815 = arith.constant 0 : i32
        %dma_start3A_1816 = tpu.memref_slice %arg5[%run_scoped3A, %dma_start3A_1814, %dma_start3A_1815] : memref<2x32x50xi32, #tpu.memory_space<vmem>> -> memref<1x32x50xi32, #tpu.memory_space<vmem>>
        %dma_start3A_1817 = tpu.memref_squeeze %dma_start3A_1816 : memref<1x32x50xi32, #tpu.memory_space<vmem>> -> memref<32x50xi32, #tpu.memory_space<vmem>>
        %dma_start3A_1818 = arith.constant 0 : i32
        %dma_start3A_1819 = tpu.memref_slice %arg3[%add3A_15, %dma_start3A_1818] : memref<16384x50xi32, #tpu.memory_space<hbm>> -> memref<32x50xi32, #tpu.memory_space<hbm>>
        %dma_start3A_1820 = arith.constant 0 : i32
        %dma_start3A_1821 = arith.constant 0 : i32
        %dma_start3A_1822 = tpu.memref_slice %arg5[%run_scoped3A, %dma_start3A_1820, %dma_start3A_1821] : memref<2x32x50xi32, #tpu.memory_space<vmem>> -> memref<1x32x50xi32, #tpu.memory_space<vmem>>
        %dma_start3A_1823 = tpu.memref_squeeze %dma_start3A_1822 : memref<1x32x50xi32, #tpu.memory_space<vmem>> -> memref<32x50xi32, #tpu.memory_space<vmem>>
        %dma_start3A_1824 = arith.constant 0 : i32
        %dma_start3A_1825 = tpu.memref_slice %arg3[%add3A_15, %dma_start3A_1824] : memref<16384x50xi32, #tpu.memory_space<hbm>> -> memref<32x50xi32, #tpu.memory_space<hbm>>
        tpu.enqueue_dma source(%dma_start3A_1825 : memref<32x50xi32, #tpu.memory_space<hbm>>) target(%dma_start3A_1823 : memref<32x50xi32, #tpu.memory_space<vmem>>) target_semaphore(%run_scoped3A_1813 : memref<!tpu.dma_semaphore, #tpu.memory_space<semaphore_mem>>)
        %dma_wait3A_1826 = arith.constant 0 : i32
        %dma_wait3A_1827 = arith.constant 0 : i32
        %dma_wait3A_1828 = tpu.memref_slice %arg5[%run_scoped3A, %dma_wait3A_1826, %dma_wait3A_1827] : memref<2x32x50xi32, #tpu.memory_space<vmem>> -> memref<1x32x50xi32, #tpu.memory_space<vmem>>
        %dma_wait3A_1829 = tpu.memref_squeeze %dma_wait3A_1828 : memref<1x32x50xi32, #tpu.memory_space<vmem>> -> memref<32x50xi32, #tpu.memory_space<vmem>>
        %dma_wait3A_1830 = arith.constant 0 : i32
        %dma_wait3A_1831 = tpu.memref_slice %arg3[%add3A_15, %dma_wait3A_1830] : memref<16384x50xi32, #tpu.memory_space<hbm>> -> memref<32x50xi32, #tpu.memory_space<hbm>>
        %dma_wait3A_1832 = arith.constant 0 : i32
        %dma_wait3A_1833 = arith.constant 0 : i32
        %dma_wait3A_1834 = tpu.memref_slice %arg5[%run_scoped3A, %dma_wait3A_1832, %dma_wait3A_1833] : memref<2x32x50xi32, #tpu.memory_space<vmem>> -> memref<1x32x50xi32, #tpu.memory_space<vmem>>
        %dma_wait3A_1835 = tpu.memref_squeeze %dma_wait3A_1834 : memref<1x32x50xi32, #tpu.memory_space<vmem>> -> memref<32x50xi32, #tpu.memory_space<vmem>>
        %dma_wait3A_1836 = arith.constant 0 : i32
        %dma_wait3A_1837 = tpu.memref_slice %arg3[%add3A_15, %dma_wait3A_1836] : memref<16384x50xi32, #tpu.memory_space<hbm>> -> memref<32x50xi32, #tpu.memory_space<hbm>>
        tpu.wait_dma2 semaphore(%run_scoped3A_1813 : memref<!tpu.dma_semaphore, #tpu.memory_space<semaphore_mem>>) src(%dma_wait3A_1837 : memref<32x50xi32, #tpu.memory_space<hbm>>) dst(%dma_wait3A_1835 : memref<32x50xi32, #tpu.memory_space<vmem>>)
        tpu.yield
      }) : () -> ()
      %dma_start3A = arith.constant 0 : i32
      %dma_start3A_16 = arith.constant 0 : i32
      %dma_start3A_17 = arith.constant 0 : i32
      %dma_start3A_18 = arith.constant 0 : i32
      %dma_start3A_19 = arith.constant 0 : i32
      %dma_start3A_20 = arith.constant 0 : i32
      %dma_start3A_21 = tpu.memref_slice %arg6[%dma_start3A_17, %dma_start3A_18, %dma_start3A_19, %dma_start3A_20] : memref<2x32x50x32xf32, #tpu.memory_space<vmem>> -> memref<1x1x50x32xf32, #tpu.memory_space<vmem>>
      %dma_start3A_22 = tpu.memref_squeeze %dma_start3A_21 : memref<1x1x50x32xf32, #tpu.memory_space<vmem>> -> memref<50x32xf32, #tpu.memory_space<vmem>>
      %dma_start3A_23 = arith.constant 0 : i32
      %dma_start3A_24 = tpu.memref_slice %arg5[%dma_start3A, %dma_start3A_16, %dma_start3A_23] : memref<2x32x50xi32, #tpu.memory_space<vmem>> -> memref<1x1x50xi32, #tpu.memory_space<vmem>>
      %dma_start3A_25 = tpu.memref_squeeze %dma_start3A_24 : memref<1x1x50xi32, #tpu.memory_space<vmem>> -> memref<50xi32, #tpu.memory_space<vmem>>
      %dma_start3A_26 = arith.constant 0 : i32
      %dma_start3A_27 = arith.constant 0 : i32
      %dma_start3A_28 = tpu.memref_slice %arg2[%dma_start3A_26, %dma_start3A_27] : memref<1000000x32xf32, #tpu.memory_space<hbm>> -> memref<1000000x32xf32, #tpu.memory_space<hbm>>
      tpu.enqueue_indirect_dma source(%dma_start3A_28 : memref<1000000x32xf32, #tpu.memory_space<hbm>>) target(%dma_start3A_22 : memref<50x32xf32, #tpu.memory_space<vmem>>) offsets(%dma_start3A_25 : memref<50xi32, #tpu.memory_space<vmem>>) semaphore(%arg7 : memref<!tpu.dma_semaphore, #tpu.memory_space<semaphore_mem>>)
      %dma_start3A_29 = arith.constant 0 : i32
      %dma_start3A_30 = arith.constant 1 : i32
      %dma_start3A_31 = arith.constant 0 : i32
      %dma_start3A_32 = arith.constant 1 : i32
      %dma_start3A_33 = arith.constant 0 : i32
      %dma_start3A_34 = arith.constant 0 : i32
      %dma_start3A_35 = tpu.memref_slice %arg6[%dma_start3A_31, %dma_start3A_32, %dma_start3A_33, %dma_start3A_34] : memref<2x32x50x32xf32, #tpu.memory_space<vmem>> -> memref<1x1x50x32xf32, #tpu.memory_space<vmem>>
      %dma_start3A_36 = tpu.memref_squeeze %dma_start3A_35 : memref<1x1x50x32xf32, #tpu.memory_space<vmem>> -> memref<50x32xf32, #tpu.memory_space<vmem>>
      %dma_start3A_37 = arith.constant 0 : i32
      %dma_start3A_38 = tpu.memref_slice %arg5[%dma_start3A_29, %dma_start3A_30, %dma_start3A_37] : memref<2x32x50xi32, #tpu.memory_space<vmem>> -> memref<1x1x50xi32, #tpu.memory_space<vmem>>
      %dma_start3A_39 = tpu.memref_squeeze %dma_start3A_38 : memref<1x1x50xi32, #tpu.memory_space<vmem>> -> memref<50xi32, #tpu.memory_space<vmem>>
      %dma_start3A_40 = arith.constant 0 : i32
      %dma_start3A_41 = arith.constant 0 : i32
      %dma_start3A_42 = tpu.memref_slice %arg2[%dma_start3A_40, %dma_start3A_41] : memref<1000000x32xf32, #tpu.memory_space<hbm>> -> memref<1000000x32xf32, #tpu.memory_space<hbm>>
      tpu.enqueue_indirect_dma source(%dma_start3A_42 : memref<1000000x32xf32, #tpu.memory_space<hbm>>) target(%dma_start3A_36 : memref<50x32xf32, #tpu.memory_space<vmem>>) offsets(%dma_start3A_39 : memref<50xi32, #tpu.memory_space<vmem>>) semaphore(%arg7 : memref<!tpu.dma_semaphore, #tpu.memory_space<semaphore_mem>>)
      %dma_start3A_43 = arith.constant 0 : i32
      %dma_start3A_44 = arith.constant 2 : i32
      %dma_start3A_45 = arith.constant 0 : i32
      %dma_start3A_46 = arith.constant 2 : i32
      %dma_start3A_47 = arith.constant 0 : i32
      %dma_start3A_48 = arith.constant 0 : i32
      %dma_start3A_49 = tpu.memref_slice %arg6[%dma_start3A_45, %dma_start3A_46, %dma_start3A_47, %dma_start3A_48] : memref<2x32x50x32xf32, #tpu.memory_space<vmem>> -> memref<1x1x50x32xf32, #tpu.memory_space<vmem>>
      %dma_start3A_50 = tpu.memref_squeeze %dma_start3A_49 : memref<1x1x50x32xf32, #tpu.memory_space<vmem>> -> memref<50x32xf32, #tpu.memory_space<vmem>>
      %dma_start3A_51 = arith.constant 0 : i32
      %dma_start3A_52 = tpu.memref_slice %arg5[%dma_start3A_43, %dma_start3A_44, %dma_start3A_51] : memref<2x32x50xi32, #tpu.memory_space<vmem>> -> memref<1x1x50xi32, #tpu.memory_space<vmem>>
      %dma_start3A_53 = tpu.memref_squeeze %dma_start3A_52 : memref<1x1x50xi32, #tpu.memory_space<vmem>> -> memref<50xi32, #tpu.memory_space<vmem>>
      %dma_start3A_54 = arith.constant 0 : i32
      %dma_start3A_55 = arith.constant 0 : i32
      %dma_start3A_56 = tpu.memref_slice %arg2[%dma_start3A_54, %dma_start3A_55] : memref<1000000x32xf32, #tpu.memory_space<hbm>> -> memref<1000000x32xf32, #tpu.memory_space<hbm>>
      tpu.enqueue_indirect_dma source(%dma_start3A_56 : memref<1000000x32xf32, #tpu.memory_space<hbm>>) target(%dma_start3A_50 : memref<50x32xf32, #tpu.memory_space<vmem>>) offsets(%dma_start3A_53 : memref<50xi32, #tpu.memory_space<vmem>>) semaphore(%arg7 : memref<!tpu.dma_semaphore, #tpu.memory_space<semaphore_mem>>)
      %dma_start3A_57 = arith.constant 0 : i32
      %dma_start3A_58 = arith.constant 3 : i32
      %dma_start3A_59 = arith.constant 0 : i32
      %dma_start3A_60 = arith.constant 3 : i32
      %dma_start3A_61 = arith.constant 0 : i32
      %dma_start3A_62 = arith.constant 0 : i32
      %dma_start3A_63 = tpu.memref_slice %arg6[%dma_start3A_59, %dma_start3A_60, %dma_start3A_61, %dma_start3A_62] : memref<2x32x50x32xf32, #tpu.memory_space<vmem>> -> memref<1x1x50x32xf32, #tpu.memory_space<vmem>>
      %dma_start3A_64 = tpu.memref_squeeze %dma_start3A_63 : memref<1x1x50x32xf32, #tpu.memory_space<vmem>> -> memref<50x32xf32, #tpu.memory_space<vmem>>
      %dma_start3A_65 = arith.constant 0 : i32
      %dma_start3A_66 = tpu.memref_slice %arg5[%dma_start3A_57, %dma_start3A_58, %dma_start3A_65] : memref<2x32x50xi32, #tpu.memory_space<vmem>> -> memref<1x1x50xi32, #tpu.memory_space<vmem>>
      %dma_start3A_67 = tpu.memref_squeeze %dma_start3A_66 : memref<1x1x50xi32, #tpu.memory_space<vmem>> -> memref<50xi32, #tpu.memory_space<vmem>>
      %dma_start3A_68 = arith.constant 0 : i32
      %dma_start3A_69 = arith.constant 0 : i32
      %dma_start3A_70 = tpu.memref_slice %arg2[%dma_start3A_68, %dma_start3A_69] : memref<1000000x32xf32, #tpu.memory_space<hbm>> -> memref<1000000x32xf32, #tpu.memory_space<hbm>>
      tpu.enqueue_indirect_dma source(%dma_start3A_70 : memref<1000000x32xf32, #tpu.memory_space<hbm>>) target(%dma_start3A_64 : memref<50x32xf32, #tpu.memory_space<vmem>>) offsets(%dma_start3A_67 : memref<50xi32, #tpu.memory_space<vmem>>) semaphore(%arg7 : memref<!tpu.dma_semaphore, #tpu.memory_space<semaphore_mem>>)
      %dma_start3A_71 = arith.constant 0 : i32
      %dma_start3A_72 = arith.constant 4 : i32
      %dma_start3A_73 = arith.constant 0 : i32
      %dma_start3A_74 = arith.constant 4 : i32
      %dma_start3A_75 = arith.constant 0 : i32
      %dma_start3A_76 = arith.constant 0 : i32
      %dma_start3A_77 = tpu.memref_slice %arg6[%dma_start3A_73, %dma_start3A_74, %dma_start3A_75, %dma_start3A_76] : memref<2x32x50x32xf32, #tpu.memory_space<vmem>> -> memref<1x1x50x32xf32, #tpu.memory_space<vmem>>
      %dma_start3A_78 = tpu.memref_squeeze %dma_start3A_77 : memref<1x1x50x32xf32, #tpu.memory_space<vmem>> -> memref<50x32xf32, #tpu.memory_space<vmem>>
      %dma_start3A_79 = arith.constant 0 : i32
      %dma_start3A_80 = tpu.memref_slice %arg5[%dma_start3A_71, %dma_start3A_72, %dma_start3A_79] : memref<2x32x50xi32, #tpu.memory_space<vmem>> -> memref<1x1x50xi32, #tpu.memory_space<vmem>>
      %dma_start3A_81 = tpu.memref_squeeze %dma_start3A_80 : memref<1x1x50xi32, #tpu.memory_space<vmem>> -> memref<50xi32, #tpu.memory_space<vmem>>
      %dma_start3A_82 = arith.constant 0 : i32
      %dma_start3A_83 = arith.constant 0 : i32
      %dma_start3A_84 = tpu.memref_slice %arg2[%dma_start3A_82, %dma_start3A_83] : memref<1000000x32xf32, #tpu.memory_space<hbm>> -> memref<1000000x32xf32, #tpu.memory_space<hbm>>
      tpu.enqueue_indirect_dma source(%dma_start3A_84 : memref<1000000x32xf32, #tpu.memory_space<hbm>>) target(%dma_start3A_78 : memref<50x32xf32, #tpu.memory_space<vmem>>) offsets(%dma_start3A_81 : memref<50xi32, #tpu.memory_space<vmem>>) semaphore(%arg7 : memref<!tpu.dma_semaphore, #tpu.memory_space<semaphore_mem>>)
      %dma_start3A_85 = arith.constant 0 : i32
      %dma_start3A_86 = arith.constant 5 : i32
      %dma_start3A_87 = arith.constant 0 : i32
      %dma_start3A_88 = arith.constant 5 : i32
      %dma_start3A_89 = arith.constant 0 : i32
      %dma_start3A_90 = arith.constant 0 : i32
      %dma_start3A_91 = tpu.memref_slice %arg6[%dma_start3A_87, %dma_start3A_88, %dma_start3A_89, %dma_start3A_90] : memref<2x32x50x32xf32, #tpu.memory_space<vmem>> -> memref<1x1x50x32xf32, #tpu.memory_space<vmem>>
      %dma_start3A_92 = tpu.memref_squeeze %dma_start3A_91 : memref<1x1x50x32xf32, #tpu.memory_space<vmem>> -> memref<50x32xf32, #tpu.memory_space<vmem>>
      %dma_start3A_93 = arith.constant 0 : i32
      %dma_start3A_94 = tpu.memref_slice %arg5[%dma_start3A_85, %dma_start3A_86, %dma_start3A_93] : memref<2x32x50xi32, #tpu.memory_space<vmem>> -> memref<1x1x50xi32, #tpu.memory_space<vmem>>
      %dma_start3A_95 = tpu.memref_squeeze %dma_start3A_94 : memref<1x1x50xi32, #tpu.memory_space<vmem>> -> memref<50xi32, #tpu.memory_space<vmem>>
      %dma_start3A_96 = arith.constant 0 : i32
      %dma_start3A_97 = arith.constant 0 : i32
      %dma_start3A_98 = tpu.memref_slice %arg2[%dma_start3A_96, %dma_start3A_97] : memref<1000000x32xf32, #tpu.memory_space<hbm>> -> memref<1000000x32xf32, #tpu.memory_space<hbm>>
      tpu.enqueue_indirect_dma source(%dma_start3A_98 : memref<1000000x32xf32, #tpu.memory_space<hbm>>) target(%dma_start3A_92 : memref<50x32xf32, #tpu.memory_space<vmem>>) offsets(%dma_start3A_95 : memref<50xi32, #tpu.memory_space<vmem>>) semaphore(%arg7 : memref<!tpu.dma_semaphore, #tpu.memory_space<semaphore_mem>>)
      %dma_start3A_99 = arith.constant 0 : i32
      %dma_start3A_100 = arith.constant 6 : i32
      %dma_start3A_101 = arith.constant 0 : i32
      %dma_start3A_102 = arith.constant 6 : i32
      %dma_start3A_103 = arith.constant 0 : i32
      %dma_start3A_104 = arith.constant 0 : i32
      %dma_start3A_105 = tpu.memref_slice %arg6[%dma_start3A_101, %dma_start3A_102, %dma_start3A_103, %dma_start3A_104] : memref<2x32x50x32xf32, #tpu.memory_space<vmem>> -> memref<1x1x50x32xf32, #tpu.memory_space<vmem>>
      %dma_start3A_106 = tpu.memref_squeeze %dma_start3A_105 : memref<1x1x50x32xf32, #tpu.memory_space<vmem>> -> memref<50x32xf32, #tpu.memory_space<vmem>>
      %dma_start3A_107 = arith.constant 0 : i32
      %dma_start3A_108 = tpu.memref_slice %arg5[%dma_start3A_99, %dma_start3A_100, %dma_start3A_107] : memref<2x32x50xi32, #tpu.memory_space<vmem>> -> memref<1x1x50xi32, #tpu.memory_space<vmem>>
      %dma_start3A_109 = tpu.memref_squeeze %dma_start3A_108 : memref<1x1x50xi32, #tpu.memory_space<vmem>> -> memref<50xi32, #tpu.memory_space<vmem>>
      %dma_start3A_110 = arith.constant 0 : i32
      %dma_start3A_111 = arith.constant 0 : i32
      %dma_start3A_112 = tpu.memref_slice %arg2[%dma_start3A_110, %dma_start3A_111] : memref<1000000x32xf32, #tpu.memory_space<hbm>> -> memref<1000000x32xf32, #tpu.memory_space<hbm>>
      tpu.enqueue_indirect_dma source(%dma_start3A_112 : memref<1000000x32xf32, #tpu.memory_space<hbm>>) target(%dma_start3A_106 : memref<50x32xf32, #tpu.memory_space<vmem>>) offsets(%dma_start3A_109 : memref<50xi32, #tpu.memory_space<vmem>>) semaphore(%arg7 : memref<!tpu.dma_semaphore, #tpu.memory_space<semaphore_mem>>)
      %dma_start3A_113 = arith.constant 0 : i32
      %dma_start3A_114 = arith.constant 7 : i32
      %dma_start3A_115 = arith.constant 0 : i32
      %dma_start3A_116 = arith.constant 7 : i32
      %dma_start3A_117 = arith.constant 0 : i32
      %dma_start3A_118 = arith.constant 0 : i32
      %dma_start3A_119 = tpu.memref_slice %arg6[%dma_start3A_115, %dma_start3A_116, %dma_start3A_117, %dma_start3A_118] : memref<2x32x50x32xf32, #tpu.memory_space<vmem>> -> memref<1x1x50x32xf32, #tpu.memory_space<vmem>>
      %dma_start3A_120 = tpu.memref_squeeze %dma_start3A_119 : memref<1x1x50x32xf32, #tpu.memory_space<vmem>> -> memref<50x32xf32, #tpu.memory_space<vmem>>
      %dma_start3A_121 = arith.constant 0 : i32
      %dma_start3A_122 = tpu.memref_slice %arg5[%dma_start3A_113, %dma_start3A_114, %dma_start3A_121] : memref<2x32x50xi32, #tpu.memory_space<vmem>> -> memref<1x1x50xi32, #tpu.memory_space<vmem>>
      %dma_start3A_123 = tpu.memref_squeeze %dma_start3A_122 : memref<1x1x50xi32, #tpu.memory_space<vmem>> -> memref<50xi32, #tpu.memory_space<vmem>>
      %dma_start3A_124 = arith.constant 0 : i32
      %dma_start3A_125 = arith.constant 0 : i32
      %dma_start3A_126 = tpu.memref_slice %arg2[%dma_start3A_124, %dma_start3A_125] : memref<1000000x32xf32, #tpu.memory_space<hbm>> -> memref<1000000x32xf32, #tpu.memory_space<hbm>>
      tpu.enqueue_indirect_dma source(%dma_start3A_126 : memref<1000000x32xf32, #tpu.memory_space<hbm>>) target(%dma_start3A_120 : memref<50x32xf32, #tpu.memory_space<vmem>>) offsets(%dma_start3A_123 : memref<50xi32, #tpu.memory_space<vmem>>) semaphore(%arg7 : memref<!tpu.dma_semaphore, #tpu.memory_space<semaphore_mem>>)
      %dma_start3A_127 = arith.constant 0 : i32
      %dma_start3A_128 = arith.constant 8 : i32
      %dma_start3A_129 = arith.constant 0 : i32
      %dma_start3A_130 = arith.constant 8 : i32
      %dma_start3A_131 = arith.constant 0 : i32
      %dma_start3A_132 = arith.constant 0 : i32
      %dma_start3A_133 = tpu.memref_slice %arg6[%dma_start3A_129, %dma_start3A_130, %dma_start3A_131, %dma_start3A_132] : memref<2x32x50x32xf32, #tpu.memory_space<vmem>> -> memref<1x1x50x32xf32, #tpu.memory_space<vmem>>
      %dma_start3A_134 = tpu.memref_squeeze %dma_start3A_133 : memref<1x1x50x32xf32, #tpu.memory_space<vmem>> -> memref<50x32xf32, #tpu.memory_space<vmem>>
      %dma_start3A_135 = arith.constant 0 : i32
      %dma_start3A_136 = tpu.memref_slice %arg5[%dma_start3A_127, %dma_start3A_128, %dma_start3A_135] : memref<2x32x50xi32, #tpu.memory_space<vmem>> -> memref<1x1x50xi32, #tpu.memory_space<vmem>>
      %dma_start3A_137 = tpu.memref_squeeze %dma_start3A_136 : memref<1x1x50xi32, #tpu.memory_space<vmem>> -> memref<50xi32, #tpu.memory_space<vmem>>
      %dma_start3A_138 = arith.constant 0 : i32
      %dma_start3A_139 = arith.constant 0 : i32
      %dma_start3A_140 = tpu.memref_slice %arg2[%dma_start3A_138, %dma_start3A_139] : memref<1000000x32xf32, #tpu.memory_space<hbm>> -> memref<1000000x32xf32, #tpu.memory_space<hbm>>
      tpu.enqueue_indirect_dma source(%dma_start3A_140 : memref<1000000x32xf32, #tpu.memory_space<hbm>>) target(%dma_start3A_134 : memref<50x32xf32, #tpu.memory_space<vmem>>) offsets(%dma_start3A_137 : memref<50xi32, #tpu.memory_space<vmem>>) semaphore(%arg7 : memref<!tpu.dma_semaphore, #tpu.memory_space<semaphore_mem>>)
      %dma_start3A_141 = arith.constant 0 : i32
      %dma_start3A_142 = arith.constant 9 : i32
      %dma_start3A_143 = arith.constant 0 : i32
      %dma_start3A_144 = arith.constant 9 : i32
      %dma_start3A_145 = arith.constant 0 : i32
      %dma_start3A_146 = arith.constant 0 : i32
      %dma_start3A_147 = tpu.memref_slice %arg6[%dma_start3A_143, %dma_start3A_144, %dma_start3A_145, %dma_start3A_146] : memref<2x32x50x32xf32, #tpu.memory_space<vmem>> -> memref<1x1x50x32xf32, #tpu.memory_space<vmem>>
      %dma_start3A_148 = tpu.memref_squeeze %dma_start3A_147 : memref<1x1x50x32xf32, #tpu.memory_space<vmem>> -> memref<50x32xf32, #tpu.memory_space<vmem>>
      %dma_start3A_149 = arith.constant 0 : i32
      %dma_start3A_150 = tpu.memref_slice %arg5[%dma_start3A_141, %dma_start3A_142, %dma_start3A_149] : memref<2x32x50xi32, #tpu.memory_space<vmem>> -> memref<1x1x50xi32, #tpu.memory_space<vmem>>
      %dma_start3A_151 = tpu.memref_squeeze %dma_start3A_150 : memref<1x1x50xi32, #tpu.memory_space<vmem>> -> memref<50xi32, #tpu.memory_space<vmem>>
      %dma_start3A_152 = arith.constant 0 : i32
      %dma_start3A_153 = arith.constant 0 : i32
      %dma_start3A_154 = tpu.memref_slice %arg2[%dma_start3A_152, %dma_start3A_153] : memref<1000000x32xf32, #tpu.memory_space<hbm>> -> memref<1000000x32xf32, #tpu.memory_space<hbm>>
      tpu.enqueue_indirect_dma source(%dma_start3A_154 : memref<1000000x32xf32, #tpu.memory_space<hbm>>) target(%dma_start3A_148 : memref<50x32xf32, #tpu.memory_space<vmem>>) offsets(%dma_start3A_151 : memref<50xi32, #tpu.memory_space<vmem>>) semaphore(%arg7 : memref<!tpu.dma_semaphore, #tpu.memory_space<semaphore_mem>>)
      %dma_start3A_155 = arith.constant 0 : i32
      %dma_start3A_156 = arith.constant 10 : i32
      %dma_start3A_157 = arith.constant 0 : i32
      %dma_start3A_158 = arith.constant 10 : i32
      %dma_start3A_159 = arith.constant 0 : i32
      %dma_start3A_160 = arith.constant 0 : i32
      %dma_start3A_161 = tpu.memref_slice %arg6[%dma_start3A_157, %dma_start3A_158, %dma_start3A_159, %dma_start3A_160] : memref<2x32x50x32xf32, #tpu.memory_space<vmem>> -> memref<1x1x50x32xf32, #tpu.memory_space<vmem>>
      %dma_start3A_162 = tpu.memref_squeeze %dma_start3A_161 : memref<1x1x50x32xf32, #tpu.memory_space<vmem>> -> memref<50x32xf32, #tpu.memory_space<vmem>>
      %dma_start3A_163 = arith.constant 0 : i32
      %dma_start3A_164 = tpu.memref_slice %arg5[%dma_start3A_155, %dma_start3A_156, %dma_start3A_163] : memref<2x32x50xi32, #tpu.memory_space<vmem>> -> memref<1x1x50xi32, #tpu.memory_space<vmem>>
      %dma_start3A_165 = tpu.memref_squeeze %dma_start3A_164 : memref<1x1x50xi32, #tpu.memory_space<vmem>> -> memref<50xi32, #tpu.memory_space<vmem>>
      %dma_start3A_166 = arith.constant 0 : i32
      %dma_start3A_167 = arith.constant 0 : i32
      %dma_start3A_168 = tpu.memref_slice %arg2[%dma_start3A_166, %dma_start3A_167] : memref<1000000x32xf32, #tpu.memory_space<hbm>> -> memref<1000000x32xf32, #tpu.memory_space<hbm>>
      tpu.enqueue_indirect_dma source(%dma_start3A_168 : memref<1000000x32xf32, #tpu.memory_space<hbm>>) target(%dma_start3A_162 : memref<50x32xf32, #tpu.memory_space<vmem>>) offsets(%dma_start3A_165 : memref<50xi32, #tpu.memory_space<vmem>>) semaphore(%arg7 : memref<!tpu.dma_semaphore, #tpu.memory_space<semaphore_mem>>)
      %dma_start3A_169 = arith.constant 0 : i32
      %dma_start3A_170 = arith.constant 11 : i32
      %dma_start3A_171 = arith.constant 0 : i32
      %dma_start3A_172 = arith.constant 11 : i32
      %dma_start3A_173 = arith.constant 0 : i32
      %dma_start3A_174 = arith.constant 0 : i32
      %dma_start3A_175 = tpu.memref_slice %arg6[%dma_start3A_171, %dma_start3A_172, %dma_start3A_173, %dma_start3A_174] : memref<2x32x50x32xf32, #tpu.memory_space<vmem>> -> memref<1x1x50x32xf32, #tpu.memory_space<vmem>>
      %dma_start3A_176 = tpu.memref_squeeze %dma_start3A_175 : memref<1x1x50x32xf32, #tpu.memory_space<vmem>> -> memref<50x32xf32, #tpu.memory_space<vmem>>
      %dma_start3A_177 = arith.constant 0 : i32
      %dma_start3A_178 = tpu.memref_slice %arg5[%dma_start3A_169, %dma_start3A_170, %dma_start3A_177] : memref<2x32x50xi32, #tpu.memory_space<vmem>> -> memref<1x1x50xi32, #tpu.memory_space<vmem>>
      %dma_start3A_179 = tpu.memref_squeeze %dma_start3A_178 : memref<1x1x50xi32, #tpu.memory_space<vmem>> -> memref<50xi32, #tpu.memory_space<vmem>>
      %dma_start3A_180 = arith.constant 0 : i32
      %dma_start3A_181 = arith.constant 0 : i32
      %dma_start3A_182 = tpu.memref_slice %arg2[%dma_start3A_180, %dma_start3A_181] : memref<1000000x32xf32, #tpu.memory_space<hbm>> -> memref<1000000x32xf32, #tpu.memory_space<hbm>>
      tpu.enqueue_indirect_dma source(%dma_start3A_182 : memref<1000000x32xf32, #tpu.memory_space<hbm>>) target(%dma_start3A_176 : memref<50x32xf32, #tpu.memory_space<vmem>>) offsets(%dma_start3A_179 : memref<50xi32, #tpu.memory_space<vmem>>) semaphore(%arg7 : memref<!tpu.dma_semaphore, #tpu.memory_space<semaphore_mem>>)
      %dma_start3A_183 = arith.constant 0 : i32
      %dma_start3A_184 = arith.constant 12 : i32
      %dma_start3A_185 = arith.constant 0 : i32
      %dma_start3A_186 = arith.constant 12 : i32
      %dma_start3A_187 = arith.constant 0 : i32
      %dma_start3A_188 = arith.constant 0 : i32
      %dma_start3A_189 = tpu.memref_slice %arg6[%dma_start3A_185, %dma_start3A_186, %dma_start3A_187, %dma_start3A_188] : memref<2x32x50x32xf32, #tpu.memory_space<vmem>> -> memref<1x1x50x32xf32, #tpu.memory_space<vmem>>
      %dma_start3A_190 = tpu.memref_squeeze %dma_start3A_189 : memref<1x1x50x32xf32, #tpu.memory_space<vmem>> -> memref<50x32xf32, #tpu.memory_space<vmem>>
      %dma_start3A_191 = arith.constant 0 : i32
      %dma_start3A_192 = tpu.memref_slice %arg5[%dma_start3A_183, %dma_start3A_184, %dma_start3A_191] : memref<2x32x50xi32, #tpu.memory_space<vmem>> -> memref<1x1x50xi32, #tpu.memory_space<vmem>>
      %dma_start3A_193 = tpu.memref_squeeze %dma_start3A_192 : memref<1x1x50xi32, #tpu.memory_space<vmem>> -> memref<50xi32, #tpu.memory_space<vmem>>
      %dma_start3A_194 = arith.constant 0 : i32
      %dma_start3A_195 = arith.constant 0 : i32
      %dma_start3A_196 = tpu.memref_slice %arg2[%dma_start3A_194, %dma_start3A_195] : memref<1000000x32xf32, #tpu.memory_space<hbm>> -> memref<1000000x32xf32, #tpu.memory_space<hbm>>
      tpu.enqueue_indirect_dma source(%dma_start3A_196 : memref<1000000x32xf32, #tpu.memory_space<hbm>>) target(%dma_start3A_190 : memref<50x32xf32, #tpu.memory_space<vmem>>) offsets(%dma_start3A_193 : memref<50xi32, #tpu.memory_space<vmem>>) semaphore(%arg7 : memref<!tpu.dma_semaphore, #tpu.memory_space<semaphore_mem>>)
      %dma_start3A_197 = arith.constant 0 : i32
      %dma_start3A_198 = arith.constant 13 : i32
      %dma_start3A_199 = arith.constant 0 : i32
      %dma_start3A_200 = arith.constant 13 : i32
      %dma_start3A_201 = arith.constant 0 : i32
      %dma_start3A_202 = arith.constant 0 : i32
      %dma_start3A_203 = tpu.memref_slice %arg6[%dma_start3A_199, %dma_start3A_200, %dma_start3A_201, %dma_start3A_202] : memref<2x32x50x32xf32, #tpu.memory_space<vmem>> -> memref<1x1x50x32xf32, #tpu.memory_space<vmem>>
      %dma_start3A_204 = tpu.memref_squeeze %dma_start3A_203 : memref<1x1x50x32xf32, #tpu.memory_space<vmem>> -> memref<50x32xf32, #tpu.memory_space<vmem>>
      %dma_start3A_205 = arith.constant 0 : i32
      %dma_start3A_206 = tpu.memref_slice %arg5[%dma_start3A_197, %dma_start3A_198, %dma_start3A_205] : memref<2x32x50xi32, #tpu.memory_space<vmem>> -> memref<1x1x50xi32, #tpu.memory_space<vmem>>
      %dma_start3A_207 = tpu.memref_squeeze %dma_start3A_206 : memref<1x1x50xi32, #tpu.memory_space<vmem>> -> memref<50xi32, #tpu.memory_space<vmem>>
      %dma_start3A_208 = arith.constant 0 : i32
      %dma_start3A_209 = arith.constant 0 : i32
      %dma_start3A_210 = tpu.memref_slice %arg2[%dma_start3A_208, %dma_start3A_209] : memref<1000000x32xf32, #tpu.memory_space<hbm>> -> memref<1000000x32xf32, #tpu.memory_space<hbm>>
      tpu.enqueue_indirect_dma source(%dma_start3A_210 : memref<1000000x32xf32, #tpu.memory_space<hbm>>) target(%dma_start3A_204 : memref<50x32xf32, #tpu.memory_space<vmem>>) offsets(%dma_start3A_207 : memref<50xi32, #tpu.memory_space<vmem>>) semaphore(%arg7 : memref<!tpu.dma_semaphore, #tpu.memory_space<semaphore_mem>>)
      %dma_start3A_211 = arith.constant 0 : i32
      %dma_start3A_212 = arith.constant 14 : i32
      %dma_start3A_213 = arith.constant 0 : i32
      %dma_start3A_214 = arith.constant 14 : i32
      %dma_start3A_215 = arith.constant 0 : i32
      %dma_start3A_216 = arith.constant 0 : i32
      %dma_start3A_217 = tpu.memref_slice %arg6[%dma_start3A_213, %dma_start3A_214, %dma_start3A_215, %dma_start3A_216] : memref<2x32x50x32xf32, #tpu.memory_space<vmem>> -> memref<1x1x50x32xf32, #tpu.memory_space<vmem>>
      %dma_start3A_218 = tpu.memref_squeeze %dma_start3A_217 : memref<1x1x50x32xf32, #tpu.memory_space<vmem>> -> memref<50x32xf32, #tpu.memory_space<vmem>>
      %dma_start3A_219 = arith.constant 0 : i32
      %dma_start3A_220 = tpu.memref_slice %arg5[%dma_start3A_211, %dma_start3A_212, %dma_start3A_219] : memref<2x32x50xi32, #tpu.memory_space<vmem>> -> memref<1x1x50xi32, #tpu.memory_space<vmem>>
      %dma_start3A_221 = tpu.memref_squeeze %dma_start3A_220 : memref<1x1x50xi32, #tpu.memory_space<vmem>> -> memref<50xi32, #tpu.memory_space<vmem>>
      %dma_start3A_222 = arith.constant 0 : i32
      %dma_start3A_223 = arith.constant 0 : i32
      %dma_start3A_224 = tpu.memref_slice %arg2[%dma_start3A_222, %dma_start3A_223] : memref<1000000x32xf32, #tpu.memory_space<hbm>> -> memref<1000000x32xf32, #tpu.memory_space<hbm>>
      tpu.enqueue_indirect_dma source(%dma_start3A_224 : memref<1000000x32xf32, #tpu.memory_space<hbm>>) target(%dma_start3A_218 : memref<50x32xf32, #tpu.memory_space<vmem>>) offsets(%dma_start3A_221 : memref<50xi32, #tpu.memory_space<vmem>>) semaphore(%arg7 : memref<!tpu.dma_semaphore, #tpu.memory_space<semaphore_mem>>)
      %dma_start3A_225 = arith.constant 0 : i32
      %dma_start3A_226 = arith.constant 15 : i32
      %dma_start3A_227 = arith.constant 0 : i32
      %dma_start3A_228 = arith.constant 15 : i32
      %dma_start3A_229 = arith.constant 0 : i32
      %dma_start3A_230 = arith.constant 0 : i32
      %dma_start3A_231 = tpu.memref_slice %arg6[%dma_start3A_227, %dma_start3A_228, %dma_start3A_229, %dma_start3A_230] : memref<2x32x50x32xf32, #tpu.memory_space<vmem>> -> memref<1x1x50x32xf32, #tpu.memory_space<vmem>>
      %dma_start3A_232 = tpu.memref_squeeze %dma_start3A_231 : memref<1x1x50x32xf32, #tpu.memory_space<vmem>> -> memref<50x32xf32, #tpu.memory_space<vmem>>
      %dma_start3A_233 = arith.constant 0 : i32
      %dma_start3A_234 = tpu.memref_slice %arg5[%dma_start3A_225, %dma_start3A_226, %dma_start3A_233] : memref<2x32x50xi32, #tpu.memory_space<vmem>> -> memref<1x1x50xi32, #tpu.memory_space<vmem>>
      %dma_start3A_235 = tpu.memref_squeeze %dma_start3A_234 : memref<1x1x50xi32, #tpu.memory_space<vmem>> -> memref<50xi32, #tpu.memory_space<vmem>>
      %dma_start3A_236 = arith.constant 0 : i32
      %dma_start3A_237 = arith.constant 0 : i32
      %dma_start3A_238 = tpu.memref_slice %arg2[%dma_start3A_236, %dma_start3A_237] : memref<1000000x32xf32, #tpu.memory_space<hbm>> -> memref<1000000x32xf32, #tpu.memory_space<hbm>>
      tpu.enqueue_indirect_dma source(%dma_start3A_238 : memref<1000000x32xf32, #tpu.memory_space<hbm>>) target(%dma_start3A_232 : memref<50x32xf32, #tpu.memory_space<vmem>>) offsets(%dma_start3A_235 : memref<50xi32, #tpu.memory_space<vmem>>) semaphore(%arg7 : memref<!tpu.dma_semaphore, #tpu.memory_space<semaphore_mem>>)
      %dma_start3A_239 = arith.constant 0 : i32
      %dma_start3A_240 = arith.constant 16 : i32
      %dma_start3A_241 = arith.constant 0 : i32
      %dma_start3A_242 = arith.constant 16 : i32
      %dma_start3A_243 = arith.constant 0 : i32
      %dma_start3A_244 = arith.constant 0 : i32
      %dma_start3A_245 = tpu.memref_slice %arg6[%dma_start3A_241, %dma_start3A_242, %dma_start3A_243, %dma_start3A_244] : memref<2x32x50x32xf32, #tpu.memory_space<vmem>> -> memref<1x1x50x32xf32, #tpu.memory_space<vmem>>
      %dma_start3A_246 = tpu.memref_squeeze %dma_start3A_245 : memref<1x1x50x32xf32, #tpu.memory_space<vmem>> -> memref<50x32xf32, #tpu.memory_space<vmem>>
      %dma_start3A_247 = arith.constant 0 : i32
      %dma_start3A_248 = tpu.memref_slice %arg5[%dma_start3A_239, %dma_start3A_240, %dma_start3A_247] : memref<2x32x50xi32, #tpu.memory_space<vmem>> -> memref<1x1x50xi32, #tpu.memory_space<vmem>>
      %dma_start3A_249 = tpu.memref_squeeze %dma_start3A_248 : memref<1x1x50xi32, #tpu.memory_space<vmem>> -> memref<50xi32, #tpu.memory_space<vmem>>
      %dma_start3A_250 = arith.constant 0 : i32
      %dma_start3A_251 = arith.constant 0 : i32
      %dma_start3A_252 = tpu.memref_slice %arg2[%dma_start3A_250, %dma_start3A_251] : memref<1000000x32xf32, #tpu.memory_space<hbm>> -> memref<1000000x32xf32, #tpu.memory_space<hbm>>
      tpu.enqueue_indirect_dma source(%dma_start3A_252 : memref<1000000x32xf32, #tpu.memory_space<hbm>>) target(%dma_start3A_246 : memref<50x32xf32, #tpu.memory_space<vmem>>) offsets(%dma_start3A_249 : memref<50xi32, #tpu.memory_space<vmem>>) semaphore(%arg7 : memref<!tpu.dma_semaphore, #tpu.memory_space<semaphore_mem>>)
      %dma_start3A_253 = arith.constant 0 : i32
      %dma_start3A_254 = arith.constant 17 : i32
      %dma_start3A_255 = arith.constant 0 : i32
      %dma_start3A_256 = arith.constant 17 : i32
      %dma_start3A_257 = arith.constant 0 : i32
      %dma_start3A_258 = arith.constant 0 : i32
      %dma_start3A_259 = tpu.memref_slice %arg6[%dma_start3A_255, %dma_start3A_256, %dma_start3A_257, %dma_start3A_258] : memref<2x32x50x32xf32, #tpu.memory_space<vmem>> -> memref<1x1x50x32xf32, #tpu.memory_space<vmem>>
      %dma_start3A_260 = tpu.memref_squeeze %dma_start3A_259 : memref<1x1x50x32xf32, #tpu.memory_space<vmem>> -> memref<50x32xf32, #tpu.memory_space<vmem>>
      %dma_start3A_261 = arith.constant 0 : i32
      %dma_start3A_262 = tpu.memref_slice %arg5[%dma_start3A_253, %dma_start3A_254, %dma_start3A_261] : memref<2x32x50xi32, #tpu.memory_space<vmem>> -> memref<1x1x50xi32, #tpu.memory_space<vmem>>
      %dma_start3A_263 = tpu.memref_squeeze %dma_start3A_262 : memref<1x1x50xi32, #tpu.memory_space<vmem>> -> memref<50xi32, #tpu.memory_space<vmem>>
      %dma_start3A_264 = arith.constant 0 : i32
      %dma_start3A_265 = arith.constant 0 : i32
      %dma_start3A_266 = tpu.memref_slice %arg2[%dma_start3A_264, %dma_start3A_265] : memref<1000000x32xf32, #tpu.memory_space<hbm>> -> memref<1000000x32xf32, #tpu.memory_space<hbm>>
      tpu.enqueue_indirect_dma source(%dma_start3A_266 : memref<1000000x32xf32, #tpu.memory_space<hbm>>) target(%dma_start3A_260 : memref<50x32xf32, #tpu.memory_space<vmem>>) offsets(%dma_start3A_263 : memref<50xi32, #tpu.memory_space<vmem>>) semaphore(%arg7 : memref<!tpu.dma_semaphore, #tpu.memory_space<semaphore_mem>>)
      %dma_start3A_267 = arith.constant 0 : i32
      %dma_start3A_268 = arith.constant 18 : i32
      %dma_start3A_269 = arith.constant 0 : i32
      %dma_start3A_270 = arith.constant 18 : i32
      %dma_start3A_271 = arith.constant 0 : i32
      %dma_start3A_272 = arith.constant 0 : i32
      %dma_start3A_273 = tpu.memref_slice %arg6[%dma_start3A_269, %dma_start3A_270, %dma_start3A_271, %dma_start3A_272] : memref<2x32x50x32xf32, #tpu.memory_space<vmem>> -> memref<1x1x50x32xf32, #tpu.memory_space<vmem>>
      %dma_start3A_274 = tpu.memref_squeeze %dma_start3A_273 : memref<1x1x50x32xf32, #tpu.memory_space<vmem>> -> memref<50x32xf32, #tpu.memory_space<vmem>>
      %dma_start3A_275 = arith.constant 0 : i32
      %dma_start3A_276 = tpu.memref_slice %arg5[%dma_start3A_267, %dma_start3A_268, %dma_start3A_275] : memref<2x32x50xi32, #tpu.memory_space<vmem>> -> memref<1x1x50xi32, #tpu.memory_space<vmem>>
      %dma_start3A_277 = tpu.memref_squeeze %dma_start3A_276 : memref<1x1x50xi32, #tpu.memory_space<vmem>> -> memref<50xi32, #tpu.memory_space<vmem>>
      %dma_start3A_278 = arith.constant 0 : i32
      %dma_start3A_279 = arith.constant 0 : i32
      %dma_start3A_280 = tpu.memref_slice %arg2[%dma_start3A_278, %dma_start3A_279] : memref<1000000x32xf32, #tpu.memory_space<hbm>> -> memref<1000000x32xf32, #tpu.memory_space<hbm>>
      tpu.enqueue_indirect_dma source(%dma_start3A_280 : memref<1000000x32xf32, #tpu.memory_space<hbm>>) target(%dma_start3A_274 : memref<50x32xf32, #tpu.memory_space<vmem>>) offsets(%dma_start3A_277 : memref<50xi32, #tpu.memory_space<vmem>>) semaphore(%arg7 : memref<!tpu.dma_semaphore, #tpu.memory_space<semaphore_mem>>)
      %dma_start3A_281 = arith.constant 0 : i32
      %dma_start3A_282 = arith.constant 19 : i32
      %dma_start3A_283 = arith.constant 0 : i32
      %dma_start3A_284 = arith.constant 19 : i32
      %dma_start3A_285 = arith.constant 0 : i32
      %dma_start3A_286 = arith.constant 0 : i32
      %dma_start3A_287 = tpu.memref_slice %arg6[%dma_start3A_283, %dma_start3A_284, %dma_start3A_285, %dma_start3A_286] : memref<2x32x50x32xf32, #tpu.memory_space<vmem>> -> memref<1x1x50x32xf32, #tpu.memory_space<vmem>>
      %dma_start3A_288 = tpu.memref_squeeze %dma_start3A_287 : memref<1x1x50x32xf32, #tpu.memory_space<vmem>> -> memref<50x32xf32, #tpu.memory_space<vmem>>
      %dma_start3A_289 = arith.constant 0 : i32
      %dma_start3A_290 = tpu.memref_slice %arg5[%dma_start3A_281, %dma_start3A_282, %dma_start3A_289] : memref<2x32x50xi32, #tpu.memory_space<vmem>> -> memref<1x1x50xi32, #tpu.memory_space<vmem>>
      %dma_start3A_291 = tpu.memref_squeeze %dma_start3A_290 : memref<1x1x50xi32, #tpu.memory_space<vmem>> -> memref<50xi32, #tpu.memory_space<vmem>>
      %dma_start3A_292 = arith.constant 0 : i32
      %dma_start3A_293 = arith.constant 0 : i32
      %dma_start3A_294 = tpu.memref_slice %arg2[%dma_start3A_292, %dma_start3A_293] : memref<1000000x32xf32, #tpu.memory_space<hbm>> -> memref<1000000x32xf32, #tpu.memory_space<hbm>>
      tpu.enqueue_indirect_dma source(%dma_start3A_294 : memref<1000000x32xf32, #tpu.memory_space<hbm>>) target(%dma_start3A_288 : memref<50x32xf32, #tpu.memory_space<vmem>>) offsets(%dma_start3A_291 : memref<50xi32, #tpu.memory_space<vmem>>) semaphore(%arg7 : memref<!tpu.dma_semaphore, #tpu.memory_space<semaphore_mem>>)
      %dma_start3A_295 = arith.constant 0 : i32
      %dma_start3A_296 = arith.constant 20 : i32
      %dma_start3A_297 = arith.constant 0 : i32
      %dma_start3A_298 = arith.constant 20 : i32
      %dma_start3A_299 = arith.constant 0 : i32
      %dma_start3A_300 = arith.constant 0 : i32
      %dma_start3A_301 = tpu.memref_slice %arg6[%dma_start3A_297, %dma_start3A_298, %dma_start3A_299, %dma_start3A_300] : memref<2x32x50x32xf32, #tpu.memory_space<vmem>> -> memref<1x1x50x32xf32, #tpu.memory_space<vmem>>
      %dma_start3A_302 = tpu.memref_squeeze %dma_start3A_301 : memref<1x1x50x32xf32, #tpu.memory_space<vmem>> -> memref<50x32xf32, #tpu.memory_space<vmem>>
      %dma_start3A_303 = arith.constant 0 : i32
      %dma_start3A_304 = tpu.memref_slice %arg5[%dma_start3A_295, %dma_start3A_296, %dma_start3A_303] : memref<2x32x50xi32, #tpu.memory_space<vmem>> -> memref<1x1x50xi32, #tpu.memory_space<vmem>>
      %dma_start3A_305 = tpu.memref_squeeze %dma_start3A_304 : memref<1x1x50xi32, #tpu.memory_space<vmem>> -> memref<50xi32, #tpu.memory_space<vmem>>
      %dma_start3A_306 = arith.constant 0 : i32
      %dma_start3A_307 = arith.constant 0 : i32
      %dma_start3A_308 = tpu.memref_slice %arg2[%dma_start3A_306, %dma_start3A_307] : memref<1000000x32xf32, #tpu.memory_space<hbm>> -> memref<1000000x32xf32, #tpu.memory_space<hbm>>
      tpu.enqueue_indirect_dma source(%dma_start3A_308 : memref<1000000x32xf32, #tpu.memory_space<hbm>>) target(%dma_start3A_302 : memref<50x32xf32, #tpu.memory_space<vmem>>) offsets(%dma_start3A_305 : memref<50xi32, #tpu.memory_space<vmem>>) semaphore(%arg7 : memref<!tpu.dma_semaphore, #tpu.memory_space<semaphore_mem>>)
      %dma_start3A_309 = arith.constant 0 : i32
      %dma_start3A_310 = arith.constant 21 : i32
      %dma_start3A_311 = arith.constant 0 : i32
      %dma_start3A_312 = arith.constant 21 : i32
      %dma_start3A_313 = arith.constant 0 : i32
      %dma_start3A_314 = arith.constant 0 : i32
      %dma_start3A_315 = tpu.memref_slice %arg6[%dma_start3A_311, %dma_start3A_312, %dma_start3A_313, %dma_start3A_314] : memref<2x32x50x32xf32, #tpu.memory_space<vmem>> -> memref<1x1x50x32xf32, #tpu.memory_space<vmem>>
      %dma_start3A_316 = tpu.memref_squeeze %dma_start3A_315 : memref<1x1x50x32xf32, #tpu.memory_space<vmem>> -> memref<50x32xf32, #tpu.memory_space<vmem>>
      %dma_start3A_317 = arith.constant 0 : i32
      %dma_start3A_318 = tpu.memref_slice %arg5[%dma_start3A_309, %dma_start3A_310, %dma_start3A_317] : memref<2x32x50xi32, #tpu.memory_space<vmem>> -> memref<1x1x50xi32, #tpu.memory_space<vmem>>
      %dma_start3A_319 = tpu.memref_squeeze %dma_start3A_318 : memref<1x1x50xi32, #tpu.memory_space<vmem>> -> memref<50xi32, #tpu.memory_space<vmem>>
      %dma_start3A_320 = arith.constant 0 : i32
      %dma_start3A_321 = arith.constant 0 : i32
      %dma_start3A_322 = tpu.memref_slice %arg2[%dma_start3A_320, %dma_start3A_321] : memref<1000000x32xf32, #tpu.memory_space<hbm>> -> memref<1000000x32xf32, #tpu.memory_space<hbm>>
      tpu.enqueue_indirect_dma source(%dma_start3A_322 : memref<1000000x32xf32, #tpu.memory_space<hbm>>) target(%dma_start3A_316 : memref<50x32xf32, #tpu.memory_space<vmem>>) offsets(%dma_start3A_319 : memref<50xi32, #tpu.memory_space<vmem>>) semaphore(%arg7 : memref<!tpu.dma_semaphore, #tpu.memory_space<semaphore_mem>>)
      %dma_start3A_323 = arith.constant 0 : i32
      %dma_start3A_324 = arith.constant 22 : i32
      %dma_start3A_325 = arith.constant 0 : i32
      %dma_start3A_326 = arith.constant 22 : i32
      %dma_start3A_327 = arith.constant 0 : i32
      %dma_start3A_328 = arith.constant 0 : i32
      %dma_start3A_329 = tpu.memref_slice %arg6[%dma_start3A_325, %dma_start3A_326, %dma_start3A_327, %dma_start3A_328] : memref<2x32x50x32xf32, #tpu.memory_space<vmem>> -> memref<1x1x50x32xf32, #tpu.memory_space<vmem>>
      %dma_start3A_330 = tpu.memref_squeeze %dma_start3A_329 : memref<1x1x50x32xf32, #tpu.memory_space<vmem>> -> memref<50x32xf32, #tpu.memory_space<vmem>>
      %dma_start3A_331 = arith.constant 0 : i32
      %dma_start3A_332 = tpu.memref_slice %arg5[%dma_start3A_323, %dma_start3A_324, %dma_start3A_331] : memref<2x32x50xi32, #tpu.memory_space<vmem>> -> memref<1x1x50xi32, #tpu.memory_space<vmem>>
      %dma_start3A_333 = tpu.memref_squeeze %dma_start3A_332 : memref<1x1x50xi32, #tpu.memory_space<vmem>> -> memref<50xi32, #tpu.memory_space<vmem>>
      %dma_start3A_334 = arith.constant 0 : i32
      %dma_start3A_335 = arith.constant 0 : i32
      %dma_start3A_336 = tpu.memref_slice %arg2[%dma_start3A_334, %dma_start3A_335] : memref<1000000x32xf32, #tpu.memory_space<hbm>> -> memref<1000000x32xf32, #tpu.memory_space<hbm>>
      tpu.enqueue_indirect_dma source(%dma_start3A_336 : memref<1000000x32xf32, #tpu.memory_space<hbm>>) target(%dma_start3A_330 : memref<50x32xf32, #tpu.memory_space<vmem>>) offsets(%dma_start3A_333 : memref<50xi32, #tpu.memory_space<vmem>>) semaphore(%arg7 : memref<!tpu.dma_semaphore, #tpu.memory_space<semaphore_mem>>)
      %dma_start3A_337 = arith.constant 0 : i32
      %dma_start3A_338 = arith.constant 23 : i32
      %dma_start3A_339 = arith.constant 0 : i32
      %dma_start3A_340 = arith.constant 23 : i32
      %dma_start3A_341 = arith.constant 0 : i32
      %dma_start3A_342 = arith.constant 0 : i32
      %dma_start3A_343 = tpu.memref_slice %arg6[%dma_start3A_339, %dma_start3A_340, %dma_start3A_341, %dma_start3A_342] : memref<2x32x50x32xf32, #tpu.memory_space<vmem>> -> memref<1x1x50x32xf32, #tpu.memory_space<vmem>>
      %dma_start3A_344 = tpu.memref_squeeze %dma_start3A_343 : memref<1x1x50x32xf32, #tpu.memory_space<vmem>> -> memref<50x32xf32, #tpu.memory_space<vmem>>
      %dma_start3A_345 = arith.constant 0 : i32
      %dma_start3A_346 = tpu.memref_slice %arg5[%dma_start3A_337, %dma_start3A_338, %dma_start3A_345] : memref<2x32x50xi32, #tpu.memory_space<vmem>> -> memref<1x1x50xi32, #tpu.memory_space<vmem>>
      %dma_start3A_347 = tpu.memref_squeeze %dma_start3A_346 : memref<1x1x50xi32, #tpu.memory_space<vmem>> -> memref<50xi32, #tpu.memory_space<vmem>>
      %dma_start3A_348 = arith.constant 0 : i32
      %dma_start3A_349 = arith.constant 0 : i32
      %dma_start3A_350 = tpu.memref_slice %arg2[%dma_start3A_348, %dma_start3A_349] : memref<1000000x32xf32, #tpu.memory_space<hbm>> -> memref<1000000x32xf32, #tpu.memory_space<hbm>>
      tpu.enqueue_indirect_dma source(%dma_start3A_350 : memref<1000000x32xf32, #tpu.memory_space<hbm>>) target(%dma_start3A_344 : memref<50x32xf32, #tpu.memory_space<vmem>>) offsets(%dma_start3A_347 : memref<50xi32, #tpu.memory_space<vmem>>) semaphore(%arg7 : memref<!tpu.dma_semaphore, #tpu.memory_space<semaphore_mem>>)
      %dma_start3A_351 = arith.constant 0 : i32
      %dma_start3A_352 = arith.constant 24 : i32
      %dma_start3A_353 = arith.constant 0 : i32
      %dma_start3A_354 = arith.constant 24 : i32
      %dma_start3A_355 = arith.constant 0 : i32
      %dma_start3A_356 = arith.constant 0 : i32
      %dma_start3A_357 = tpu.memref_slice %arg6[%dma_start3A_353, %dma_start3A_354, %dma_start3A_355, %dma_start3A_356] : memref<2x32x50x32xf32, #tpu.memory_space<vmem>> -> memref<1x1x50x32xf32, #tpu.memory_space<vmem>>
      %dma_start3A_358 = tpu.memref_squeeze %dma_start3A_357 : memref<1x1x50x32xf32, #tpu.memory_space<vmem>> -> memref<50x32xf32, #tpu.memory_space<vmem>>
      %dma_start3A_359 = arith.constant 0 : i32
      %dma_start3A_360 = tpu.memref_slice %arg5[%dma_start3A_351, %dma_start3A_352, %dma_start3A_359] : memref<2x32x50xi32, #tpu.memory_space<vmem>> -> memref<1x1x50xi32, #tpu.memory_space<vmem>>
      %dma_start3A_361 = tpu.memref_squeeze %dma_start3A_360 : memref<1x1x50xi32, #tpu.memory_space<vmem>> -> memref<50xi32, #tpu.memory_space<vmem>>
      %dma_start3A_362 = arith.constant 0 : i32
      %dma_start3A_363 = arith.constant 0 : i32
      %dma_start3A_364 = tpu.memref_slice %arg2[%dma_start3A_362, %dma_start3A_363] : memref<1000000x32xf32, #tpu.memory_space<hbm>> -> memref<1000000x32xf32, #tpu.memory_space<hbm>>
      tpu.enqueue_indirect_dma source(%dma_start3A_364 : memref<1000000x32xf32, #tpu.memory_space<hbm>>) target(%dma_start3A_358 : memref<50x32xf32, #tpu.memory_space<vmem>>) offsets(%dma_start3A_361 : memref<50xi32, #tpu.memory_space<vmem>>) semaphore(%arg7 : memref<!tpu.dma_semaphore, #tpu.memory_space<semaphore_mem>>)
      %dma_start3A_365 = arith.constant 0 : i32
      %dma_start3A_366 = arith.constant 25 : i32
      %dma_start3A_367 = arith.constant 0 : i32
      %dma_start3A_368 = arith.constant 25 : i32
      %dma_start3A_369 = arith.constant 0 : i32
      %dma_start3A_370 = arith.constant 0 : i32
      %dma_start3A_371 = tpu.memref_slice %arg6[%dma_start3A_367, %dma_start3A_368, %dma_start3A_369, %dma_start3A_370] : memref<2x32x50x32xf32, #tpu.memory_space<vmem>> -> memref<1x1x50x32xf32, #tpu.memory_space<vmem>>
      %dma_start3A_372 = tpu.memref_squeeze %dma_start3A_371 : memref<1x1x50x32xf32, #tpu.memory_space<vmem>> -> memref<50x32xf32, #tpu.memory_space<vmem>>
      %dma_start3A_373 = arith.constant 0 : i32
      %dma_start3A_374 = tpu.memref_slice %arg5[%dma_start3A_365, %dma_start3A_366, %dma_start3A_373] : memref<2x32x50xi32, #tpu.memory_space<vmem>> -> memref<1x1x50xi32, #tpu.memory_space<vmem>>
      %dma_start3A_375 = tpu.memref_squeeze %dma_start3A_374 : memref<1x1x50xi32, #tpu.memory_space<vmem>> -> memref<50xi32, #tpu.memory_space<vmem>>
      %dma_start3A_376 = arith.constant 0 : i32
      %dma_start3A_377 = arith.constant 0 : i32
      %dma_start3A_378 = tpu.memref_slice %arg2[%dma_start3A_376, %dma_start3A_377] : memref<1000000x32xf32, #tpu.memory_space<hbm>> -> memref<1000000x32xf32, #tpu.memory_space<hbm>>
      tpu.enqueue_indirect_dma source(%dma_start3A_378 : memref<1000000x32xf32, #tpu.memory_space<hbm>>) target(%dma_start3A_372 : memref<50x32xf32, #tpu.memory_space<vmem>>) offsets(%dma_start3A_375 : memref<50xi32, #tpu.memory_space<vmem>>) semaphore(%arg7 : memref<!tpu.dma_semaphore, #tpu.memory_space<semaphore_mem>>)
      %dma_start3A_379 = arith.constant 0 : i32
      %dma_start3A_380 = arith.constant 26 : i32
      %dma_start3A_381 = arith.constant 0 : i32
      %dma_start3A_382 = arith.constant 26 : i32
      %dma_start3A_383 = arith.constant 0 : i32
      %dma_start3A_384 = arith.constant 0 : i32
      %dma_start3A_385 = tpu.memref_slice %arg6[%dma_start3A_381, %dma_start3A_382, %dma_start3A_383, %dma_start3A_384] : memref<2x32x50x32xf32, #tpu.memory_space<vmem>> -> memref<1x1x50x32xf32, #tpu.memory_space<vmem>>
      %dma_start3A_386 = tpu.memref_squeeze %dma_start3A_385 : memref<1x1x50x32xf32, #tpu.memory_space<vmem>> -> memref<50x32xf32, #tpu.memory_space<vmem>>
      %dma_start3A_387 = arith.constant 0 : i32
      %dma_start3A_388 = tpu.memref_slice %arg5[%dma_start3A_379, %dma_start3A_380, %dma_start3A_387] : memref<2x32x50xi32, #tpu.memory_space<vmem>> -> memref<1x1x50xi32, #tpu.memory_space<vmem>>
      %dma_start3A_389 = tpu.memref_squeeze %dma_start3A_388 : memref<1x1x50xi32, #tpu.memory_space<vmem>> -> memref<50xi32, #tpu.memory_space<vmem>>
      %dma_start3A_390 = arith.constant 0 : i32
      %dma_start3A_391 = arith.constant 0 : i32
      %dma_start3A_392 = tpu.memref_slice %arg2[%dma_start3A_390, %dma_start3A_391] : memref<1000000x32xf32, #tpu.memory_space<hbm>> -> memref<1000000x32xf32, #tpu.memory_space<hbm>>
      tpu.enqueue_indirect_dma source(%dma_start3A_392 : memref<1000000x32xf32, #tpu.memory_space<hbm>>) target(%dma_start3A_386 : memref<50x32xf32, #tpu.memory_space<vmem>>) offsets(%dma_start3A_389 : memref<50xi32, #tpu.memory_space<vmem>>) semaphore(%arg7 : memref<!tpu.dma_semaphore, #tpu.memory_space<semaphore_mem>>)
      %dma_start3A_393 = arith.constant 0 : i32
      %dma_start3A_394 = arith.constant 27 : i32
      %dma_start3A_395 = arith.constant 0 : i32
      %dma_start3A_396 = arith.constant 27 : i32
      %dma_start3A_397 = arith.constant 0 : i32
      %dma_start3A_398 = arith.constant 0 : i32
      %dma_start3A_399 = tpu.memref_slice %arg6[%dma_start3A_395, %dma_start3A_396, %dma_start3A_397, %dma_start3A_398] : memref<2x32x50x32xf32, #tpu.memory_space<vmem>> -> memref<1x1x50x32xf32, #tpu.memory_space<vmem>>
      %dma_start3A_400 = tpu.memref_squeeze %dma_start3A_399 : memref<1x1x50x32xf32, #tpu.memory_space<vmem>> -> memref<50x32xf32, #tpu.memory_space<vmem>>
      %dma_start3A_401 = arith.constant 0 : i32
      %dma_start3A_402 = tpu.memref_slice %arg5[%dma_start3A_393, %dma_start3A_394, %dma_start3A_401] : memref<2x32x50xi32, #tpu.memory_space<vmem>> -> memref<1x1x50xi32, #tpu.memory_space<vmem>>
      %dma_start3A_403 = tpu.memref_squeeze %dma_start3A_402 : memref<1x1x50xi32, #tpu.memory_space<vmem>> -> memref<50xi32, #tpu.memory_space<vmem>>
      %dma_start3A_404 = arith.constant 0 : i32
      %dma_start3A_405 = arith.constant 0 : i32
      %dma_start3A_406 = tpu.memref_slice %arg2[%dma_start3A_404, %dma_start3A_405] : memref<1000000x32xf32, #tpu.memory_space<hbm>> -> memref<1000000x32xf32, #tpu.memory_space<hbm>>
      tpu.enqueue_indirect_dma source(%dma_start3A_406 : memref<1000000x32xf32, #tpu.memory_space<hbm>>) target(%dma_start3A_400 : memref<50x32xf32, #tpu.memory_space<vmem>>) offsets(%dma_start3A_403 : memref<50xi32, #tpu.memory_space<vmem>>) semaphore(%arg7 : memref<!tpu.dma_semaphore, #tpu.memory_space<semaphore_mem>>)
      %dma_start3A_407 = arith.constant 0 : i32
      %dma_start3A_408 = arith.constant 28 : i32
      %dma_start3A_409 = arith.constant 0 : i32
      %dma_start3A_410 = arith.constant 28 : i32
      %dma_start3A_411 = arith.constant 0 : i32
      %dma_start3A_412 = arith.constant 0 : i32
      %dma_start3A_413 = tpu.memref_slice %arg6[%dma_start3A_409, %dma_start3A_410, %dma_start3A_411, %dma_start3A_412] : memref<2x32x50x32xf32, #tpu.memory_space<vmem>> -> memref<1x1x50x32xf32, #tpu.memory_space<vmem>>
      %dma_start3A_414 = tpu.memref_squeeze %dma_start3A_413 : memref<1x1x50x32xf32, #tpu.memory_space<vmem>> -> memref<50x32xf32, #tpu.memory_space<vmem>>
      %dma_start3A_415 = arith.constant 0 : i32
      %dma_start3A_416 = tpu.memref_slice %arg5[%dma_start3A_407, %dma_start3A_408, %dma_start3A_415] : memref<2x32x50xi32, #tpu.memory_space<vmem>> -> memref<1x1x50xi32, #tpu.memory_space<vmem>>
      %dma_start3A_417 = tpu.memref_squeeze %dma_start3A_416 : memref<1x1x50xi32, #tpu.memory_space<vmem>> -> memref<50xi32, #tpu.memory_space<vmem>>
      %dma_start3A_418 = arith.constant 0 : i32
      %dma_start3A_419 = arith.constant 0 : i32
      %dma_start3A_420 = tpu.memref_slice %arg2[%dma_start3A_418, %dma_start3A_419] : memref<1000000x32xf32, #tpu.memory_space<hbm>> -> memref<1000000x32xf32, #tpu.memory_space<hbm>>
      tpu.enqueue_indirect_dma source(%dma_start3A_420 : memref<1000000x32xf32, #tpu.memory_space<hbm>>) target(%dma_start3A_414 : memref<50x32xf32, #tpu.memory_space<vmem>>) offsets(%dma_start3A_417 : memref<50xi32, #tpu.memory_space<vmem>>) semaphore(%arg7 : memref<!tpu.dma_semaphore, #tpu.memory_space<semaphore_mem>>)
      %dma_start3A_421 = arith.constant 0 : i32
      %dma_start3A_422 = arith.constant 29 : i32
      %dma_start3A_423 = arith.constant 0 : i32
      %dma_start3A_424 = arith.constant 29 : i32
      %dma_start3A_425 = arith.constant 0 : i32
      %dma_start3A_426 = arith.constant 0 : i32
      %dma_start3A_427 = tpu.memref_slice %arg6[%dma_start3A_423, %dma_start3A_424, %dma_start3A_425, %dma_start3A_426] : memref<2x32x50x32xf32, #tpu.memory_space<vmem>> -> memref<1x1x50x32xf32, #tpu.memory_space<vmem>>
      %dma_start3A_428 = tpu.memref_squeeze %dma_start3A_427 : memref<1x1x50x32xf32, #tpu.memory_space<vmem>> -> memref<50x32xf32, #tpu.memory_space<vmem>>
      %dma_start3A_429 = arith.constant 0 : i32
      %dma_start3A_430 = tpu.memref_slice %arg5[%dma_start3A_421, %dma_start3A_422, %dma_start3A_429] : memref<2x32x50xi32, #tpu.memory_space<vmem>> -> memref<1x1x50xi32, #tpu.memory_space<vmem>>
      %dma_start3A_431 = tpu.memref_squeeze %dma_start3A_430 : memref<1x1x50xi32, #tpu.memory_space<vmem>> -> memref<50xi32, #tpu.memory_space<vmem>>
      %dma_start3A_432 = arith.constant 0 : i32
      %dma_start3A_433 = arith.constant 0 : i32
      %dma_start3A_434 = tpu.memref_slice %arg2[%dma_start3A_432, %dma_start3A_433] : memref<1000000x32xf32, #tpu.memory_space<hbm>> -> memref<1000000x32xf32, #tpu.memory_space<hbm>>
      tpu.enqueue_indirect_dma source(%dma_start3A_434 : memref<1000000x32xf32, #tpu.memory_space<hbm>>) target(%dma_start3A_428 : memref<50x32xf32, #tpu.memory_space<vmem>>) offsets(%dma_start3A_431 : memref<50xi32, #tpu.memory_space<vmem>>) semaphore(%arg7 : memref<!tpu.dma_semaphore, #tpu.memory_space<semaphore_mem>>)
      %dma_start3A_435 = arith.constant 0 : i32
      %dma_start3A_436 = arith.constant 30 : i32
      %dma_start3A_437 = arith.constant 0 : i32
      %dma_start3A_438 = arith.constant 30 : i32
      %dma_start3A_439 = arith.constant 0 : i32
      %dma_start3A_440 = arith.constant 0 : i32
      %dma_start3A_441 = tpu.memref_slice %arg6[%dma_start3A_437, %dma_start3A_438, %dma_start3A_439, %dma_start3A_440] : memref<2x32x50x32xf32, #tpu.memory_space<vmem>> -> memref<1x1x50x32xf32, #tpu.memory_space<vmem>>
      %dma_start3A_442 = tpu.memref_squeeze %dma_start3A_441 : memref<1x1x50x32xf32, #tpu.memory_space<vmem>> -> memref<50x32xf32, #tpu.memory_space<vmem>>
      %dma_start3A_443 = arith.constant 0 : i32
      %dma_start3A_444 = tpu.memref_slice %arg5[%dma_start3A_435, %dma_start3A_436, %dma_start3A_443] : memref<2x32x50xi32, #tpu.memory_space<vmem>> -> memref<1x1x50xi32, #tpu.memory_space<vmem>>
      %dma_start3A_445 = tpu.memref_squeeze %dma_start3A_444 : memref<1x1x50xi32, #tpu.memory_space<vmem>> -> memref<50xi32, #tpu.memory_space<vmem>>
      %dma_start3A_446 = arith.constant 0 : i32
      %dma_start3A_447 = arith.constant 0 : i32
      %dma_start3A_448 = tpu.memref_slice %arg2[%dma_start3A_446, %dma_start3A_447] : memref<1000000x32xf32, #tpu.memory_space<hbm>> -> memref<1000000x32xf32, #tpu.memory_space<hbm>>
      tpu.enqueue_indirect_dma source(%dma_start3A_448 : memref<1000000x32xf32, #tpu.memory_space<hbm>>) target(%dma_start3A_442 : memref<50x32xf32, #tpu.memory_space<vmem>>) offsets(%dma_start3A_445 : memref<50xi32, #tpu.memory_space<vmem>>) semaphore(%arg7 : memref<!tpu.dma_semaphore, #tpu.memory_space<semaphore_mem>>)
      %dma_start3A_449 = arith.constant 0 : i32
      %dma_start3A_450 = arith.constant 31 : i32
      %dma_start3A_451 = arith.constant 0 : i32
      %dma_start3A_452 = arith.constant 31 : i32
      %dma_start3A_453 = arith.constant 0 : i32
      %dma_start3A_454 = arith.constant 0 : i32
      %dma_start3A_455 = tpu.memref_slice %arg6[%dma_start3A_451, %dma_start3A_452, %dma_start3A_453, %dma_start3A_454] : memref<2x32x50x32xf32, #tpu.memory_space<vmem>> -> memref<1x1x50x32xf32, #tpu.memory_space<vmem>>
      %dma_start3A_456 = tpu.memref_squeeze %dma_start3A_455 : memref<1x1x50x32xf32, #tpu.memory_space<vmem>> -> memref<50x32xf32, #tpu.memory_space<vmem>>
      %dma_start3A_457 = arith.constant 0 : i32
      %dma_start3A_458 = tpu.memref_slice %arg5[%dma_start3A_449, %dma_start3A_450, %dma_start3A_457] : memref<2x32x50xi32, #tpu.memory_space<vmem>> -> memref<1x1x50xi32, #tpu.memory_space<vmem>>
      %dma_start3A_459 = tpu.memref_squeeze %dma_start3A_458 : memref<1x1x50xi32, #tpu.memory_space<vmem>> -> memref<50xi32, #tpu.memory_space<vmem>>
      %dma_start3A_460 = arith.constant 0 : i32
      %dma_start3A_461 = arith.constant 0 : i32
      %dma_start3A_462 = tpu.memref_slice %arg2[%dma_start3A_460, %dma_start3A_461] : memref<1000000x32xf32, #tpu.memory_space<hbm>> -> memref<1000000x32xf32, #tpu.memory_space<hbm>>
      tpu.enqueue_indirect_dma source(%dma_start3A_462 : memref<1000000x32xf32, #tpu.memory_space<hbm>>) target(%dma_start3A_456 : memref<50x32xf32, #tpu.memory_space<vmem>>) offsets(%dma_start3A_459 : memref<50xi32, #tpu.memory_space<vmem>>) semaphore(%arg7 : memref<!tpu.dma_semaphore, #tpu.memory_space<semaphore_mem>>)
      %add3A_463 = arith.constant 32 : i32
      %add3A_464 = arith.addi %add3A_15, %add3A_463 : i32
      %run_scoped3A_465 = arith.constant 1 : i32
      "tpu.region"() ({
        %run_scoped3A_1813 = tpu.sem_alloc : memref<!tpu.dma_semaphore, #tpu.memory_space<semaphore_mem>>
        %dma_start3A_1814 = arith.constant 0 : i32
        %dma_start3A_1815 = arith.constant 0 : i32
        %dma_start3A_1816 = tpu.memref_slice %arg5[%run_scoped3A_465, %dma_start3A_1814, %dma_start3A_1815] : memref<2x32x50xi32, #tpu.memory_space<vmem>> -> memref<1x32x50xi32, #tpu.memory_space<vmem>>
        %dma_start3A_1817 = tpu.memref_squeeze %dma_start3A_1816 : memref<1x32x50xi32, #tpu.memory_space<vmem>> -> memref<32x50xi32, #tpu.memory_space<vmem>>
        %dma_start3A_1818 = arith.constant 0 : i32
        %dma_start3A_1819 = tpu.memref_slice %arg3[%add3A_464, %dma_start3A_1818] : memref<16384x50xi32, #tpu.memory_space<hbm>> -> memref<32x50xi32, #tpu.memory_space<hbm>>
        %dma_start3A_1820 = arith.constant 0 : i32
        %dma_start3A_1821 = arith.constant 0 : i32
        %dma_start3A_1822 = tpu.memref_slice %arg5[%run_scoped3A_465, %dma_start3A_1820, %dma_start3A_1821] : memref<2x32x50xi32, #tpu.memory_space<vmem>> -> memref<1x32x50xi32, #tpu.memory_space<vmem>>
        %dma_start3A_1823 = tpu.memref_squeeze %dma_start3A_1822 : memref<1x32x50xi32, #tpu.memory_space<vmem>> -> memref<32x50xi32, #tpu.memory_space<vmem>>
        %dma_start3A_1824 = arith.constant 0 : i32
        %dma_start3A_1825 = tpu.memref_slice %arg3[%add3A_464, %dma_start3A_1824] : memref<16384x50xi32, #tpu.memory_space<hbm>> -> memref<32x50xi32, #tpu.memory_space<hbm>>
        tpu.enqueue_dma source(%dma_start3A_1825 : memref<32x50xi32, #tpu.memory_space<hbm>>) target(%dma_start3A_1823 : memref<32x50xi32, #tpu.memory_space<vmem>>) target_semaphore(%run_scoped3A_1813 : memref<!tpu.dma_semaphore, #tpu.memory_space<semaphore_mem>>)
        %dma_wait3A_1826 = arith.constant 0 : i32
        %dma_wait3A_1827 = arith.constant 0 : i32
        %dma_wait3A_1828 = tpu.memref_slice %arg5[%run_scoped3A_465, %dma_wait3A_1826, %dma_wait3A_1827] : memref<2x32x50xi32, #tpu.memory_space<vmem>> -> memref<1x32x50xi32, #tpu.memory_space<vmem>>
        %dma_wait3A_1829 = tpu.memref_squeeze %dma_wait3A_1828 : memref<1x32x50xi32, #tpu.memory_space<vmem>> -> memref<32x50xi32, #tpu.memory_space<vmem>>
        %dma_wait3A_1830 = arith.constant 0 : i32
        %dma_wait3A_1831 = tpu.memref_slice %arg3[%add3A_464, %dma_wait3A_1830] : memref<16384x50xi32, #tpu.memory_space<hbm>> -> memref<32x50xi32, #tpu.memory_space<hbm>>
        %dma_wait3A_1832 = arith.constant 0 : i32
        %dma_wait3A_1833 = arith.constant 0 : i32
        %dma_wait3A_1834 = tpu.memref_slice %arg5[%run_scoped3A_465, %dma_wait3A_1832, %dma_wait3A_1833] : memref<2x32x50xi32, #tpu.memory_space<vmem>> -> memref<1x32x50xi32, #tpu.memory_space<vmem>>
        %dma_wait3A_1835 = tpu.memref_squeeze %dma_wait3A_1834 : memref<1x32x50xi32, #tpu.memory_space<vmem>> -> memref<32x50xi32, #tpu.memory_space<vmem>>
        %dma_wait3A_1836 = arith.constant 0 : i32
        %dma_wait3A_1837 = tpu.memref_slice %arg3[%add3A_464, %dma_wait3A_1836] : memref<16384x50xi32, #tpu.memory_space<hbm>> -> memref<32x50xi32, #tpu.memory_space<hbm>>
        tpu.wait_dma2 semaphore(%run_scoped3A_1813 : memref<!tpu.dma_semaphore, #tpu.memory_space<semaphore_mem>>) src(%dma_wait3A_1837 : memref<32x50xi32, #tpu.memory_space<hbm>>) dst(%dma_wait3A_1835 : memref<32x50xi32, #tpu.memory_space<vmem>>)
        tpu.yield
      }) : () -> ()
      %dma_start3A_466 = arith.constant 1 : i32
      %dma_start3A_467 = arith.constant 0 : i32
      %dma_start3A_468 = arith.constant 1 : i32
      %dma_start3A_469 = arith.constant 0 : i32
      %dma_start3A_470 = arith.constant 0 : i32
      %dma_start3A_471 = arith.constant 0 : i32
      %dma_start3A_472 = tpu.memref_slice %arg6[%dma_start3A_468, %dma_start3A_469, %dma_start3A_470, %dma_start3A_471] : memref<2x32x50x32xf32, #tpu.memory_space<vmem>> -> memref<1x1x50x32xf32, #tpu.memory_space<vmem>>
      %dma_start3A_473 = tpu.memref_squeeze %dma_start3A_472 : memref<1x1x50x32xf32, #tpu.memory_space<vmem>> -> memref<50x32xf32, #tpu.memory_space<vmem>>
      %dma_start3A_474 = arith.constant 0 : i32
      %dma_start3A_475 = tpu.memref_slice %arg5[%dma_start3A_466, %dma_start3A_467, %dma_start3A_474] : memref<2x32x50xi32, #tpu.memory_space<vmem>> -> memref<1x1x50xi32, #tpu.memory_space<vmem>>
      %dma_start3A_476 = tpu.memref_squeeze %dma_start3A_475 : memref<1x1x50xi32, #tpu.memory_space<vmem>> -> memref<50xi32, #tpu.memory_space<vmem>>
      %dma_start3A_477 = arith.constant 0 : i32
      %dma_start3A_478 = arith.constant 0 : i32
      %dma_start3A_479 = tpu.memref_slice %arg2[%dma_start3A_477, %dma_start3A_478] : memref<1000000x32xf32, #tpu.memory_space<hbm>> -> memref<1000000x32xf32, #tpu.memory_space<hbm>>
      tpu.enqueue_indirect_dma source(%dma_start3A_479 : memref<1000000x32xf32, #tpu.memory_space<hbm>>) target(%dma_start3A_473 : memref<50x32xf32, #tpu.memory_space<vmem>>) offsets(%dma_start3A_476 : memref<50xi32, #tpu.memory_space<vmem>>) semaphore(%arg8 : memref<!tpu.dma_semaphore, #tpu.memory_space<semaphore_mem>>)
      %dma_start3A_480 = arith.constant 1 : i32
      %dma_start3A_481 = arith.constant 1 : i32
      %dma_start3A_482 = arith.constant 1 : i32
      %dma_start3A_483 = arith.constant 1 : i32
      %dma_start3A_484 = arith.constant 0 : i32
      %dma_start3A_485 = arith.constant 0 : i32
      %dma_start3A_486 = tpu.memref_slice %arg6[%dma_start3A_482, %dma_start3A_483, %dma_start3A_484, %dma_start3A_485] : memref<2x32x50x32xf32, #tpu.memory_space<vmem>> -> memref<1x1x50x32xf32, #tpu.memory_space<vmem>>
      %dma_start3A_487 = tpu.memref_squeeze %dma_start3A_486 : memref<1x1x50x32xf32, #tpu.memory_space<vmem>> -> memref<50x32xf32, #tpu.memory_space<vmem>>
      %dma_start3A_488 = arith.constant 0 : i32
      %dma_start3A_489 = tpu.memref_slice %arg5[%dma_start3A_480, %dma_start3A_481, %dma_start3A_488] : memref<2x32x50xi32, #tpu.memory_space<vmem>> -> memref<1x1x50xi32, #tpu.memory_space<vmem>>
      %dma_start3A_490 = tpu.memref_squeeze %dma_start3A_489 : memref<1x1x50xi32, #tpu.memory_space<vmem>> -> memref<50xi32, #tpu.memory_space<vmem>>
      %dma_start3A_491 = arith.constant 0 : i32
      %dma_start3A_492 = arith.constant 0 : i32
      %dma_start3A_493 = tpu.memref_slice %arg2[%dma_start3A_491, %dma_start3A_492] : memref<1000000x32xf32, #tpu.memory_space<hbm>> -> memref<1000000x32xf32, #tpu.memory_space<hbm>>
      tpu.enqueue_indirect_dma source(%dma_start3A_493 : memref<1000000x32xf32, #tpu.memory_space<hbm>>) target(%dma_start3A_487 : memref<50x32xf32, #tpu.memory_space<vmem>>) offsets(%dma_start3A_490 : memref<50xi32, #tpu.memory_space<vmem>>) semaphore(%arg8 : memref<!tpu.dma_semaphore, #tpu.memory_space<semaphore_mem>>)
      %dma_start3A_494 = arith.constant 1 : i32
      %dma_start3A_495 = arith.constant 2 : i32
      %dma_start3A_496 = arith.constant 1 : i32
      %dma_start3A_497 = arith.constant 2 : i32
      %dma_start3A_498 = arith.constant 0 : i32
      %dma_start3A_499 = arith.constant 0 : i32
      %dma_start3A_500 = tpu.memref_slice %arg6[%dma_start3A_496, %dma_start3A_497, %dma_start3A_498, %dma_start3A_499] : memref<2x32x50x32xf32, #tpu.memory_space<vmem>> -> memref<1x1x50x32xf32, #tpu.memory_space<vmem>>
      %dma_start3A_501 = tpu.memref_squeeze %dma_start3A_500 : memref<1x1x50x32xf32, #tpu.memory_space<vmem>> -> memref<50x32xf32, #tpu.memory_space<vmem>>
      %dma_start3A_502 = arith.constant 0 : i32
      %dma_start3A_503 = tpu.memref_slice %arg5[%dma_start3A_494, %dma_start3A_495, %dma_start3A_502] : memref<2x32x50xi32, #tpu.memory_space<vmem>> -> memref<1x1x50xi32, #tpu.memory_space<vmem>>
      %dma_start3A_504 = tpu.memref_squeeze %dma_start3A_503 : memref<1x1x50xi32, #tpu.memory_space<vmem>> -> memref<50xi32, #tpu.memory_space<vmem>>
      %dma_start3A_505 = arith.constant 0 : i32
      %dma_start3A_506 = arith.constant 0 : i32
      %dma_start3A_507 = tpu.memref_slice %arg2[%dma_start3A_505, %dma_start3A_506] : memref<1000000x32xf32, #tpu.memory_space<hbm>> -> memref<1000000x32xf32, #tpu.memory_space<hbm>>
      tpu.enqueue_indirect_dma source(%dma_start3A_507 : memref<1000000x32xf32, #tpu.memory_space<hbm>>) target(%dma_start3A_501 : memref<50x32xf32, #tpu.memory_space<vmem>>) offsets(%dma_start3A_504 : memref<50xi32, #tpu.memory_space<vmem>>) semaphore(%arg8 : memref<!tpu.dma_semaphore, #tpu.memory_space<semaphore_mem>>)
      %dma_start3A_508 = arith.constant 1 : i32
      %dma_start3A_509 = arith.constant 3 : i32
      %dma_start3A_510 = arith.constant 1 : i32
      %dma_start3A_511 = arith.constant 3 : i32
      %dma_start3A_512 = arith.constant 0 : i32
      %dma_start3A_513 = arith.constant 0 : i32
      %dma_start3A_514 = tpu.memref_slice %arg6[%dma_start3A_510, %dma_start3A_511, %dma_start3A_512, %dma_start3A_513] : memref<2x32x50x32xf32, #tpu.memory_space<vmem>> -> memref<1x1x50x32xf32, #tpu.memory_space<vmem>>
      %dma_start3A_515 = tpu.memref_squeeze %dma_start3A_514 : memref<1x1x50x32xf32, #tpu.memory_space<vmem>> -> memref<50x32xf32, #tpu.memory_space<vmem>>
      %dma_start3A_516 = arith.constant 0 : i32
      %dma_start3A_517 = tpu.memref_slice %arg5[%dma_start3A_508, %dma_start3A_509, %dma_start3A_516] : memref<2x32x50xi32, #tpu.memory_space<vmem>> -> memref<1x1x50xi32, #tpu.memory_space<vmem>>
      %dma_start3A_518 = tpu.memref_squeeze %dma_start3A_517 : memref<1x1x50xi32, #tpu.memory_space<vmem>> -> memref<50xi32, #tpu.memory_space<vmem>>
      %dma_start3A_519 = arith.constant 0 : i32
      %dma_start3A_520 = arith.constant 0 : i32
      %dma_start3A_521 = tpu.memref_slice %arg2[%dma_start3A_519, %dma_start3A_520] : memref<1000000x32xf32, #tpu.memory_space<hbm>> -> memref<1000000x32xf32, #tpu.memory_space<hbm>>
      tpu.enqueue_indirect_dma source(%dma_start3A_521 : memref<1000000x32xf32, #tpu.memory_space<hbm>>) target(%dma_start3A_515 : memref<50x32xf32, #tpu.memory_space<vmem>>) offsets(%dma_start3A_518 : memref<50xi32, #tpu.memory_space<vmem>>) semaphore(%arg8 : memref<!tpu.dma_semaphore, #tpu.memory_space<semaphore_mem>>)
      %dma_start3A_522 = arith.constant 1 : i32
      %dma_start3A_523 = arith.constant 4 : i32
      %dma_start3A_524 = arith.constant 1 : i32
      %dma_start3A_525 = arith.constant 4 : i32
      %dma_start3A_526 = arith.constant 0 : i32
      %dma_start3A_527 = arith.constant 0 : i32
      %dma_start3A_528 = tpu.memref_slice %arg6[%dma_start3A_524, %dma_start3A_525, %dma_start3A_526, %dma_start3A_527] : memref<2x32x50x32xf32, #tpu.memory_space<vmem>> -> memref<1x1x50x32xf32, #tpu.memory_space<vmem>>
      %dma_start3A_529 = tpu.memref_squeeze %dma_start3A_528 : memref<1x1x50x32xf32, #tpu.memory_space<vmem>> -> memref<50x32xf32, #tpu.memory_space<vmem>>
      %dma_start3A_530 = arith.constant 0 : i32
      %dma_start3A_531 = tpu.memref_slice %arg5[%dma_start3A_522, %dma_start3A_523, %dma_start3A_530] : memref<2x32x50xi32, #tpu.memory_space<vmem>> -> memref<1x1x50xi32, #tpu.memory_space<vmem>>
      %dma_start3A_532 = tpu.memref_squeeze %dma_start3A_531 : memref<1x1x50xi32, #tpu.memory_space<vmem>> -> memref<50xi32, #tpu.memory_space<vmem>>
      %dma_start3A_533 = arith.constant 0 : i32
      %dma_start3A_534 = arith.constant 0 : i32
      %dma_start3A_535 = tpu.memref_slice %arg2[%dma_start3A_533, %dma_start3A_534] : memref<1000000x32xf32, #tpu.memory_space<hbm>> -> memref<1000000x32xf32, #tpu.memory_space<hbm>>
      tpu.enqueue_indirect_dma source(%dma_start3A_535 : memref<1000000x32xf32, #tpu.memory_space<hbm>>) target(%dma_start3A_529 : memref<50x32xf32, #tpu.memory_space<vmem>>) offsets(%dma_start3A_532 : memref<50xi32, #tpu.memory_space<vmem>>) semaphore(%arg8 : memref<!tpu.dma_semaphore, #tpu.memory_space<semaphore_mem>>)
      %dma_start3A_536 = arith.constant 1 : i32
      %dma_start3A_537 = arith.constant 5 : i32
      %dma_start3A_538 = arith.constant 1 : i32
      %dma_start3A_539 = arith.constant 5 : i32
      %dma_start3A_540 = arith.constant 0 : i32
      %dma_start3A_541 = arith.constant 0 : i32
      %dma_start3A_542 = tpu.memref_slice %arg6[%dma_start3A_538, %dma_start3A_539, %dma_start3A_540, %dma_start3A_541] : memref<2x32x50x32xf32, #tpu.memory_space<vmem>> -> memref<1x1x50x32xf32, #tpu.memory_space<vmem>>
      %dma_start3A_543 = tpu.memref_squeeze %dma_start3A_542 : memref<1x1x50x32xf32, #tpu.memory_space<vmem>> -> memref<50x32xf32, #tpu.memory_space<vmem>>
      %dma_start3A_544 = arith.constant 0 : i32
      %dma_start3A_545 = tpu.memref_slice %arg5[%dma_start3A_536, %dma_start3A_537, %dma_start3A_544] : memref<2x32x50xi32, #tpu.memory_space<vmem>> -> memref<1x1x50xi32, #tpu.memory_space<vmem>>
      %dma_start3A_546 = tpu.memref_squeeze %dma_start3A_545 : memref<1x1x50xi32, #tpu.memory_space<vmem>> -> memref<50xi32, #tpu.memory_space<vmem>>
      %dma_start3A_547 = arith.constant 0 : i32
      %dma_start3A_548 = arith.constant 0 : i32
      %dma_start3A_549 = tpu.memref_slice %arg2[%dma_start3A_547, %dma_start3A_548] : memref<1000000x32xf32, #tpu.memory_space<hbm>> -> memref<1000000x32xf32, #tpu.memory_space<hbm>>
      tpu.enqueue_indirect_dma source(%dma_start3A_549 : memref<1000000x32xf32, #tpu.memory_space<hbm>>) target(%dma_start3A_543 : memref<50x32xf32, #tpu.memory_space<vmem>>) offsets(%dma_start3A_546 : memref<50xi32, #tpu.memory_space<vmem>>) semaphore(%arg8 : memref<!tpu.dma_semaphore, #tpu.memory_space<semaphore_mem>>)
      %dma_start3A_550 = arith.constant 1 : i32
      %dma_start3A_551 = arith.constant 6 : i32
      %dma_start3A_552 = arith.constant 1 : i32
      %dma_start3A_553 = arith.constant 6 : i32
      %dma_start3A_554 = arith.constant 0 : i32
      %dma_start3A_555 = arith.constant 0 : i32
      %dma_start3A_556 = tpu.memref_slice %arg6[%dma_start3A_552, %dma_start3A_553, %dma_start3A_554, %dma_start3A_555] : memref<2x32x50x32xf32, #tpu.memory_space<vmem>> -> memref<1x1x50x32xf32, #tpu.memory_space<vmem>>
      %dma_start3A_557 = tpu.memref_squeeze %dma_start3A_556 : memref<1x1x50x32xf32, #tpu.memory_space<vmem>> -> memref<50x32xf32, #tpu.memory_space<vmem>>
      %dma_start3A_558 = arith.constant 0 : i32
      %dma_start3A_559 = tpu.memref_slice %arg5[%dma_start3A_550, %dma_start3A_551, %dma_start3A_558] : memref<2x32x50xi32, #tpu.memory_space<vmem>> -> memref<1x1x50xi32, #tpu.memory_space<vmem>>
      %dma_start3A_560 = tpu.memref_squeeze %dma_start3A_559 : memref<1x1x50xi32, #tpu.memory_space<vmem>> -> memref<50xi32, #tpu.memory_space<vmem>>
      %dma_start3A_561 = arith.constant 0 : i32
      %dma_start3A_562 = arith.constant 0 : i32
      %dma_start3A_563 = tpu.memref_slice %arg2[%dma_start3A_561, %dma_start3A_562] : memref<1000000x32xf32, #tpu.memory_space<hbm>> -> memref<1000000x32xf32, #tpu.memory_space<hbm>>
      tpu.enqueue_indirect_dma source(%dma_start3A_563 : memref<1000000x32xf32, #tpu.memory_space<hbm>>) target(%dma_start3A_557 : memref<50x32xf32, #tpu.memory_space<vmem>>) offsets(%dma_start3A_560 : memref<50xi32, #tpu.memory_space<vmem>>) semaphore(%arg8 : memref<!tpu.dma_semaphore, #tpu.memory_space<semaphore_mem>>)
      %dma_start3A_564 = arith.constant 1 : i32
      %dma_start3A_565 = arith.constant 7 : i32
      %dma_start3A_566 = arith.constant 1 : i32
      %dma_start3A_567 = arith.constant 7 : i32
      %dma_start3A_568 = arith.constant 0 : i32
      %dma_start3A_569 = arith.constant 0 : i32
      %dma_start3A_570 = tpu.memref_slice %arg6[%dma_start3A_566, %dma_start3A_567, %dma_start3A_568, %dma_start3A_569] : memref<2x32x50x32xf32, #tpu.memory_space<vmem>> -> memref<1x1x50x32xf32, #tpu.memory_space<vmem>>
      %dma_start3A_571 = tpu.memref_squeeze %dma_start3A_570 : memref<1x1x50x32xf32, #tpu.memory_space<vmem>> -> memref<50x32xf32, #tpu.memory_space<vmem>>
      %dma_start3A_572 = arith.constant 0 : i32
      %dma_start3A_573 = tpu.memref_slice %arg5[%dma_start3A_564, %dma_start3A_565, %dma_start3A_572] : memref<2x32x50xi32, #tpu.memory_space<vmem>> -> memref<1x1x50xi32, #tpu.memory_space<vmem>>
      %dma_start3A_574 = tpu.memref_squeeze %dma_start3A_573 : memref<1x1x50xi32, #tpu.memory_space<vmem>> -> memref<50xi32, #tpu.memory_space<vmem>>
      %dma_start3A_575 = arith.constant 0 : i32
      %dma_start3A_576 = arith.constant 0 : i32
      %dma_start3A_577 = tpu.memref_slice %arg2[%dma_start3A_575, %dma_start3A_576] : memref<1000000x32xf32, #tpu.memory_space<hbm>> -> memref<1000000x32xf32, #tpu.memory_space<hbm>>
      tpu.enqueue_indirect_dma source(%dma_start3A_577 : memref<1000000x32xf32, #tpu.memory_space<hbm>>) target(%dma_start3A_571 : memref<50x32xf32, #tpu.memory_space<vmem>>) offsets(%dma_start3A_574 : memref<50xi32, #tpu.memory_space<vmem>>) semaphore(%arg8 : memref<!tpu.dma_semaphore, #tpu.memory_space<semaphore_mem>>)
      %dma_start3A_578 = arith.constant 1 : i32
      %dma_start3A_579 = arith.constant 8 : i32
      %dma_start3A_580 = arith.constant 1 : i32
      %dma_start3A_581 = arith.constant 8 : i32
      %dma_start3A_582 = arith.constant 0 : i32
      %dma_start3A_583 = arith.constant 0 : i32
      %dma_start3A_584 = tpu.memref_slice %arg6[%dma_start3A_580, %dma_start3A_581, %dma_start3A_582, %dma_start3A_583] : memref<2x32x50x32xf32, #tpu.memory_space<vmem>> -> memref<1x1x50x32xf32, #tpu.memory_space<vmem>>
      %dma_start3A_585 = tpu.memref_squeeze %dma_start3A_584 : memref<1x1x50x32xf32, #tpu.memory_space<vmem>> -> memref<50x32xf32, #tpu.memory_space<vmem>>
      %dma_start3A_586 = arith.constant 0 : i32
      %dma_start3A_587 = tpu.memref_slice %arg5[%dma_start3A_578, %dma_start3A_579, %dma_start3A_586] : memref<2x32x50xi32, #tpu.memory_space<vmem>> -> memref<1x1x50xi32, #tpu.memory_space<vmem>>
      %dma_start3A_588 = tpu.memref_squeeze %dma_start3A_587 : memref<1x1x50xi32, #tpu.memory_space<vmem>> -> memref<50xi32, #tpu.memory_space<vmem>>
      %dma_start3A_589 = arith.constant 0 : i32
      %dma_start3A_590 = arith.constant 0 : i32
      %dma_start3A_591 = tpu.memref_slice %arg2[%dma_start3A_589, %dma_start3A_590] : memref<1000000x32xf32, #tpu.memory_space<hbm>> -> memref<1000000x32xf32, #tpu.memory_space<hbm>>
      tpu.enqueue_indirect_dma source(%dma_start3A_591 : memref<1000000x32xf32, #tpu.memory_space<hbm>>) target(%dma_start3A_585 : memref<50x32xf32, #tpu.memory_space<vmem>>) offsets(%dma_start3A_588 : memref<50xi32, #tpu.memory_space<vmem>>) semaphore(%arg8 : memref<!tpu.dma_semaphore, #tpu.memory_space<semaphore_mem>>)
      %dma_start3A_592 = arith.constant 1 : i32
      %dma_start3A_593 = arith.constant 9 : i32
      %dma_start3A_594 = arith.constant 1 : i32
      %dma_start3A_595 = arith.constant 9 : i32
      %dma_start3A_596 = arith.constant 0 : i32
      %dma_start3A_597 = arith.constant 0 : i32
      %dma_start3A_598 = tpu.memref_slice %arg6[%dma_start3A_594, %dma_start3A_595, %dma_start3A_596, %dma_start3A_597] : memref<2x32x50x32xf32, #tpu.memory_space<vmem>> -> memref<1x1x50x32xf32, #tpu.memory_space<vmem>>
      %dma_start3A_599 = tpu.memref_squeeze %dma_start3A_598 : memref<1x1x50x32xf32, #tpu.memory_space<vmem>> -> memref<50x32xf32, #tpu.memory_space<vmem>>
      %dma_start3A_600 = arith.constant 0 : i32
      %dma_start3A_601 = tpu.memref_slice %arg5[%dma_start3A_592, %dma_start3A_593, %dma_start3A_600] : memref<2x32x50xi32, #tpu.memory_space<vmem>> -> memref<1x1x50xi32, #tpu.memory_space<vmem>>
      %dma_start3A_602 = tpu.memref_squeeze %dma_start3A_601 : memref<1x1x50xi32, #tpu.memory_space<vmem>> -> memref<50xi32, #tpu.memory_space<vmem>>
      %dma_start3A_603 = arith.constant 0 : i32
      %dma_start3A_604 = arith.constant 0 : i32
      %dma_start3A_605 = tpu.memref_slice %arg2[%dma_start3A_603, %dma_start3A_604] : memref<1000000x32xf32, #tpu.memory_space<hbm>> -> memref<1000000x32xf32, #tpu.memory_space<hbm>>
      tpu.enqueue_indirect_dma source(%dma_start3A_605 : memref<1000000x32xf32, #tpu.memory_space<hbm>>) target(%dma_start3A_599 : memref<50x32xf32, #tpu.memory_space<vmem>>) offsets(%dma_start3A_602 : memref<50xi32, #tpu.memory_space<vmem>>) semaphore(%arg8 : memref<!tpu.dma_semaphore, #tpu.memory_space<semaphore_mem>>)
      %dma_start3A_606 = arith.constant 1 : i32
      %dma_start3A_607 = arith.constant 10 : i32
      %dma_start3A_608 = arith.constant 1 : i32
      %dma_start3A_609 = arith.constant 10 : i32
      %dma_start3A_610 = arith.constant 0 : i32
      %dma_start3A_611 = arith.constant 0 : i32
      %dma_start3A_612 = tpu.memref_slice %arg6[%dma_start3A_608, %dma_start3A_609, %dma_start3A_610, %dma_start3A_611] : memref<2x32x50x32xf32, #tpu.memory_space<vmem>> -> memref<1x1x50x32xf32, #tpu.memory_space<vmem>>
      %dma_start3A_613 = tpu.memref_squeeze %dma_start3A_612 : memref<1x1x50x32xf32, #tpu.memory_space<vmem>> -> memref<50x32xf32, #tpu.memory_space<vmem>>
      %dma_start3A_614 = arith.constant 0 : i32
      %dma_start3A_615 = tpu.memref_slice %arg5[%dma_start3A_606, %dma_start3A_607, %dma_start3A_614] : memref<2x32x50xi32, #tpu.memory_space<vmem>> -> memref<1x1x50xi32, #tpu.memory_space<vmem>>
      %dma_start3A_616 = tpu.memref_squeeze %dma_start3A_615 : memref<1x1x50xi32, #tpu.memory_space<vmem>> -> memref<50xi32, #tpu.memory_space<vmem>>
      %dma_start3A_617 = arith.constant 0 : i32
      %dma_start3A_618 = arith.constant 0 : i32
      %dma_start3A_619 = tpu.memref_slice %arg2[%dma_start3A_617, %dma_start3A_618] : memref<1000000x32xf32, #tpu.memory_space<hbm>> -> memref<1000000x32xf32, #tpu.memory_space<hbm>>
      tpu.enqueue_indirect_dma source(%dma_start3A_619 : memref<1000000x32xf32, #tpu.memory_space<hbm>>) target(%dma_start3A_613 : memref<50x32xf32, #tpu.memory_space<vmem>>) offsets(%dma_start3A_616 : memref<50xi32, #tpu.memory_space<vmem>>) semaphore(%arg8 : memref<!tpu.dma_semaphore, #tpu.memory_space<semaphore_mem>>)
      %dma_start3A_620 = arith.constant 1 : i32
      %dma_start3A_621 = arith.constant 11 : i32
      %dma_start3A_622 = arith.constant 1 : i32
      %dma_start3A_623 = arith.constant 11 : i32
      %dma_start3A_624 = arith.constant 0 : i32
      %dma_start3A_625 = arith.constant 0 : i32
      %dma_start3A_626 = tpu.memref_slice %arg6[%dma_start3A_622, %dma_start3A_623, %dma_start3A_624, %dma_start3A_625] : memref<2x32x50x32xf32, #tpu.memory_space<vmem>> -> memref<1x1x50x32xf32, #tpu.memory_space<vmem>>
      %dma_start3A_627 = tpu.memref_squeeze %dma_start3A_626 : memref<1x1x50x32xf32, #tpu.memory_space<vmem>> -> memref<50x32xf32, #tpu.memory_space<vmem>>
      %dma_start3A_628 = arith.constant 0 : i32
      %dma_start3A_629 = tpu.memref_slice %arg5[%dma_start3A_620, %dma_start3A_621, %dma_start3A_628] : memref<2x32x50xi32, #tpu.memory_space<vmem>> -> memref<1x1x50xi32, #tpu.memory_space<vmem>>
      %dma_start3A_630 = tpu.memref_squeeze %dma_start3A_629 : memref<1x1x50xi32, #tpu.memory_space<vmem>> -> memref<50xi32, #tpu.memory_space<vmem>>
      %dma_start3A_631 = arith.constant 0 : i32
      %dma_start3A_632 = arith.constant 0 : i32
      %dma_start3A_633 = tpu.memref_slice %arg2[%dma_start3A_631, %dma_start3A_632] : memref<1000000x32xf32, #tpu.memory_space<hbm>> -> memref<1000000x32xf32, #tpu.memory_space<hbm>>
      tpu.enqueue_indirect_dma source(%dma_start3A_633 : memref<1000000x32xf32, #tpu.memory_space<hbm>>) target(%dma_start3A_627 : memref<50x32xf32, #tpu.memory_space<vmem>>) offsets(%dma_start3A_630 : memref<50xi32, #tpu.memory_space<vmem>>) semaphore(%arg8 : memref<!tpu.dma_semaphore, #tpu.memory_space<semaphore_mem>>)
      %dma_start3A_634 = arith.constant 1 : i32
      %dma_start3A_635 = arith.constant 12 : i32
      %dma_start3A_636 = arith.constant 1 : i32
      %dma_start3A_637 = arith.constant 12 : i32
      %dma_start3A_638 = arith.constant 0 : i32
      %dma_start3A_639 = arith.constant 0 : i32
      %dma_start3A_640 = tpu.memref_slice %arg6[%dma_start3A_636, %dma_start3A_637, %dma_start3A_638, %dma_start3A_639] : memref<2x32x50x32xf32, #tpu.memory_space<vmem>> -> memref<1x1x50x32xf32, #tpu.memory_space<vmem>>
      %dma_start3A_641 = tpu.memref_squeeze %dma_start3A_640 : memref<1x1x50x32xf32, #tpu.memory_space<vmem>> -> memref<50x32xf32, #tpu.memory_space<vmem>>
      %dma_start3A_642 = arith.constant 0 : i32
      %dma_start3A_643 = tpu.memref_slice %arg5[%dma_start3A_634, %dma_start3A_635, %dma_start3A_642] : memref<2x32x50xi32, #tpu.memory_space<vmem>> -> memref<1x1x50xi32, #tpu.memory_space<vmem>>
      %dma_start3A_644 = tpu.memref_squeeze %dma_start3A_643 : memref<1x1x50xi32, #tpu.memory_space<vmem>> -> memref<50xi32, #tpu.memory_space<vmem>>
      %dma_start3A_645 = arith.constant 0 : i32
      %dma_start3A_646 = arith.constant 0 : i32
      %dma_start3A_647 = tpu.memref_slice %arg2[%dma_start3A_645, %dma_start3A_646] : memref<1000000x32xf32, #tpu.memory_space<hbm>> -> memref<1000000x32xf32, #tpu.memory_space<hbm>>
      tpu.enqueue_indirect_dma source(%dma_start3A_647 : memref<1000000x32xf32, #tpu.memory_space<hbm>>) target(%dma_start3A_641 : memref<50x32xf32, #tpu.memory_space<vmem>>) offsets(%dma_start3A_644 : memref<50xi32, #tpu.memory_space<vmem>>) semaphore(%arg8 : memref<!tpu.dma_semaphore, #tpu.memory_space<semaphore_mem>>)
      %dma_start3A_648 = arith.constant 1 : i32
      %dma_start3A_649 = arith.constant 13 : i32
      %dma_start3A_650 = arith.constant 1 : i32
      %dma_start3A_651 = arith.constant 13 : i32
      %dma_start3A_652 = arith.constant 0 : i32
      %dma_start3A_653 = arith.constant 0 : i32
      %dma_start3A_654 = tpu.memref_slice %arg6[%dma_start3A_650, %dma_start3A_651, %dma_start3A_652, %dma_start3A_653] : memref<2x32x50x32xf32, #tpu.memory_space<vmem>> -> memref<1x1x50x32xf32, #tpu.memory_space<vmem>>
      %dma_start3A_655 = tpu.memref_squeeze %dma_start3A_654 : memref<1x1x50x32xf32, #tpu.memory_space<vmem>> -> memref<50x32xf32, #tpu.memory_space<vmem>>
      %dma_start3A_656 = arith.constant 0 : i32
      %dma_start3A_657 = tpu.memref_slice %arg5[%dma_start3A_648, %dma_start3A_649, %dma_start3A_656] : memref<2x32x50xi32, #tpu.memory_space<vmem>> -> memref<1x1x50xi32, #tpu.memory_space<vmem>>
      %dma_start3A_658 = tpu.memref_squeeze %dma_start3A_657 : memref<1x1x50xi32, #tpu.memory_space<vmem>> -> memref<50xi32, #tpu.memory_space<vmem>>
      %dma_start3A_659 = arith.constant 0 : i32
      %dma_start3A_660 = arith.constant 0 : i32
      %dma_start3A_661 = tpu.memref_slice %arg2[%dma_start3A_659, %dma_start3A_660] : memref<1000000x32xf32, #tpu.memory_space<hbm>> -> memref<1000000x32xf32, #tpu.memory_space<hbm>>
      tpu.enqueue_indirect_dma source(%dma_start3A_661 : memref<1000000x32xf32, #tpu.memory_space<hbm>>) target(%dma_start3A_655 : memref<50x32xf32, #tpu.memory_space<vmem>>) offsets(%dma_start3A_658 : memref<50xi32, #tpu.memory_space<vmem>>) semaphore(%arg8 : memref<!tpu.dma_semaphore, #tpu.memory_space<semaphore_mem>>)
      %dma_start3A_662 = arith.constant 1 : i32
      %dma_start3A_663 = arith.constant 14 : i32
      %dma_start3A_664 = arith.constant 1 : i32
      %dma_start3A_665 = arith.constant 14 : i32
      %dma_start3A_666 = arith.constant 0 : i32
      %dma_start3A_667 = arith.constant 0 : i32
      %dma_start3A_668 = tpu.memref_slice %arg6[%dma_start3A_664, %dma_start3A_665, %dma_start3A_666, %dma_start3A_667] : memref<2x32x50x32xf32, #tpu.memory_space<vmem>> -> memref<1x1x50x32xf32, #tpu.memory_space<vmem>>
      %dma_start3A_669 = tpu.memref_squeeze %dma_start3A_668 : memref<1x1x50x32xf32, #tpu.memory_space<vmem>> -> memref<50x32xf32, #tpu.memory_space<vmem>>
      %dma_start3A_670 = arith.constant 0 : i32
      %dma_start3A_671 = tpu.memref_slice %arg5[%dma_start3A_662, %dma_start3A_663, %dma_start3A_670] : memref<2x32x50xi32, #tpu.memory_space<vmem>> -> memref<1x1x50xi32, #tpu.memory_space<vmem>>
      %dma_start3A_672 = tpu.memref_squeeze %dma_start3A_671 : memref<1x1x50xi32, #tpu.memory_space<vmem>> -> memref<50xi32, #tpu.memory_space<vmem>>
      %dma_start3A_673 = arith.constant 0 : i32
      %dma_start3A_674 = arith.constant 0 : i32
      %dma_start3A_675 = tpu.memref_slice %arg2[%dma_start3A_673, %dma_start3A_674] : memref<1000000x32xf32, #tpu.memory_space<hbm>> -> memref<1000000x32xf32, #tpu.memory_space<hbm>>
      tpu.enqueue_indirect_dma source(%dma_start3A_675 : memref<1000000x32xf32, #tpu.memory_space<hbm>>) target(%dma_start3A_669 : memref<50x32xf32, #tpu.memory_space<vmem>>) offsets(%dma_start3A_672 : memref<50xi32, #tpu.memory_space<vmem>>) semaphore(%arg8 : memref<!tpu.dma_semaphore, #tpu.memory_space<semaphore_mem>>)
      %dma_start3A_676 = arith.constant 1 : i32
      %dma_start3A_677 = arith.constant 15 : i32
      %dma_start3A_678 = arith.constant 1 : i32
      %dma_start3A_679 = arith.constant 15 : i32
      %dma_start3A_680 = arith.constant 0 : i32
      %dma_start3A_681 = arith.constant 0 : i32
      %dma_start3A_682 = tpu.memref_slice %arg6[%dma_start3A_678, %dma_start3A_679, %dma_start3A_680, %dma_start3A_681] : memref<2x32x50x32xf32, #tpu.memory_space<vmem>> -> memref<1x1x50x32xf32, #tpu.memory_space<vmem>>
      %dma_start3A_683 = tpu.memref_squeeze %dma_start3A_682 : memref<1x1x50x32xf32, #tpu.memory_space<vmem>> -> memref<50x32xf32, #tpu.memory_space<vmem>>
      %dma_start3A_684 = arith.constant 0 : i32
      %dma_start3A_685 = tpu.memref_slice %arg5[%dma_start3A_676, %dma_start3A_677, %dma_start3A_684] : memref<2x32x50xi32, #tpu.memory_space<vmem>> -> memref<1x1x50xi32, #tpu.memory_space<vmem>>
      %dma_start3A_686 = tpu.memref_squeeze %dma_start3A_685 : memref<1x1x50xi32, #tpu.memory_space<vmem>> -> memref<50xi32, #tpu.memory_space<vmem>>
      %dma_start3A_687 = arith.constant 0 : i32
      %dma_start3A_688 = arith.constant 0 : i32
      %dma_start3A_689 = tpu.memref_slice %arg2[%dma_start3A_687, %dma_start3A_688] : memref<1000000x32xf32, #tpu.memory_space<hbm>> -> memref<1000000x32xf32, #tpu.memory_space<hbm>>
      tpu.enqueue_indirect_dma source(%dma_start3A_689 : memref<1000000x32xf32, #tpu.memory_space<hbm>>) target(%dma_start3A_683 : memref<50x32xf32, #tpu.memory_space<vmem>>) offsets(%dma_start3A_686 : memref<50xi32, #tpu.memory_space<vmem>>) semaphore(%arg8 : memref<!tpu.dma_semaphore, #tpu.memory_space<semaphore_mem>>)
      %dma_start3A_690 = arith.constant 1 : i32
      %dma_start3A_691 = arith.constant 16 : i32
      %dma_start3A_692 = arith.constant 1 : i32
      %dma_start3A_693 = arith.constant 16 : i32
      %dma_start3A_694 = arith.constant 0 : i32
      %dma_start3A_695 = arith.constant 0 : i32
      %dma_start3A_696 = tpu.memref_slice %arg6[%dma_start3A_692, %dma_start3A_693, %dma_start3A_694, %dma_start3A_695] : memref<2x32x50x32xf32, #tpu.memory_space<vmem>> -> memref<1x1x50x32xf32, #tpu.memory_space<vmem>>
      %dma_start3A_697 = tpu.memref_squeeze %dma_start3A_696 : memref<1x1x50x32xf32, #tpu.memory_space<vmem>> -> memref<50x32xf32, #tpu.memory_space<vmem>>
      %dma_start3A_698 = arith.constant 0 : i32
      %dma_start3A_699 = tpu.memref_slice %arg5[%dma_start3A_690, %dma_start3A_691, %dma_start3A_698] : memref<2x32x50xi32, #tpu.memory_space<vmem>> -> memref<1x1x50xi32, #tpu.memory_space<vmem>>
      %dma_start3A_700 = tpu.memref_squeeze %dma_start3A_699 : memref<1x1x50xi32, #tpu.memory_space<vmem>> -> memref<50xi32, #tpu.memory_space<vmem>>
      %dma_start3A_701 = arith.constant 0 : i32
      %dma_start3A_702 = arith.constant 0 : i32
      %dma_start3A_703 = tpu.memref_slice %arg2[%dma_start3A_701, %dma_start3A_702] : memref<1000000x32xf32, #tpu.memory_space<hbm>> -> memref<1000000x32xf32, #tpu.memory_space<hbm>>
      tpu.enqueue_indirect_dma source(%dma_start3A_703 : memref<1000000x32xf32, #tpu.memory_space<hbm>>) target(%dma_start3A_697 : memref<50x32xf32, #tpu.memory_space<vmem>>) offsets(%dma_start3A_700 : memref<50xi32, #tpu.memory_space<vmem>>) semaphore(%arg8 : memref<!tpu.dma_semaphore, #tpu.memory_space<semaphore_mem>>)
      %dma_start3A_704 = arith.constant 1 : i32
      %dma_start3A_705 = arith.constant 17 : i32
      %dma_start3A_706 = arith.constant 1 : i32
      %dma_start3A_707 = arith.constant 17 : i32
      %dma_start3A_708 = arith.constant 0 : i32
      %dma_start3A_709 = arith.constant 0 : i32
      %dma_start3A_710 = tpu.memref_slice %arg6[%dma_start3A_706, %dma_start3A_707, %dma_start3A_708, %dma_start3A_709] : memref<2x32x50x32xf32, #tpu.memory_space<vmem>> -> memref<1x1x50x32xf32, #tpu.memory_space<vmem>>
      %dma_start3A_711 = tpu.memref_squeeze %dma_start3A_710 : memref<1x1x50x32xf32, #tpu.memory_space<vmem>> -> memref<50x32xf32, #tpu.memory_space<vmem>>
      %dma_start3A_712 = arith.constant 0 : i32
      %dma_start3A_713 = tpu.memref_slice %arg5[%dma_start3A_704, %dma_start3A_705, %dma_start3A_712] : memref<2x32x50xi32, #tpu.memory_space<vmem>> -> memref<1x1x50xi32, #tpu.memory_space<vmem>>
      %dma_start3A_714 = tpu.memref_squeeze %dma_start3A_713 : memref<1x1x50xi32, #tpu.memory_space<vmem>> -> memref<50xi32, #tpu.memory_space<vmem>>
      %dma_start3A_715 = arith.constant 0 : i32
      %dma_start3A_716 = arith.constant 0 : i32
      %dma_start3A_717 = tpu.memref_slice %arg2[%dma_start3A_715, %dma_start3A_716] : memref<1000000x32xf32, #tpu.memory_space<hbm>> -> memref<1000000x32xf32, #tpu.memory_space<hbm>>
      tpu.enqueue_indirect_dma source(%dma_start3A_717 : memref<1000000x32xf32, #tpu.memory_space<hbm>>) target(%dma_start3A_711 : memref<50x32xf32, #tpu.memory_space<vmem>>) offsets(%dma_start3A_714 : memref<50xi32, #tpu.memory_space<vmem>>) semaphore(%arg8 : memref<!tpu.dma_semaphore, #tpu.memory_space<semaphore_mem>>)
      %dma_start3A_718 = arith.constant 1 : i32
      %dma_start3A_719 = arith.constant 18 : i32
      %dma_start3A_720 = arith.constant 1 : i32
      %dma_start3A_721 = arith.constant 18 : i32
      %dma_start3A_722 = arith.constant 0 : i32
      %dma_start3A_723 = arith.constant 0 : i32
      %dma_start3A_724 = tpu.memref_slice %arg6[%dma_start3A_720, %dma_start3A_721, %dma_start3A_722, %dma_start3A_723] : memref<2x32x50x32xf32, #tpu.memory_space<vmem>> -> memref<1x1x50x32xf32, #tpu.memory_space<vmem>>
      %dma_start3A_725 = tpu.memref_squeeze %dma_start3A_724 : memref<1x1x50x32xf32, #tpu.memory_space<vmem>> -> memref<50x32xf32, #tpu.memory_space<vmem>>
      %dma_start3A_726 = arith.constant 0 : i32
      %dma_start3A_727 = tpu.memref_slice %arg5[%dma_start3A_718, %dma_start3A_719, %dma_start3A_726] : memref<2x32x50xi32, #tpu.memory_space<vmem>> -> memref<1x1x50xi32, #tpu.memory_space<vmem>>
      %dma_start3A_728 = tpu.memref_squeeze %dma_start3A_727 : memref<1x1x50xi32, #tpu.memory_space<vmem>> -> memref<50xi32, #tpu.memory_space<vmem>>
      %dma_start3A_729 = arith.constant 0 : i32
      %dma_start3A_730 = arith.constant 0 : i32
      %dma_start3A_731 = tpu.memref_slice %arg2[%dma_start3A_729, %dma_start3A_730] : memref<1000000x32xf32, #tpu.memory_space<hbm>> -> memref<1000000x32xf32, #tpu.memory_space<hbm>>
      tpu.enqueue_indirect_dma source(%dma_start3A_731 : memref<1000000x32xf32, #tpu.memory_space<hbm>>) target(%dma_start3A_725 : memref<50x32xf32, #tpu.memory_space<vmem>>) offsets(%dma_start3A_728 : memref<50xi32, #tpu.memory_space<vmem>>) semaphore(%arg8 : memref<!tpu.dma_semaphore, #tpu.memory_space<semaphore_mem>>)
      %dma_start3A_732 = arith.constant 1 : i32
      %dma_start3A_733 = arith.constant 19 : i32
      %dma_start3A_734 = arith.constant 1 : i32
      %dma_start3A_735 = arith.constant 19 : i32
      %dma_start3A_736 = arith.constant 0 : i32
      %dma_start3A_737 = arith.constant 0 : i32
      %dma_start3A_738 = tpu.memref_slice %arg6[%dma_start3A_734, %dma_start3A_735, %dma_start3A_736, %dma_start3A_737] : memref<2x32x50x32xf32, #tpu.memory_space<vmem>> -> memref<1x1x50x32xf32, #tpu.memory_space<vmem>>
      %dma_start3A_739 = tpu.memref_squeeze %dma_start3A_738 : memref<1x1x50x32xf32, #tpu.memory_space<vmem>> -> memref<50x32xf32, #tpu.memory_space<vmem>>
      %dma_start3A_740 = arith.constant 0 : i32
      %dma_start3A_741 = tpu.memref_slice %arg5[%dma_start3A_732, %dma_start3A_733, %dma_start3A_740] : memref<2x32x50xi32, #tpu.memory_space<vmem>> -> memref<1x1x50xi32, #tpu.memory_space<vmem>>
      %dma_start3A_742 = tpu.memref_squeeze %dma_start3A_741 : memref<1x1x50xi32, #tpu.memory_space<vmem>> -> memref<50xi32, #tpu.memory_space<vmem>>
      %dma_start3A_743 = arith.constant 0 : i32
      %dma_start3A_744 = arith.constant 0 : i32
      %dma_start3A_745 = tpu.memref_slice %arg2[%dma_start3A_743, %dma_start3A_744] : memref<1000000x32xf32, #tpu.memory_space<hbm>> -> memref<1000000x32xf32, #tpu.memory_space<hbm>>
      tpu.enqueue_indirect_dma source(%dma_start3A_745 : memref<1000000x32xf32, #tpu.memory_space<hbm>>) target(%dma_start3A_739 : memref<50x32xf32, #tpu.memory_space<vmem>>) offsets(%dma_start3A_742 : memref<50xi32, #tpu.memory_space<vmem>>) semaphore(%arg8 : memref<!tpu.dma_semaphore, #tpu.memory_space<semaphore_mem>>)
      %dma_start3A_746 = arith.constant 1 : i32
      %dma_start3A_747 = arith.constant 20 : i32
      %dma_start3A_748 = arith.constant 1 : i32
      %dma_start3A_749 = arith.constant 20 : i32
      %dma_start3A_750 = arith.constant 0 : i32
      %dma_start3A_751 = arith.constant 0 : i32
      %dma_start3A_752 = tpu.memref_slice %arg6[%dma_start3A_748, %dma_start3A_749, %dma_start3A_750, %dma_start3A_751] : memref<2x32x50x32xf32, #tpu.memory_space<vmem>> -> memref<1x1x50x32xf32, #tpu.memory_space<vmem>>
      %dma_start3A_753 = tpu.memref_squeeze %dma_start3A_752 : memref<1x1x50x32xf32, #tpu.memory_space<vmem>> -> memref<50x32xf32, #tpu.memory_space<vmem>>
      %dma_start3A_754 = arith.constant 0 : i32
      %dma_start3A_755 = tpu.memref_slice %arg5[%dma_start3A_746, %dma_start3A_747, %dma_start3A_754] : memref<2x32x50xi32, #tpu.memory_space<vmem>> -> memref<1x1x50xi32, #tpu.memory_space<vmem>>
      %dma_start3A_756 = tpu.memref_squeeze %dma_start3A_755 : memref<1x1x50xi32, #tpu.memory_space<vmem>> -> memref<50xi32, #tpu.memory_space<vmem>>
      %dma_start3A_757 = arith.constant 0 : i32
      %dma_start3A_758 = arith.constant 0 : i32
      %dma_start3A_759 = tpu.memref_slice %arg2[%dma_start3A_757, %dma_start3A_758] : memref<1000000x32xf32, #tpu.memory_space<hbm>> -> memref<1000000x32xf32, #tpu.memory_space<hbm>>
      tpu.enqueue_indirect_dma source(%dma_start3A_759 : memref<1000000x32xf32, #tpu.memory_space<hbm>>) target(%dma_start3A_753 : memref<50x32xf32, #tpu.memory_space<vmem>>) offsets(%dma_start3A_756 : memref<50xi32, #tpu.memory_space<vmem>>) semaphore(%arg8 : memref<!tpu.dma_semaphore, #tpu.memory_space<semaphore_mem>>)
      %dma_start3A_760 = arith.constant 1 : i32
      %dma_start3A_761 = arith.constant 21 : i32
      %dma_start3A_762 = arith.constant 1 : i32
      %dma_start3A_763 = arith.constant 21 : i32
      %dma_start3A_764 = arith.constant 0 : i32
      %dma_start3A_765 = arith.constant 0 : i32
      %dma_start3A_766 = tpu.memref_slice %arg6[%dma_start3A_762, %dma_start3A_763, %dma_start3A_764, %dma_start3A_765] : memref<2x32x50x32xf32, #tpu.memory_space<vmem>> -> memref<1x1x50x32xf32, #tpu.memory_space<vmem>>
      %dma_start3A_767 = tpu.memref_squeeze %dma_start3A_766 : memref<1x1x50x32xf32, #tpu.memory_space<vmem>> -> memref<50x32xf32, #tpu.memory_space<vmem>>
      %dma_start3A_768 = arith.constant 0 : i32
      %dma_start3A_769 = tpu.memref_slice %arg5[%dma_start3A_760, %dma_start3A_761, %dma_start3A_768] : memref<2x32x50xi32, #tpu.memory_space<vmem>> -> memref<1x1x50xi32, #tpu.memory_space<vmem>>
      %dma_start3A_770 = tpu.memref_squeeze %dma_start3A_769 : memref<1x1x50xi32, #tpu.memory_space<vmem>> -> memref<50xi32, #tpu.memory_space<vmem>>
      %dma_start3A_771 = arith.constant 0 : i32
      %dma_start3A_772 = arith.constant 0 : i32
      %dma_start3A_773 = tpu.memref_slice %arg2[%dma_start3A_771, %dma_start3A_772] : memref<1000000x32xf32, #tpu.memory_space<hbm>> -> memref<1000000x32xf32, #tpu.memory_space<hbm>>
      tpu.enqueue_indirect_dma source(%dma_start3A_773 : memref<1000000x32xf32, #tpu.memory_space<hbm>>) target(%dma_start3A_767 : memref<50x32xf32, #tpu.memory_space<vmem>>) offsets(%dma_start3A_770 : memref<50xi32, #tpu.memory_space<vmem>>) semaphore(%arg8 : memref<!tpu.dma_semaphore, #tpu.memory_space<semaphore_mem>>)
      %dma_start3A_774 = arith.constant 1 : i32
      %dma_start3A_775 = arith.constant 22 : i32
      %dma_start3A_776 = arith.constant 1 : i32
      %dma_start3A_777 = arith.constant 22 : i32
      %dma_start3A_778 = arith.constant 0 : i32
      %dma_start3A_779 = arith.constant 0 : i32
      %dma_start3A_780 = tpu.memref_slice %arg6[%dma_start3A_776, %dma_start3A_777, %dma_start3A_778, %dma_start3A_779] : memref<2x32x50x32xf32, #tpu.memory_space<vmem>> -> memref<1x1x50x32xf32, #tpu.memory_space<vmem>>
      %dma_start3A_781 = tpu.memref_squeeze %dma_start3A_780 : memref<1x1x50x32xf32, #tpu.memory_space<vmem>> -> memref<50x32xf32, #tpu.memory_space<vmem>>
      %dma_start3A_782 = arith.constant 0 : i32
      %dma_start3A_783 = tpu.memref_slice %arg5[%dma_start3A_774, %dma_start3A_775, %dma_start3A_782] : memref<2x32x50xi32, #tpu.memory_space<vmem>> -> memref<1x1x50xi32, #tpu.memory_space<vmem>>
      %dma_start3A_784 = tpu.memref_squeeze %dma_start3A_783 : memref<1x1x50xi32, #tpu.memory_space<vmem>> -> memref<50xi32, #tpu.memory_space<vmem>>
      %dma_start3A_785 = arith.constant 0 : i32
      %dma_start3A_786 = arith.constant 0 : i32
      %dma_start3A_787 = tpu.memref_slice %arg2[%dma_start3A_785, %dma_start3A_786] : memref<1000000x32xf32, #tpu.memory_space<hbm>> -> memref<1000000x32xf32, #tpu.memory_space<hbm>>
      tpu.enqueue_indirect_dma source(%dma_start3A_787 : memref<1000000x32xf32, #tpu.memory_space<hbm>>) target(%dma_start3A_781 : memref<50x32xf32, #tpu.memory_space<vmem>>) offsets(%dma_start3A_784 : memref<50xi32, #tpu.memory_space<vmem>>) semaphore(%arg8 : memref<!tpu.dma_semaphore, #tpu.memory_space<semaphore_mem>>)
      %dma_start3A_788 = arith.constant 1 : i32
      %dma_start3A_789 = arith.constant 23 : i32
      %dma_start3A_790 = arith.constant 1 : i32
      %dma_start3A_791 = arith.constant 23 : i32
      %dma_start3A_792 = arith.constant 0 : i32
      %dma_start3A_793 = arith.constant 0 : i32
      %dma_start3A_794 = tpu.memref_slice %arg6[%dma_start3A_790, %dma_start3A_791, %dma_start3A_792, %dma_start3A_793] : memref<2x32x50x32xf32, #tpu.memory_space<vmem>> -> memref<1x1x50x32xf32, #tpu.memory_space<vmem>>
      %dma_start3A_795 = tpu.memref_squeeze %dma_start3A_794 : memref<1x1x50x32xf32, #tpu.memory_space<vmem>> -> memref<50x32xf32, #tpu.memory_space<vmem>>
      %dma_start3A_796 = arith.constant 0 : i32
      %dma_start3A_797 = tpu.memref_slice %arg5[%dma_start3A_788, %dma_start3A_789, %dma_start3A_796] : memref<2x32x50xi32, #tpu.memory_space<vmem>> -> memref<1x1x50xi32, #tpu.memory_space<vmem>>
      %dma_start3A_798 = tpu.memref_squeeze %dma_start3A_797 : memref<1x1x50xi32, #tpu.memory_space<vmem>> -> memref<50xi32, #tpu.memory_space<vmem>>
      %dma_start3A_799 = arith.constant 0 : i32
      %dma_start3A_800 = arith.constant 0 : i32
      %dma_start3A_801 = tpu.memref_slice %arg2[%dma_start3A_799, %dma_start3A_800] : memref<1000000x32xf32, #tpu.memory_space<hbm>> -> memref<1000000x32xf32, #tpu.memory_space<hbm>>
      tpu.enqueue_indirect_dma source(%dma_start3A_801 : memref<1000000x32xf32, #tpu.memory_space<hbm>>) target(%dma_start3A_795 : memref<50x32xf32, #tpu.memory_space<vmem>>) offsets(%dma_start3A_798 : memref<50xi32, #tpu.memory_space<vmem>>) semaphore(%arg8 : memref<!tpu.dma_semaphore, #tpu.memory_space<semaphore_mem>>)
      %dma_start3A_802 = arith.constant 1 : i32
      %dma_start3A_803 = arith.constant 24 : i32
      %dma_start3A_804 = arith.constant 1 : i32
      %dma_start3A_805 = arith.constant 24 : i32
      %dma_start3A_806 = arith.constant 0 : i32
      %dma_start3A_807 = arith.constant 0 : i32
      %dma_start3A_808 = tpu.memref_slice %arg6[%dma_start3A_804, %dma_start3A_805, %dma_start3A_806, %dma_start3A_807] : memref<2x32x50x32xf32, #tpu.memory_space<vmem>> -> memref<1x1x50x32xf32, #tpu.memory_space<vmem>>
      %dma_start3A_809 = tpu.memref_squeeze %dma_start3A_808 : memref<1x1x50x32xf32, #tpu.memory_space<vmem>> -> memref<50x32xf32, #tpu.memory_space<vmem>>
      %dma_start3A_810 = arith.constant 0 : i32
      %dma_start3A_811 = tpu.memref_slice %arg5[%dma_start3A_802, %dma_start3A_803, %dma_start3A_810] : memref<2x32x50xi32, #tpu.memory_space<vmem>> -> memref<1x1x50xi32, #tpu.memory_space<vmem>>
      %dma_start3A_812 = tpu.memref_squeeze %dma_start3A_811 : memref<1x1x50xi32, #tpu.memory_space<vmem>> -> memref<50xi32, #tpu.memory_space<vmem>>
      %dma_start3A_813 = arith.constant 0 : i32
      %dma_start3A_814 = arith.constant 0 : i32
      %dma_start3A_815 = tpu.memref_slice %arg2[%dma_start3A_813, %dma_start3A_814] : memref<1000000x32xf32, #tpu.memory_space<hbm>> -> memref<1000000x32xf32, #tpu.memory_space<hbm>>
      tpu.enqueue_indirect_dma source(%dma_start3A_815 : memref<1000000x32xf32, #tpu.memory_space<hbm>>) target(%dma_start3A_809 : memref<50x32xf32, #tpu.memory_space<vmem>>) offsets(%dma_start3A_812 : memref<50xi32, #tpu.memory_space<vmem>>) semaphore(%arg8 : memref<!tpu.dma_semaphore, #tpu.memory_space<semaphore_mem>>)
      %dma_start3A_816 = arith.constant 1 : i32
      %dma_start3A_817 = arith.constant 25 : i32
      %dma_start3A_818 = arith.constant 1 : i32
      %dma_start3A_819 = arith.constant 25 : i32
      %dma_start3A_820 = arith.constant 0 : i32
      %dma_start3A_821 = arith.constant 0 : i32
      %dma_start3A_822 = tpu.memref_slice %arg6[%dma_start3A_818, %dma_start3A_819, %dma_start3A_820, %dma_start3A_821] : memref<2x32x50x32xf32, #tpu.memory_space<vmem>> -> memref<1x1x50x32xf32, #tpu.memory_space<vmem>>
      %dma_start3A_823 = tpu.memref_squeeze %dma_start3A_822 : memref<1x1x50x32xf32, #tpu.memory_space<vmem>> -> memref<50x32xf32, #tpu.memory_space<vmem>>
      %dma_start3A_824 = arith.constant 0 : i32
      %dma_start3A_825 = tpu.memref_slice %arg5[%dma_start3A_816, %dma_start3A_817, %dma_start3A_824] : memref<2x32x50xi32, #tpu.memory_space<vmem>> -> memref<1x1x50xi32, #tpu.memory_space<vmem>>
      %dma_start3A_826 = tpu.memref_squeeze %dma_start3A_825 : memref<1x1x50xi32, #tpu.memory_space<vmem>> -> memref<50xi32, #tpu.memory_space<vmem>>
      %dma_start3A_827 = arith.constant 0 : i32
      %dma_start3A_828 = arith.constant 0 : i32
      %dma_start3A_829 = tpu.memref_slice %arg2[%dma_start3A_827, %dma_start3A_828] : memref<1000000x32xf32, #tpu.memory_space<hbm>> -> memref<1000000x32xf32, #tpu.memory_space<hbm>>
      tpu.enqueue_indirect_dma source(%dma_start3A_829 : memref<1000000x32xf32, #tpu.memory_space<hbm>>) target(%dma_start3A_823 : memref<50x32xf32, #tpu.memory_space<vmem>>) offsets(%dma_start3A_826 : memref<50xi32, #tpu.memory_space<vmem>>) semaphore(%arg8 : memref<!tpu.dma_semaphore, #tpu.memory_space<semaphore_mem>>)
      %dma_start3A_830 = arith.constant 1 : i32
      %dma_start3A_831 = arith.constant 26 : i32
      %dma_start3A_832 = arith.constant 1 : i32
      %dma_start3A_833 = arith.constant 26 : i32
      %dma_start3A_834 = arith.constant 0 : i32
      %dma_start3A_835 = arith.constant 0 : i32
      %dma_start3A_836 = tpu.memref_slice %arg6[%dma_start3A_832, %dma_start3A_833, %dma_start3A_834, %dma_start3A_835] : memref<2x32x50x32xf32, #tpu.memory_space<vmem>> -> memref<1x1x50x32xf32, #tpu.memory_space<vmem>>
      %dma_start3A_837 = tpu.memref_squeeze %dma_start3A_836 : memref<1x1x50x32xf32, #tpu.memory_space<vmem>> -> memref<50x32xf32, #tpu.memory_space<vmem>>
      %dma_start3A_838 = arith.constant 0 : i32
      %dma_start3A_839 = tpu.memref_slice %arg5[%dma_start3A_830, %dma_start3A_831, %dma_start3A_838] : memref<2x32x50xi32, #tpu.memory_space<vmem>> -> memref<1x1x50xi32, #tpu.memory_space<vmem>>
      %dma_start3A_840 = tpu.memref_squeeze %dma_start3A_839 : memref<1x1x50xi32, #tpu.memory_space<vmem>> -> memref<50xi32, #tpu.memory_space<vmem>>
      %dma_start3A_841 = arith.constant 0 : i32
      %dma_start3A_842 = arith.constant 0 : i32
      %dma_start3A_843 = tpu.memref_slice %arg2[%dma_start3A_841, %dma_start3A_842] : memref<1000000x32xf32, #tpu.memory_space<hbm>> -> memref<1000000x32xf32, #tpu.memory_space<hbm>>
      tpu.enqueue_indirect_dma source(%dma_start3A_843 : memref<1000000x32xf32, #tpu.memory_space<hbm>>) target(%dma_start3A_837 : memref<50x32xf32, #tpu.memory_space<vmem>>) offsets(%dma_start3A_840 : memref<50xi32, #tpu.memory_space<vmem>>) semaphore(%arg8 : memref<!tpu.dma_semaphore, #tpu.memory_space<semaphore_mem>>)
      %dma_start3A_844 = arith.constant 1 : i32
      %dma_start3A_845 = arith.constant 27 : i32
      %dma_start3A_846 = arith.constant 1 : i32
      %dma_start3A_847 = arith.constant 27 : i32
      %dma_start3A_848 = arith.constant 0 : i32
      %dma_start3A_849 = arith.constant 0 : i32
      %dma_start3A_850 = tpu.memref_slice %arg6[%dma_start3A_846, %dma_start3A_847, %dma_start3A_848, %dma_start3A_849] : memref<2x32x50x32xf32, #tpu.memory_space<vmem>> -> memref<1x1x50x32xf32, #tpu.memory_space<vmem>>
      %dma_start3A_851 = tpu.memref_squeeze %dma_start3A_850 : memref<1x1x50x32xf32, #tpu.memory_space<vmem>> -> memref<50x32xf32, #tpu.memory_space<vmem>>
      %dma_start3A_852 = arith.constant 0 : i32
      %dma_start3A_853 = tpu.memref_slice %arg5[%dma_start3A_844, %dma_start3A_845, %dma_start3A_852] : memref<2x32x50xi32, #tpu.memory_space<vmem>> -> memref<1x1x50xi32, #tpu.memory_space<vmem>>
      %dma_start3A_854 = tpu.memref_squeeze %dma_start3A_853 : memref<1x1x50xi32, #tpu.memory_space<vmem>> -> memref<50xi32, #tpu.memory_space<vmem>>
      %dma_start3A_855 = arith.constant 0 : i32
      %dma_start3A_856 = arith.constant 0 : i32
      %dma_start3A_857 = tpu.memref_slice %arg2[%dma_start3A_855, %dma_start3A_856] : memref<1000000x32xf32, #tpu.memory_space<hbm>> -> memref<1000000x32xf32, #tpu.memory_space<hbm>>
      tpu.enqueue_indirect_dma source(%dma_start3A_857 : memref<1000000x32xf32, #tpu.memory_space<hbm>>) target(%dma_start3A_851 : memref<50x32xf32, #tpu.memory_space<vmem>>) offsets(%dma_start3A_854 : memref<50xi32, #tpu.memory_space<vmem>>) semaphore(%arg8 : memref<!tpu.dma_semaphore, #tpu.memory_space<semaphore_mem>>)
      %dma_start3A_858 = arith.constant 1 : i32
      %dma_start3A_859 = arith.constant 28 : i32
      %dma_start3A_860 = arith.constant 1 : i32
      %dma_start3A_861 = arith.constant 28 : i32
      %dma_start3A_862 = arith.constant 0 : i32
      %dma_start3A_863 = arith.constant 0 : i32
      %dma_start3A_864 = tpu.memref_slice %arg6[%dma_start3A_860, %dma_start3A_861, %dma_start3A_862, %dma_start3A_863] : memref<2x32x50x32xf32, #tpu.memory_space<vmem>> -> memref<1x1x50x32xf32, #tpu.memory_space<vmem>>
      %dma_start3A_865 = tpu.memref_squeeze %dma_start3A_864 : memref<1x1x50x32xf32, #tpu.memory_space<vmem>> -> memref<50x32xf32, #tpu.memory_space<vmem>>
      %dma_start3A_866 = arith.constant 0 : i32
      %dma_start3A_867 = tpu.memref_slice %arg5[%dma_start3A_858, %dma_start3A_859, %dma_start3A_866] : memref<2x32x50xi32, #tpu.memory_space<vmem>> -> memref<1x1x50xi32, #tpu.memory_space<vmem>>
      %dma_start3A_868 = tpu.memref_squeeze %dma_start3A_867 : memref<1x1x50xi32, #tpu.memory_space<vmem>> -> memref<50xi32, #tpu.memory_space<vmem>>
      %dma_start3A_869 = arith.constant 0 : i32
      %dma_start3A_870 = arith.constant 0 : i32
      %dma_start3A_871 = tpu.memref_slice %arg2[%dma_start3A_869, %dma_start3A_870] : memref<1000000x32xf32, #tpu.memory_space<hbm>> -> memref<1000000x32xf32, #tpu.memory_space<hbm>>
      tpu.enqueue_indirect_dma source(%dma_start3A_871 : memref<1000000x32xf32, #tpu.memory_space<hbm>>) target(%dma_start3A_865 : memref<50x32xf32, #tpu.memory_space<vmem>>) offsets(%dma_start3A_868 : memref<50xi32, #tpu.memory_space<vmem>>) semaphore(%arg8 : memref<!tpu.dma_semaphore, #tpu.memory_space<semaphore_mem>>)
      %dma_start3A_872 = arith.constant 1 : i32
      %dma_start3A_873 = arith.constant 29 : i32
      %dma_start3A_874 = arith.constant 1 : i32
      %dma_start3A_875 = arith.constant 29 : i32
      %dma_start3A_876 = arith.constant 0 : i32
      %dma_start3A_877 = arith.constant 0 : i32
      %dma_start3A_878 = tpu.memref_slice %arg6[%dma_start3A_874, %dma_start3A_875, %dma_start3A_876, %dma_start3A_877] : memref<2x32x50x32xf32, #tpu.memory_space<vmem>> -> memref<1x1x50x32xf32, #tpu.memory_space<vmem>>
      %dma_start3A_879 = tpu.memref_squeeze %dma_start3A_878 : memref<1x1x50x32xf32, #tpu.memory_space<vmem>> -> memref<50x32xf32, #tpu.memory_space<vmem>>
      %dma_start3A_880 = arith.constant 0 : i32
      %dma_start3A_881 = tpu.memref_slice %arg5[%dma_start3A_872, %dma_start3A_873, %dma_start3A_880] : memref<2x32x50xi32, #tpu.memory_space<vmem>> -> memref<1x1x50xi32, #tpu.memory_space<vmem>>
      %dma_start3A_882 = tpu.memref_squeeze %dma_start3A_881 : memref<1x1x50xi32, #tpu.memory_space<vmem>> -> memref<50xi32, #tpu.memory_space<vmem>>
      %dma_start3A_883 = arith.constant 0 : i32
      %dma_start3A_884 = arith.constant 0 : i32
      %dma_start3A_885 = tpu.memref_slice %arg2[%dma_start3A_883, %dma_start3A_884] : memref<1000000x32xf32, #tpu.memory_space<hbm>> -> memref<1000000x32xf32, #tpu.memory_space<hbm>>
      tpu.enqueue_indirect_dma source(%dma_start3A_885 : memref<1000000x32xf32, #tpu.memory_space<hbm>>) target(%dma_start3A_879 : memref<50x32xf32, #tpu.memory_space<vmem>>) offsets(%dma_start3A_882 : memref<50xi32, #tpu.memory_space<vmem>>) semaphore(%arg8 : memref<!tpu.dma_semaphore, #tpu.memory_space<semaphore_mem>>)
      %dma_start3A_886 = arith.constant 1 : i32
      %dma_start3A_887 = arith.constant 30 : i32
      %dma_start3A_888 = arith.constant 1 : i32
      %dma_start3A_889 = arith.constant 30 : i32
      %dma_start3A_890 = arith.constant 0 : i32
      %dma_start3A_891 = arith.constant 0 : i32
      %dma_start3A_892 = tpu.memref_slice %arg6[%dma_start3A_888, %dma_start3A_889, %dma_start3A_890, %dma_start3A_891] : memref<2x32x50x32xf32, #tpu.memory_space<vmem>> -> memref<1x1x50x32xf32, #tpu.memory_space<vmem>>
      %dma_start3A_893 = tpu.memref_squeeze %dma_start3A_892 : memref<1x1x50x32xf32, #tpu.memory_space<vmem>> -> memref<50x32xf32, #tpu.memory_space<vmem>>
      %dma_start3A_894 = arith.constant 0 : i32
      %dma_start3A_895 = tpu.memref_slice %arg5[%dma_start3A_886, %dma_start3A_887, %dma_start3A_894] : memref<2x32x50xi32, #tpu.memory_space<vmem>> -> memref<1x1x50xi32, #tpu.memory_space<vmem>>
      %dma_start3A_896 = tpu.memref_squeeze %dma_start3A_895 : memref<1x1x50xi32, #tpu.memory_space<vmem>> -> memref<50xi32, #tpu.memory_space<vmem>>
      %dma_start3A_897 = arith.constant 0 : i32
      %dma_start3A_898 = arith.constant 0 : i32
      %dma_start3A_899 = tpu.memref_slice %arg2[%dma_start3A_897, %dma_start3A_898] : memref<1000000x32xf32, #tpu.memory_space<hbm>> -> memref<1000000x32xf32, #tpu.memory_space<hbm>>
      tpu.enqueue_indirect_dma source(%dma_start3A_899 : memref<1000000x32xf32, #tpu.memory_space<hbm>>) target(%dma_start3A_893 : memref<50x32xf32, #tpu.memory_space<vmem>>) offsets(%dma_start3A_896 : memref<50xi32, #tpu.memory_space<vmem>>) semaphore(%arg8 : memref<!tpu.dma_semaphore, #tpu.memory_space<semaphore_mem>>)
      %dma_start3A_900 = arith.constant 1 : i32
      %dma_start3A_901 = arith.constant 31 : i32
      %dma_start3A_902 = arith.constant 1 : i32
      %dma_start3A_903 = arith.constant 31 : i32
      %dma_start3A_904 = arith.constant 0 : i32
      %dma_start3A_905 = arith.constant 0 : i32
      %dma_start3A_906 = tpu.memref_slice %arg6[%dma_start3A_902, %dma_start3A_903, %dma_start3A_904, %dma_start3A_905] : memref<2x32x50x32xf32, #tpu.memory_space<vmem>> -> memref<1x1x50x32xf32, #tpu.memory_space<vmem>>
      %dma_start3A_907 = tpu.memref_squeeze %dma_start3A_906 : memref<1x1x50x32xf32, #tpu.memory_space<vmem>> -> memref<50x32xf32, #tpu.memory_space<vmem>>
      %dma_start3A_908 = arith.constant 0 : i32
      %dma_start3A_909 = tpu.memref_slice %arg5[%dma_start3A_900, %dma_start3A_901, %dma_start3A_908] : memref<2x32x50xi32, #tpu.memory_space<vmem>> -> memref<1x1x50xi32, #tpu.memory_space<vmem>>
      %dma_start3A_910 = tpu.memref_squeeze %dma_start3A_909 : memref<1x1x50xi32, #tpu.memory_space<vmem>> -> memref<50xi32, #tpu.memory_space<vmem>>
      %dma_start3A_911 = arith.constant 0 : i32
      %dma_start3A_912 = arith.constant 0 : i32
      %dma_start3A_913 = tpu.memref_slice %arg2[%dma_start3A_911, %dma_start3A_912] : memref<1000000x32xf32, #tpu.memory_space<hbm>> -> memref<1000000x32xf32, #tpu.memory_space<hbm>>
      tpu.enqueue_indirect_dma source(%dma_start3A_913 : memref<1000000x32xf32, #tpu.memory_space<hbm>>) target(%dma_start3A_907 : memref<50x32xf32, #tpu.memory_space<vmem>>) offsets(%dma_start3A_910 : memref<50xi32, #tpu.memory_space<vmem>>) semaphore(%arg8 : memref<!tpu.dma_semaphore, #tpu.memory_space<semaphore_mem>>)
      %dma_wait3A = arith.constant 0 : i32
      %dma_wait3A_914 = arith.constant 0 : i32
      %dma_wait3A_915 = arith.constant 0 : i32
      %dma_wait3A_916 = arith.constant 0 : i32
      %dma_wait3A_917 = arith.constant 0 : i32
      %dma_wait3A_918 = arith.constant 0 : i32
      %dma_wait3A_919 = tpu.memref_slice %arg6[%dma_wait3A_915, %dma_wait3A_916, %dma_wait3A_917, %dma_wait3A_918] : memref<2x32x50x32xf32, #tpu.memory_space<vmem>> -> memref<1x1x50x32xf32, #tpu.memory_space<vmem>>
      %dma_wait3A_920 = tpu.memref_squeeze %dma_wait3A_919 : memref<1x1x50x32xf32, #tpu.memory_space<vmem>> -> memref<50x32xf32, #tpu.memory_space<vmem>>
      %dma_wait3A_921 = arith.constant 0 : i32
      %dma_wait3A_922 = tpu.memref_slice %arg5[%dma_wait3A, %dma_wait3A_914, %dma_wait3A_921] : memref<2x32x50xi32, #tpu.memory_space<vmem>> -> memref<1x1x50xi32, #tpu.memory_space<vmem>>
      %dma_wait3A_923 = tpu.memref_squeeze %dma_wait3A_922 : memref<1x1x50xi32, #tpu.memory_space<vmem>> -> memref<50xi32, #tpu.memory_space<vmem>>
      %dma_wait3A_924 = arith.constant 0 : i32
      %dma_wait3A_925 = arith.constant 0 : i32
      %dma_wait3A_926 = tpu.memref_slice %arg2[%dma_wait3A_924, %dma_wait3A_925] : memref<1000000x32xf32, #tpu.memory_space<hbm>> -> memref<1000000x32xf32, #tpu.memory_space<hbm>>
      tpu.wait_indirect_dma semaphore(%arg7 : memref<!tpu.dma_semaphore, #tpu.memory_space<semaphore_mem>>) src(%dma_wait3A_926 : memref<1000000x32xf32, #tpu.memory_space<hbm>>) dst(%dma_wait3A_920 : memref<50x32xf32, #tpu.memory_space<vmem>>)
      %dma_wait3A_927 = arith.constant 0 : i32
      %dma_wait3A_928 = arith.constant 1 : i32
      %dma_wait3A_929 = arith.constant 0 : i32
      %dma_wait3A_930 = arith.constant 1 : i32
      %dma_wait3A_931 = arith.constant 0 : i32
      %dma_wait3A_932 = arith.constant 0 : i32
      %dma_wait3A_933 = tpu.memref_slice %arg6[%dma_wait3A_929, %dma_wait3A_930, %dma_wait3A_931, %dma_wait3A_932] : memref<2x32x50x32xf32, #tpu.memory_space<vmem>> -> memref<1x1x50x32xf32, #tpu.memory_space<vmem>>
      %dma_wait3A_934 = tpu.memref_squeeze %dma_wait3A_933 : memref<1x1x50x32xf32, #tpu.memory_space<vmem>> -> memref<50x32xf32, #tpu.memory_space<vmem>>
      %dma_wait3A_935 = arith.constant 0 : i32
      %dma_wait3A_936 = tpu.memref_slice %arg5[%dma_wait3A_927, %dma_wait3A_928, %dma_wait3A_935] : memref<2x32x50xi32, #tpu.memory_space<vmem>> -> memref<1x1x50xi32, #tpu.memory_space<vmem>>
      %dma_wait3A_937 = tpu.memref_squeeze %dma_wait3A_936 : memref<1x1x50xi32, #tpu.memory_space<vmem>> -> memref<50xi32, #tpu.memory_space<vmem>>
      %dma_wait3A_938 = arith.constant 0 : i32
      %dma_wait3A_939 = arith.constant 0 : i32
      %dma_wait3A_940 = tpu.memref_slice %arg2[%dma_wait3A_938, %dma_wait3A_939] : memref<1000000x32xf32, #tpu.memory_space<hbm>> -> memref<1000000x32xf32, #tpu.memory_space<hbm>>
      tpu.wait_indirect_dma semaphore(%arg7 : memref<!tpu.dma_semaphore, #tpu.memory_space<semaphore_mem>>) src(%dma_wait3A_940 : memref<1000000x32xf32, #tpu.memory_space<hbm>>) dst(%dma_wait3A_934 : memref<50x32xf32, #tpu.memory_space<vmem>>)
      %dma_wait3A_941 = arith.constant 0 : i32
      %dma_wait3A_942 = arith.constant 2 : i32
      %dma_wait3A_943 = arith.constant 0 : i32
      %dma_wait3A_944 = arith.constant 2 : i32
      %dma_wait3A_945 = arith.constant 0 : i32
      %dma_wait3A_946 = arith.constant 0 : i32
      %dma_wait3A_947 = tpu.memref_slice %arg6[%dma_wait3A_943, %dma_wait3A_944, %dma_wait3A_945, %dma_wait3A_946] : memref<2x32x50x32xf32, #tpu.memory_space<vmem>> -> memref<1x1x50x32xf32, #tpu.memory_space<vmem>>
      %dma_wait3A_948 = tpu.memref_squeeze %dma_wait3A_947 : memref<1x1x50x32xf32, #tpu.memory_space<vmem>> -> memref<50x32xf32, #tpu.memory_space<vmem>>
      %dma_wait3A_949 = arith.constant 0 : i32
      %dma_wait3A_950 = tpu.memref_slice %arg5[%dma_wait3A_941, %dma_wait3A_942, %dma_wait3A_949] : memref<2x32x50xi32, #tpu.memory_space<vmem>> -> memref<1x1x50xi32, #tpu.memory_space<vmem>>
      %dma_wait3A_951 = tpu.memref_squeeze %dma_wait3A_950 : memref<1x1x50xi32, #tpu.memory_space<vmem>> -> memref<50xi32, #tpu.memory_space<vmem>>
      %dma_wait3A_952 = arith.constant 0 : i32
      %dma_wait3A_953 = arith.constant 0 : i32
      %dma_wait3A_954 = tpu.memref_slice %arg2[%dma_wait3A_952, %dma_wait3A_953] : memref<1000000x32xf32, #tpu.memory_space<hbm>> -> memref<1000000x32xf32, #tpu.memory_space<hbm>>
      tpu.wait_indirect_dma semaphore(%arg7 : memref<!tpu.dma_semaphore, #tpu.memory_space<semaphore_mem>>) src(%dma_wait3A_954 : memref<1000000x32xf32, #tpu.memory_space<hbm>>) dst(%dma_wait3A_948 : memref<50x32xf32, #tpu.memory_space<vmem>>)
      %dma_wait3A_955 = arith.constant 0 : i32
      %dma_wait3A_956 = arith.constant 3 : i32
      %dma_wait3A_957 = arith.constant 0 : i32
      %dma_wait3A_958 = arith.constant 3 : i32
      %dma_wait3A_959 = arith.constant 0 : i32
      %dma_wait3A_960 = arith.constant 0 : i32
      %dma_wait3A_961 = tpu.memref_slice %arg6[%dma_wait3A_957, %dma_wait3A_958, %dma_wait3A_959, %dma_wait3A_960] : memref<2x32x50x32xf32, #tpu.memory_space<vmem>> -> memref<1x1x50x32xf32, #tpu.memory_space<vmem>>
      %dma_wait3A_962 = tpu.memref_squeeze %dma_wait3A_961 : memref<1x1x50x32xf32, #tpu.memory_space<vmem>> -> memref<50x32xf32, #tpu.memory_space<vmem>>
      %dma_wait3A_963 = arith.constant 0 : i32
      %dma_wait3A_964 = tpu.memref_slice %arg5[%dma_wait3A_955, %dma_wait3A_956, %dma_wait3A_963] : memref<2x32x50xi32, #tpu.memory_space<vmem>> -> memref<1x1x50xi32, #tpu.memory_space<vmem>>
      %dma_wait3A_965 = tpu.memref_squeeze %dma_wait3A_964 : memref<1x1x50xi32, #tpu.memory_space<vmem>> -> memref<50xi32, #tpu.memory_space<vmem>>
      %dma_wait3A_966 = arith.constant 0 : i32
      %dma_wait3A_967 = arith.constant 0 : i32
      %dma_wait3A_968 = tpu.memref_slice %arg2[%dma_wait3A_966, %dma_wait3A_967] : memref<1000000x32xf32, #tpu.memory_space<hbm>> -> memref<1000000x32xf32, #tpu.memory_space<hbm>>
      tpu.wait_indirect_dma semaphore(%arg7 : memref<!tpu.dma_semaphore, #tpu.memory_space<semaphore_mem>>) src(%dma_wait3A_968 : memref<1000000x32xf32, #tpu.memory_space<hbm>>) dst(%dma_wait3A_962 : memref<50x32xf32, #tpu.memory_space<vmem>>)
      %dma_wait3A_969 = arith.constant 0 : i32
      %dma_wait3A_970 = arith.constant 4 : i32
      %dma_wait3A_971 = arith.constant 0 : i32
      %dma_wait3A_972 = arith.constant 4 : i32
      %dma_wait3A_973 = arith.constant 0 : i32
      %dma_wait3A_974 = arith.constant 0 : i32
      %dma_wait3A_975 = tpu.memref_slice %arg6[%dma_wait3A_971, %dma_wait3A_972, %dma_wait3A_973, %dma_wait3A_974] : memref<2x32x50x32xf32, #tpu.memory_space<vmem>> -> memref<1x1x50x32xf32, #tpu.memory_space<vmem>>
      %dma_wait3A_976 = tpu.memref_squeeze %dma_wait3A_975 : memref<1x1x50x32xf32, #tpu.memory_space<vmem>> -> memref<50x32xf32, #tpu.memory_space<vmem>>
      %dma_wait3A_977 = arith.constant 0 : i32
      %dma_wait3A_978 = tpu.memref_slice %arg5[%dma_wait3A_969, %dma_wait3A_970, %dma_wait3A_977] : memref<2x32x50xi32, #tpu.memory_space<vmem>> -> memref<1x1x50xi32, #tpu.memory_space<vmem>>
      %dma_wait3A_979 = tpu.memref_squeeze %dma_wait3A_978 : memref<1x1x50xi32, #tpu.memory_space<vmem>> -> memref<50xi32, #tpu.memory_space<vmem>>
      %dma_wait3A_980 = arith.constant 0 : i32
      %dma_wait3A_981 = arith.constant 0 : i32
      %dma_wait3A_982 = tpu.memref_slice %arg2[%dma_wait3A_980, %dma_wait3A_981] : memref<1000000x32xf32, #tpu.memory_space<hbm>> -> memref<1000000x32xf32, #tpu.memory_space<hbm>>
      tpu.wait_indirect_dma semaphore(%arg7 : memref<!tpu.dma_semaphore, #tpu.memory_space<semaphore_mem>>) src(%dma_wait3A_982 : memref<1000000x32xf32, #tpu.memory_space<hbm>>) dst(%dma_wait3A_976 : memref<50x32xf32, #tpu.memory_space<vmem>>)
      %dma_wait3A_983 = arith.constant 0 : i32
      %dma_wait3A_984 = arith.constant 5 : i32
      %dma_wait3A_985 = arith.constant 0 : i32
      %dma_wait3A_986 = arith.constant 5 : i32
      %dma_wait3A_987 = arith.constant 0 : i32
      %dma_wait3A_988 = arith.constant 0 : i32
      %dma_wait3A_989 = tpu.memref_slice %arg6[%dma_wait3A_985, %dma_wait3A_986, %dma_wait3A_987, %dma_wait3A_988] : memref<2x32x50x32xf32, #tpu.memory_space<vmem>> -> memref<1x1x50x32xf32, #tpu.memory_space<vmem>>
      %dma_wait3A_990 = tpu.memref_squeeze %dma_wait3A_989 : memref<1x1x50x32xf32, #tpu.memory_space<vmem>> -> memref<50x32xf32, #tpu.memory_space<vmem>>
      %dma_wait3A_991 = arith.constant 0 : i32
      %dma_wait3A_992 = tpu.memref_slice %arg5[%dma_wait3A_983, %dma_wait3A_984, %dma_wait3A_991] : memref<2x32x50xi32, #tpu.memory_space<vmem>> -> memref<1x1x50xi32, #tpu.memory_space<vmem>>
      %dma_wait3A_993 = tpu.memref_squeeze %dma_wait3A_992 : memref<1x1x50xi32, #tpu.memory_space<vmem>> -> memref<50xi32, #tpu.memory_space<vmem>>
      %dma_wait3A_994 = arith.constant 0 : i32
      %dma_wait3A_995 = arith.constant 0 : i32
      %dma_wait3A_996 = tpu.memref_slice %arg2[%dma_wait3A_994, %dma_wait3A_995] : memref<1000000x32xf32, #tpu.memory_space<hbm>> -> memref<1000000x32xf32, #tpu.memory_space<hbm>>
      tpu.wait_indirect_dma semaphore(%arg7 : memref<!tpu.dma_semaphore, #tpu.memory_space<semaphore_mem>>) src(%dma_wait3A_996 : memref<1000000x32xf32, #tpu.memory_space<hbm>>) dst(%dma_wait3A_990 : memref<50x32xf32, #tpu.memory_space<vmem>>)
      %dma_wait3A_997 = arith.constant 0 : i32
      %dma_wait3A_998 = arith.constant 6 : i32
      %dma_wait3A_999 = arith.constant 0 : i32
      %dma_wait3A_1000 = arith.constant 6 : i32
      %dma_wait3A_1001 = arith.constant 0 : i32
      %dma_wait3A_1002 = arith.constant 0 : i32
      %dma_wait3A_1003 = tpu.memref_slice %arg6[%dma_wait3A_999, %dma_wait3A_1000, %dma_wait3A_1001, %dma_wait3A_1002] : memref<2x32x50x32xf32, #tpu.memory_space<vmem>> -> memref<1x1x50x32xf32, #tpu.memory_space<vmem>>
      %dma_wait3A_1004 = tpu.memref_squeeze %dma_wait3A_1003 : memref<1x1x50x32xf32, #tpu.memory_space<vmem>> -> memref<50x32xf32, #tpu.memory_space<vmem>>
      %dma_wait3A_1005 = arith.constant 0 : i32
      %dma_wait3A_1006 = tpu.memref_slice %arg5[%dma_wait3A_997, %dma_wait3A_998, %dma_wait3A_1005] : memref<2x32x50xi32, #tpu.memory_space<vmem>> -> memref<1x1x50xi32, #tpu.memory_space<vmem>>
      %dma_wait3A_1007 = tpu.memref_squeeze %dma_wait3A_1006 : memref<1x1x50xi32, #tpu.memory_space<vmem>> -> memref<50xi32, #tpu.memory_space<vmem>>
      %dma_wait3A_1008 = arith.constant 0 : i32
      %dma_wait3A_1009 = arith.constant 0 : i32
      %dma_wait3A_1010 = tpu.memref_slice %arg2[%dma_wait3A_1008, %dma_wait3A_1009] : memref<1000000x32xf32, #tpu.memory_space<hbm>> -> memref<1000000x32xf32, #tpu.memory_space<hbm>>
      tpu.wait_indirect_dma semaphore(%arg7 : memref<!tpu.dma_semaphore, #tpu.memory_space<semaphore_mem>>) src(%dma_wait3A_1010 : memref<1000000x32xf32, #tpu.memory_space<hbm>>) dst(%dma_wait3A_1004 : memref<50x32xf32, #tpu.memory_space<vmem>>)
      %dma_wait3A_1011 = arith.constant 0 : i32
      %dma_wait3A_1012 = arith.constant 7 : i32
      %dma_wait3A_1013 = arith.constant 0 : i32
      %dma_wait3A_1014 = arith.constant 7 : i32
      %dma_wait3A_1015 = arith.constant 0 : i32
      %dma_wait3A_1016 = arith.constant 0 : i32
      %dma_wait3A_1017 = tpu.memref_slice %arg6[%dma_wait3A_1013, %dma_wait3A_1014, %dma_wait3A_1015, %dma_wait3A_1016] : memref<2x32x50x32xf32, #tpu.memory_space<vmem>> -> memref<1x1x50x32xf32, #tpu.memory_space<vmem>>
      %dma_wait3A_1018 = tpu.memref_squeeze %dma_wait3A_1017 : memref<1x1x50x32xf32, #tpu.memory_space<vmem>> -> memref<50x32xf32, #tpu.memory_space<vmem>>
      %dma_wait3A_1019 = arith.constant 0 : i32
      %dma_wait3A_1020 = tpu.memref_slice %arg5[%dma_wait3A_1011, %dma_wait3A_1012, %dma_wait3A_1019] : memref<2x32x50xi32, #tpu.memory_space<vmem>> -> memref<1x1x50xi32, #tpu.memory_space<vmem>>
      %dma_wait3A_1021 = tpu.memref_squeeze %dma_wait3A_1020 : memref<1x1x50xi32, #tpu.memory_space<vmem>> -> memref<50xi32, #tpu.memory_space<vmem>>
      %dma_wait3A_1022 = arith.constant 0 : i32
      %dma_wait3A_1023 = arith.constant 0 : i32
      %dma_wait3A_1024 = tpu.memref_slice %arg2[%dma_wait3A_1022, %dma_wait3A_1023] : memref<1000000x32xf32, #tpu.memory_space<hbm>> -> memref<1000000x32xf32, #tpu.memory_space<hbm>>
      tpu.wait_indirect_dma semaphore(%arg7 : memref<!tpu.dma_semaphore, #tpu.memory_space<semaphore_mem>>) src(%dma_wait3A_1024 : memref<1000000x32xf32, #tpu.memory_space<hbm>>) dst(%dma_wait3A_1018 : memref<50x32xf32, #tpu.memory_space<vmem>>)
      %dma_wait3A_1025 = arith.constant 0 : i32
      %dma_wait3A_1026 = arith.constant 8 : i32
      %dma_wait3A_1027 = arith.constant 0 : i32
      %dma_wait3A_1028 = arith.constant 8 : i32
      %dma_wait3A_1029 = arith.constant 0 : i32
      %dma_wait3A_1030 = arith.constant 0 : i32
      %dma_wait3A_1031 = tpu.memref_slice %arg6[%dma_wait3A_1027, %dma_wait3A_1028, %dma_wait3A_1029, %dma_wait3A_1030] : memref<2x32x50x32xf32, #tpu.memory_space<vmem>> -> memref<1x1x50x32xf32, #tpu.memory_space<vmem>>
      %dma_wait3A_1032 = tpu.memref_squeeze %dma_wait3A_1031 : memref<1x1x50x32xf32, #tpu.memory_space<vmem>> -> memref<50x32xf32, #tpu.memory_space<vmem>>
      %dma_wait3A_1033 = arith.constant 0 : i32
      %dma_wait3A_1034 = tpu.memref_slice %arg5[%dma_wait3A_1025, %dma_wait3A_1026, %dma_wait3A_1033] : memref<2x32x50xi32, #tpu.memory_space<vmem>> -> memref<1x1x50xi32, #tpu.memory_space<vmem>>
      %dma_wait3A_1035 = tpu.memref_squeeze %dma_wait3A_1034 : memref<1x1x50xi32, #tpu.memory_space<vmem>> -> memref<50xi32, #tpu.memory_space<vmem>>
      %dma_wait3A_1036 = arith.constant 0 : i32
      %dma_wait3A_1037 = arith.constant 0 : i32
      %dma_wait3A_1038 = tpu.memref_slice %arg2[%dma_wait3A_1036, %dma_wait3A_1037] : memref<1000000x32xf32, #tpu.memory_space<hbm>> -> memref<1000000x32xf32, #tpu.memory_space<hbm>>
      tpu.wait_indirect_dma semaphore(%arg7 : memref<!tpu.dma_semaphore, #tpu.memory_space<semaphore_mem>>) src(%dma_wait3A_1038 : memref<1000000x32xf32, #tpu.memory_space<hbm>>) dst(%dma_wait3A_1032 : memref<50x32xf32, #tpu.memory_space<vmem>>)
      %dma_wait3A_1039 = arith.constant 0 : i32
      %dma_wait3A_1040 = arith.constant 9 : i32
      %dma_wait3A_1041 = arith.constant 0 : i32
      %dma_wait3A_1042 = arith.constant 9 : i32
      %dma_wait3A_1043 = arith.constant 0 : i32
      %dma_wait3A_1044 = arith.constant 0 : i32
      %dma_wait3A_1045 = tpu.memref_slice %arg6[%dma_wait3A_1041, %dma_wait3A_1042, %dma_wait3A_1043, %dma_wait3A_1044] : memref<2x32x50x32xf32, #tpu.memory_space<vmem>> -> memref<1x1x50x32xf32, #tpu.memory_space<vmem>>
      %dma_wait3A_1046 = tpu.memref_squeeze %dma_wait3A_1045 : memref<1x1x50x32xf32, #tpu.memory_space<vmem>> -> memref<50x32xf32, #tpu.memory_space<vmem>>
      %dma_wait3A_1047 = arith.constant 0 : i32
      %dma_wait3A_1048 = tpu.memref_slice %arg5[%dma_wait3A_1039, %dma_wait3A_1040, %dma_wait3A_1047] : memref<2x32x50xi32, #tpu.memory_space<vmem>> -> memref<1x1x50xi32, #tpu.memory_space<vmem>>
      %dma_wait3A_1049 = tpu.memref_squeeze %dma_wait3A_1048 : memref<1x1x50xi32, #tpu.memory_space<vmem>> -> memref<50xi32, #tpu.memory_space<vmem>>
      %dma_wait3A_1050 = arith.constant 0 : i32
      %dma_wait3A_1051 = arith.constant 0 : i32
      %dma_wait3A_1052 = tpu.memref_slice %arg2[%dma_wait3A_1050, %dma_wait3A_1051] : memref<1000000x32xf32, #tpu.memory_space<hbm>> -> memref<1000000x32xf32, #tpu.memory_space<hbm>>
      tpu.wait_indirect_dma semaphore(%arg7 : memref<!tpu.dma_semaphore, #tpu.memory_space<semaphore_mem>>) src(%dma_wait3A_1052 : memref<1000000x32xf32, #tpu.memory_space<hbm>>) dst(%dma_wait3A_1046 : memref<50x32xf32, #tpu.memory_space<vmem>>)
      %dma_wait3A_1053 = arith.constant 0 : i32
      %dma_wait3A_1054 = arith.constant 10 : i32
      %dma_wait3A_1055 = arith.constant 0 : i32
      %dma_wait3A_1056 = arith.constant 10 : i32
      %dma_wait3A_1057 = arith.constant 0 : i32
      %dma_wait3A_1058 = arith.constant 0 : i32
      %dma_wait3A_1059 = tpu.memref_slice %arg6[%dma_wait3A_1055, %dma_wait3A_1056, %dma_wait3A_1057, %dma_wait3A_1058] : memref<2x32x50x32xf32, #tpu.memory_space<vmem>> -> memref<1x1x50x32xf32, #tpu.memory_space<vmem>>
      %dma_wait3A_1060 = tpu.memref_squeeze %dma_wait3A_1059 : memref<1x1x50x32xf32, #tpu.memory_space<vmem>> -> memref<50x32xf32, #tpu.memory_space<vmem>>
      %dma_wait3A_1061 = arith.constant 0 : i32
      %dma_wait3A_1062 = tpu.memref_slice %arg5[%dma_wait3A_1053, %dma_wait3A_1054, %dma_wait3A_1061] : memref<2x32x50xi32, #tpu.memory_space<vmem>> -> memref<1x1x50xi32, #tpu.memory_space<vmem>>
      %dma_wait3A_1063 = tpu.memref_squeeze %dma_wait3A_1062 : memref<1x1x50xi32, #tpu.memory_space<vmem>> -> memref<50xi32, #tpu.memory_space<vmem>>
      %dma_wait3A_1064 = arith.constant 0 : i32
      %dma_wait3A_1065 = arith.constant 0 : i32
      %dma_wait3A_1066 = tpu.memref_slice %arg2[%dma_wait3A_1064, %dma_wait3A_1065] : memref<1000000x32xf32, #tpu.memory_space<hbm>> -> memref<1000000x32xf32, #tpu.memory_space<hbm>>
      tpu.wait_indirect_dma semaphore(%arg7 : memref<!tpu.dma_semaphore, #tpu.memory_space<semaphore_mem>>) src(%dma_wait3A_1066 : memref<1000000x32xf32, #tpu.memory_space<hbm>>) dst(%dma_wait3A_1060 : memref<50x32xf32, #tpu.memory_space<vmem>>)
      %dma_wait3A_1067 = arith.constant 0 : i32
      %dma_wait3A_1068 = arith.constant 11 : i32
      %dma_wait3A_1069 = arith.constant 0 : i32
      %dma_wait3A_1070 = arith.constant 11 : i32
      %dma_wait3A_1071 = arith.constant 0 : i32
      %dma_wait3A_1072 = arith.constant 0 : i32
      %dma_wait3A_1073 = tpu.memref_slice %arg6[%dma_wait3A_1069, %dma_wait3A_1070, %dma_wait3A_1071, %dma_wait3A_1072] : memref<2x32x50x32xf32, #tpu.memory_space<vmem>> -> memref<1x1x50x32xf32, #tpu.memory_space<vmem>>
      %dma_wait3A_1074 = tpu.memref_squeeze %dma_wait3A_1073 : memref<1x1x50x32xf32, #tpu.memory_space<vmem>> -> memref<50x32xf32, #tpu.memory_space<vmem>>
      %dma_wait3A_1075 = arith.constant 0 : i32
      %dma_wait3A_1076 = tpu.memref_slice %arg5[%dma_wait3A_1067, %dma_wait3A_1068, %dma_wait3A_1075] : memref<2x32x50xi32, #tpu.memory_space<vmem>> -> memref<1x1x50xi32, #tpu.memory_space<vmem>>
      %dma_wait3A_1077 = tpu.memref_squeeze %dma_wait3A_1076 : memref<1x1x50xi32, #tpu.memory_space<vmem>> -> memref<50xi32, #tpu.memory_space<vmem>>
      %dma_wait3A_1078 = arith.constant 0 : i32
      %dma_wait3A_1079 = arith.constant 0 : i32
      %dma_wait3A_1080 = tpu.memref_slice %arg2[%dma_wait3A_1078, %dma_wait3A_1079] : memref<1000000x32xf32, #tpu.memory_space<hbm>> -> memref<1000000x32xf32, #tpu.memory_space<hbm>>
      tpu.wait_indirect_dma semaphore(%arg7 : memref<!tpu.dma_semaphore, #tpu.memory_space<semaphore_mem>>) src(%dma_wait3A_1080 : memref<1000000x32xf32, #tpu.memory_space<hbm>>) dst(%dma_wait3A_1074 : memref<50x32xf32, #tpu.memory_space<vmem>>)
      %dma_wait3A_1081 = arith.constant 0 : i32
      %dma_wait3A_1082 = arith.constant 12 : i32
      %dma_wait3A_1083 = arith.constant 0 : i32
      %dma_wait3A_1084 = arith.constant 12 : i32
      %dma_wait3A_1085 = arith.constant 0 : i32
      %dma_wait3A_1086 = arith.constant 0 : i32
      %dma_wait3A_1087 = tpu.memref_slice %arg6[%dma_wait3A_1083, %dma_wait3A_1084, %dma_wait3A_1085, %dma_wait3A_1086] : memref<2x32x50x32xf32, #tpu.memory_space<vmem>> -> memref<1x1x50x32xf32, #tpu.memory_space<vmem>>
      %dma_wait3A_1088 = tpu.memref_squeeze %dma_wait3A_1087 : memref<1x1x50x32xf32, #tpu.memory_space<vmem>> -> memref<50x32xf32, #tpu.memory_space<vmem>>
      %dma_wait3A_1089 = arith.constant 0 : i32
      %dma_wait3A_1090 = tpu.memref_slice %arg5[%dma_wait3A_1081, %dma_wait3A_1082, %dma_wait3A_1089] : memref<2x32x50xi32, #tpu.memory_space<vmem>> -> memref<1x1x50xi32, #tpu.memory_space<vmem>>
      %dma_wait3A_1091 = tpu.memref_squeeze %dma_wait3A_1090 : memref<1x1x50xi32, #tpu.memory_space<vmem>> -> memref<50xi32, #tpu.memory_space<vmem>>
      %dma_wait3A_1092 = arith.constant 0 : i32
      %dma_wait3A_1093 = arith.constant 0 : i32
      %dma_wait3A_1094 = tpu.memref_slice %arg2[%dma_wait3A_1092, %dma_wait3A_1093] : memref<1000000x32xf32, #tpu.memory_space<hbm>> -> memref<1000000x32xf32, #tpu.memory_space<hbm>>
      tpu.wait_indirect_dma semaphore(%arg7 : memref<!tpu.dma_semaphore, #tpu.memory_space<semaphore_mem>>) src(%dma_wait3A_1094 : memref<1000000x32xf32, #tpu.memory_space<hbm>>) dst(%dma_wait3A_1088 : memref<50x32xf32, #tpu.memory_space<vmem>>)
      %dma_wait3A_1095 = arith.constant 0 : i32
      %dma_wait3A_1096 = arith.constant 13 : i32
      %dma_wait3A_1097 = arith.constant 0 : i32
      %dma_wait3A_1098 = arith.constant 13 : i32
      %dma_wait3A_1099 = arith.constant 0 : i32
      %dma_wait3A_1100 = arith.constant 0 : i32
      %dma_wait3A_1101 = tpu.memref_slice %arg6[%dma_wait3A_1097, %dma_wait3A_1098, %dma_wait3A_1099, %dma_wait3A_1100] : memref<2x32x50x32xf32, #tpu.memory_space<vmem>> -> memref<1x1x50x32xf32, #tpu.memory_space<vmem>>
      %dma_wait3A_1102 = tpu.memref_squeeze %dma_wait3A_1101 : memref<1x1x50x32xf32, #tpu.memory_space<vmem>> -> memref<50x32xf32, #tpu.memory_space<vmem>>
      %dma_wait3A_1103 = arith.constant 0 : i32
      %dma_wait3A_1104 = tpu.memref_slice %arg5[%dma_wait3A_1095, %dma_wait3A_1096, %dma_wait3A_1103] : memref<2x32x50xi32, #tpu.memory_space<vmem>> -> memref<1x1x50xi32, #tpu.memory_space<vmem>>
      %dma_wait3A_1105 = tpu.memref_squeeze %dma_wait3A_1104 : memref<1x1x50xi32, #tpu.memory_space<vmem>> -> memref<50xi32, #tpu.memory_space<vmem>>
      %dma_wait3A_1106 = arith.constant 0 : i32
      %dma_wait3A_1107 = arith.constant 0 : i32
      %dma_wait3A_1108 = tpu.memref_slice %arg2[%dma_wait3A_1106, %dma_wait3A_1107] : memref<1000000x32xf32, #tpu.memory_space<hbm>> -> memref<1000000x32xf32, #tpu.memory_space<hbm>>
      tpu.wait_indirect_dma semaphore(%arg7 : memref<!tpu.dma_semaphore, #tpu.memory_space<semaphore_mem>>) src(%dma_wait3A_1108 : memref<1000000x32xf32, #tpu.memory_space<hbm>>) dst(%dma_wait3A_1102 : memref<50x32xf32, #tpu.memory_space<vmem>>)
      %dma_wait3A_1109 = arith.constant 0 : i32
      %dma_wait3A_1110 = arith.constant 14 : i32
      %dma_wait3A_1111 = arith.constant 0 : i32
      %dma_wait3A_1112 = arith.constant 14 : i32
      %dma_wait3A_1113 = arith.constant 0 : i32
      %dma_wait3A_1114 = arith.constant 0 : i32
      %dma_wait3A_1115 = tpu.memref_slice %arg6[%dma_wait3A_1111, %dma_wait3A_1112, %dma_wait3A_1113, %dma_wait3A_1114] : memref<2x32x50x32xf32, #tpu.memory_space<vmem>> -> memref<1x1x50x32xf32, #tpu.memory_space<vmem>>
      %dma_wait3A_1116 = tpu.memref_squeeze %dma_wait3A_1115 : memref<1x1x50x32xf32, #tpu.memory_space<vmem>> -> memref<50x32xf32, #tpu.memory_space<vmem>>
      %dma_wait3A_1117 = arith.constant 0 : i32
      %dma_wait3A_1118 = tpu.memref_slice %arg5[%dma_wait3A_1109, %dma_wait3A_1110, %dma_wait3A_1117] : memref<2x32x50xi32, #tpu.memory_space<vmem>> -> memref<1x1x50xi32, #tpu.memory_space<vmem>>
      %dma_wait3A_1119 = tpu.memref_squeeze %dma_wait3A_1118 : memref<1x1x50xi32, #tpu.memory_space<vmem>> -> memref<50xi32, #tpu.memory_space<vmem>>
      %dma_wait3A_1120 = arith.constant 0 : i32
      %dma_wait3A_1121 = arith.constant 0 : i32
      %dma_wait3A_1122 = tpu.memref_slice %arg2[%dma_wait3A_1120, %dma_wait3A_1121] : memref<1000000x32xf32, #tpu.memory_space<hbm>> -> memref<1000000x32xf32, #tpu.memory_space<hbm>>
      tpu.wait_indirect_dma semaphore(%arg7 : memref<!tpu.dma_semaphore, #tpu.memory_space<semaphore_mem>>) src(%dma_wait3A_1122 : memref<1000000x32xf32, #tpu.memory_space<hbm>>) dst(%dma_wait3A_1116 : memref<50x32xf32, #tpu.memory_space<vmem>>)
      %dma_wait3A_1123 = arith.constant 0 : i32
      %dma_wait3A_1124 = arith.constant 15 : i32
      %dma_wait3A_1125 = arith.constant 0 : i32
      %dma_wait3A_1126 = arith.constant 15 : i32
      %dma_wait3A_1127 = arith.constant 0 : i32
      %dma_wait3A_1128 = arith.constant 0 : i32
      %dma_wait3A_1129 = tpu.memref_slice %arg6[%dma_wait3A_1125, %dma_wait3A_1126, %dma_wait3A_1127, %dma_wait3A_1128] : memref<2x32x50x32xf32, #tpu.memory_space<vmem>> -> memref<1x1x50x32xf32, #tpu.memory_space<vmem>>
      %dma_wait3A_1130 = tpu.memref_squeeze %dma_wait3A_1129 : memref<1x1x50x32xf32, #tpu.memory_space<vmem>> -> memref<50x32xf32, #tpu.memory_space<vmem>>
      %dma_wait3A_1131 = arith.constant 0 : i32
      %dma_wait3A_1132 = tpu.memref_slice %arg5[%dma_wait3A_1123, %dma_wait3A_1124, %dma_wait3A_1131] : memref<2x32x50xi32, #tpu.memory_space<vmem>> -> memref<1x1x50xi32, #tpu.memory_space<vmem>>
      %dma_wait3A_1133 = tpu.memref_squeeze %dma_wait3A_1132 : memref<1x1x50xi32, #tpu.memory_space<vmem>> -> memref<50xi32, #tpu.memory_space<vmem>>
      %dma_wait3A_1134 = arith.constant 0 : i32
      %dma_wait3A_1135 = arith.constant 0 : i32
      %dma_wait3A_1136 = tpu.memref_slice %arg2[%dma_wait3A_1134, %dma_wait3A_1135] : memref<1000000x32xf32, #tpu.memory_space<hbm>> -> memref<1000000x32xf32, #tpu.memory_space<hbm>>
      tpu.wait_indirect_dma semaphore(%arg7 : memref<!tpu.dma_semaphore, #tpu.memory_space<semaphore_mem>>) src(%dma_wait3A_1136 : memref<1000000x32xf32, #tpu.memory_space<hbm>>) dst(%dma_wait3A_1130 : memref<50x32xf32, #tpu.memory_space<vmem>>)
      %dma_wait3A_1137 = arith.constant 0 : i32
      %dma_wait3A_1138 = arith.constant 16 : i32
      %dma_wait3A_1139 = arith.constant 0 : i32
      %dma_wait3A_1140 = arith.constant 16 : i32
      %dma_wait3A_1141 = arith.constant 0 : i32
      %dma_wait3A_1142 = arith.constant 0 : i32
      %dma_wait3A_1143 = tpu.memref_slice %arg6[%dma_wait3A_1139, %dma_wait3A_1140, %dma_wait3A_1141, %dma_wait3A_1142] : memref<2x32x50x32xf32, #tpu.memory_space<vmem>> -> memref<1x1x50x32xf32, #tpu.memory_space<vmem>>
      %dma_wait3A_1144 = tpu.memref_squeeze %dma_wait3A_1143 : memref<1x1x50x32xf32, #tpu.memory_space<vmem>> -> memref<50x32xf32, #tpu.memory_space<vmem>>
      %dma_wait3A_1145 = arith.constant 0 : i32
      %dma_wait3A_1146 = tpu.memref_slice %arg5[%dma_wait3A_1137, %dma_wait3A_1138, %dma_wait3A_1145] : memref<2x32x50xi32, #tpu.memory_space<vmem>> -> memref<1x1x50xi32, #tpu.memory_space<vmem>>
      %dma_wait3A_1147 = tpu.memref_squeeze %dma_wait3A_1146 : memref<1x1x50xi32, #tpu.memory_space<vmem>> -> memref<50xi32, #tpu.memory_space<vmem>>
      %dma_wait3A_1148 = arith.constant 0 : i32
      %dma_wait3A_1149 = arith.constant 0 : i32
      %dma_wait3A_1150 = tpu.memref_slice %arg2[%dma_wait3A_1148, %dma_wait3A_1149] : memref<1000000x32xf32, #tpu.memory_space<hbm>> -> memref<1000000x32xf32, #tpu.memory_space<hbm>>
      tpu.wait_indirect_dma semaphore(%arg7 : memref<!tpu.dma_semaphore, #tpu.memory_space<semaphore_mem>>) src(%dma_wait3A_1150 : memref<1000000x32xf32, #tpu.memory_space<hbm>>) dst(%dma_wait3A_1144 : memref<50x32xf32, #tpu.memory_space<vmem>>)
      %dma_wait3A_1151 = arith.constant 0 : i32
      %dma_wait3A_1152 = arith.constant 17 : i32
      %dma_wait3A_1153 = arith.constant 0 : i32
      %dma_wait3A_1154 = arith.constant 17 : i32
      %dma_wait3A_1155 = arith.constant 0 : i32
      %dma_wait3A_1156 = arith.constant 0 : i32
      %dma_wait3A_1157 = tpu.memref_slice %arg6[%dma_wait3A_1153, %dma_wait3A_1154, %dma_wait3A_1155, %dma_wait3A_1156] : memref<2x32x50x32xf32, #tpu.memory_space<vmem>> -> memref<1x1x50x32xf32, #tpu.memory_space<vmem>>
      %dma_wait3A_1158 = tpu.memref_squeeze %dma_wait3A_1157 : memref<1x1x50x32xf32, #tpu.memory_space<vmem>> -> memref<50x32xf32, #tpu.memory_space<vmem>>
      %dma_wait3A_1159 = arith.constant 0 : i32
      %dma_wait3A_1160 = tpu.memref_slice %arg5[%dma_wait3A_1151, %dma_wait3A_1152, %dma_wait3A_1159] : memref<2x32x50xi32, #tpu.memory_space<vmem>> -> memref<1x1x50xi32, #tpu.memory_space<vmem>>
      %dma_wait3A_1161 = tpu.memref_squeeze %dma_wait3A_1160 : memref<1x1x50xi32, #tpu.memory_space<vmem>> -> memref<50xi32, #tpu.memory_space<vmem>>
      %dma_wait3A_1162 = arith.constant 0 : i32
      %dma_wait3A_1163 = arith.constant 0 : i32
      %dma_wait3A_1164 = tpu.memref_slice %arg2[%dma_wait3A_1162, %dma_wait3A_1163] : memref<1000000x32xf32, #tpu.memory_space<hbm>> -> memref<1000000x32xf32, #tpu.memory_space<hbm>>
      tpu.wait_indirect_dma semaphore(%arg7 : memref<!tpu.dma_semaphore, #tpu.memory_space<semaphore_mem>>) src(%dma_wait3A_1164 : memref<1000000x32xf32, #tpu.memory_space<hbm>>) dst(%dma_wait3A_1158 : memref<50x32xf32, #tpu.memory_space<vmem>>)
      %dma_wait3A_1165 = arith.constant 0 : i32
      %dma_wait3A_1166 = arith.constant 18 : i32
      %dma_wait3A_1167 = arith.constant 0 : i32
      %dma_wait3A_1168 = arith.constant 18 : i32
      %dma_wait3A_1169 = arith.constant 0 : i32
      %dma_wait3A_1170 = arith.constant 0 : i32
      %dma_wait3A_1171 = tpu.memref_slice %arg6[%dma_wait3A_1167, %dma_wait3A_1168, %dma_wait3A_1169, %dma_wait3A_1170] : memref<2x32x50x32xf32, #tpu.memory_space<vmem>> -> memref<1x1x50x32xf32, #tpu.memory_space<vmem>>
      %dma_wait3A_1172 = tpu.memref_squeeze %dma_wait3A_1171 : memref<1x1x50x32xf32, #tpu.memory_space<vmem>> -> memref<50x32xf32, #tpu.memory_space<vmem>>
      %dma_wait3A_1173 = arith.constant 0 : i32
      %dma_wait3A_1174 = tpu.memref_slice %arg5[%dma_wait3A_1165, %dma_wait3A_1166, %dma_wait3A_1173] : memref<2x32x50xi32, #tpu.memory_space<vmem>> -> memref<1x1x50xi32, #tpu.memory_space<vmem>>
      %dma_wait3A_1175 = tpu.memref_squeeze %dma_wait3A_1174 : memref<1x1x50xi32, #tpu.memory_space<vmem>> -> memref<50xi32, #tpu.memory_space<vmem>>
      %dma_wait3A_1176 = arith.constant 0 : i32
      %dma_wait3A_1177 = arith.constant 0 : i32
      %dma_wait3A_1178 = tpu.memref_slice %arg2[%dma_wait3A_1176, %dma_wait3A_1177] : memref<1000000x32xf32, #tpu.memory_space<hbm>> -> memref<1000000x32xf32, #tpu.memory_space<hbm>>
      tpu.wait_indirect_dma semaphore(%arg7 : memref<!tpu.dma_semaphore, #tpu.memory_space<semaphore_mem>>) src(%dma_wait3A_1178 : memref<1000000x32xf32, #tpu.memory_space<hbm>>) dst(%dma_wait3A_1172 : memref<50x32xf32, #tpu.memory_space<vmem>>)
      %dma_wait3A_1179 = arith.constant 0 : i32
      %dma_wait3A_1180 = arith.constant 19 : i32
      %dma_wait3A_1181 = arith.constant 0 : i32
      %dma_wait3A_1182 = arith.constant 19 : i32
      %dma_wait3A_1183 = arith.constant 0 : i32
      %dma_wait3A_1184 = arith.constant 0 : i32
      %dma_wait3A_1185 = tpu.memref_slice %arg6[%dma_wait3A_1181, %dma_wait3A_1182, %dma_wait3A_1183, %dma_wait3A_1184] : memref<2x32x50x32xf32, #tpu.memory_space<vmem>> -> memref<1x1x50x32xf32, #tpu.memory_space<vmem>>
      %dma_wait3A_1186 = tpu.memref_squeeze %dma_wait3A_1185 : memref<1x1x50x32xf32, #tpu.memory_space<vmem>> -> memref<50x32xf32, #tpu.memory_space<vmem>>
      %dma_wait3A_1187 = arith.constant 0 : i32
      %dma_wait3A_1188 = tpu.memref_slice %arg5[%dma_wait3A_1179, %dma_wait3A_1180, %dma_wait3A_1187] : memref<2x32x50xi32, #tpu.memory_space<vmem>> -> memref<1x1x50xi32, #tpu.memory_space<vmem>>
      %dma_wait3A_1189 = tpu.memref_squeeze %dma_wait3A_1188 : memref<1x1x50xi32, #tpu.memory_space<vmem>> -> memref<50xi32, #tpu.memory_space<vmem>>
      %dma_wait3A_1190 = arith.constant 0 : i32
      %dma_wait3A_1191 = arith.constant 0 : i32
      %dma_wait3A_1192 = tpu.memref_slice %arg2[%dma_wait3A_1190, %dma_wait3A_1191] : memref<1000000x32xf32, #tpu.memory_space<hbm>> -> memref<1000000x32xf32, #tpu.memory_space<hbm>>
      tpu.wait_indirect_dma semaphore(%arg7 : memref<!tpu.dma_semaphore, #tpu.memory_space<semaphore_mem>>) src(%dma_wait3A_1192 : memref<1000000x32xf32, #tpu.memory_space<hbm>>) dst(%dma_wait3A_1186 : memref<50x32xf32, #tpu.memory_space<vmem>>)
      %dma_wait3A_1193 = arith.constant 0 : i32
      %dma_wait3A_1194 = arith.constant 20 : i32
      %dma_wait3A_1195 = arith.constant 0 : i32
      %dma_wait3A_1196 = arith.constant 20 : i32
      %dma_wait3A_1197 = arith.constant 0 : i32
      %dma_wait3A_1198 = arith.constant 0 : i32
      %dma_wait3A_1199 = tpu.memref_slice %arg6[%dma_wait3A_1195, %dma_wait3A_1196, %dma_wait3A_1197, %dma_wait3A_1198] : memref<2x32x50x32xf32, #tpu.memory_space<vmem>> -> memref<1x1x50x32xf32, #tpu.memory_space<vmem>>
      %dma_wait3A_1200 = tpu.memref_squeeze %dma_wait3A_1199 : memref<1x1x50x32xf32, #tpu.memory_space<vmem>> -> memref<50x32xf32, #tpu.memory_space<vmem>>
      %dma_wait3A_1201 = arith.constant 0 : i32
      %dma_wait3A_1202 = tpu.memref_slice %arg5[%dma_wait3A_1193, %dma_wait3A_1194, %dma_wait3A_1201] : memref<2x32x50xi32, #tpu.memory_space<vmem>> -> memref<1x1x50xi32, #tpu.memory_space<vmem>>
      %dma_wait3A_1203 = tpu.memref_squeeze %dma_wait3A_1202 : memref<1x1x50xi32, #tpu.memory_space<vmem>> -> memref<50xi32, #tpu.memory_space<vmem>>
      %dma_wait3A_1204 = arith.constant 0 : i32
      %dma_wait3A_1205 = arith.constant 0 : i32
      %dma_wait3A_1206 = tpu.memref_slice %arg2[%dma_wait3A_1204, %dma_wait3A_1205] : memref<1000000x32xf32, #tpu.memory_space<hbm>> -> memref<1000000x32xf32, #tpu.memory_space<hbm>>
      tpu.wait_indirect_dma semaphore(%arg7 : memref<!tpu.dma_semaphore, #tpu.memory_space<semaphore_mem>>) src(%dma_wait3A_1206 : memref<1000000x32xf32, #tpu.memory_space<hbm>>) dst(%dma_wait3A_1200 : memref<50x32xf32, #tpu.memory_space<vmem>>)
      %dma_wait3A_1207 = arith.constant 0 : i32
      %dma_wait3A_1208 = arith.constant 21 : i32
      %dma_wait3A_1209 = arith.constant 0 : i32
      %dma_wait3A_1210 = arith.constant 21 : i32
      %dma_wait3A_1211 = arith.constant 0 : i32
      %dma_wait3A_1212 = arith.constant 0 : i32
      %dma_wait3A_1213 = tpu.memref_slice %arg6[%dma_wait3A_1209, %dma_wait3A_1210, %dma_wait3A_1211, %dma_wait3A_1212] : memref<2x32x50x32xf32, #tpu.memory_space<vmem>> -> memref<1x1x50x32xf32, #tpu.memory_space<vmem>>
      %dma_wait3A_1214 = tpu.memref_squeeze %dma_wait3A_1213 : memref<1x1x50x32xf32, #tpu.memory_space<vmem>> -> memref<50x32xf32, #tpu.memory_space<vmem>>
      %dma_wait3A_1215 = arith.constant 0 : i32
      %dma_wait3A_1216 = tpu.memref_slice %arg5[%dma_wait3A_1207, %dma_wait3A_1208, %dma_wait3A_1215] : memref<2x32x50xi32, #tpu.memory_space<vmem>> -> memref<1x1x50xi32, #tpu.memory_space<vmem>>
      %dma_wait3A_1217 = tpu.memref_squeeze %dma_wait3A_1216 : memref<1x1x50xi32, #tpu.memory_space<vmem>> -> memref<50xi32, #tpu.memory_space<vmem>>
      %dma_wait3A_1218 = arith.constant 0 : i32
      %dma_wait3A_1219 = arith.constant 0 : i32
      %dma_wait3A_1220 = tpu.memref_slice %arg2[%dma_wait3A_1218, %dma_wait3A_1219] : memref<1000000x32xf32, #tpu.memory_space<hbm>> -> memref<1000000x32xf32, #tpu.memory_space<hbm>>
      tpu.wait_indirect_dma semaphore(%arg7 : memref<!tpu.dma_semaphore, #tpu.memory_space<semaphore_mem>>) src(%dma_wait3A_1220 : memref<1000000x32xf32, #tpu.memory_space<hbm>>) dst(%dma_wait3A_1214 : memref<50x32xf32, #tpu.memory_space<vmem>>)
      %dma_wait3A_1221 = arith.constant 0 : i32
      %dma_wait3A_1222 = arith.constant 22 : i32
      %dma_wait3A_1223 = arith.constant 0 : i32
      %dma_wait3A_1224 = arith.constant 22 : i32
      %dma_wait3A_1225 = arith.constant 0 : i32
      %dma_wait3A_1226 = arith.constant 0 : i32
      %dma_wait3A_1227 = tpu.memref_slice %arg6[%dma_wait3A_1223, %dma_wait3A_1224, %dma_wait3A_1225, %dma_wait3A_1226] : memref<2x32x50x32xf32, #tpu.memory_space<vmem>> -> memref<1x1x50x32xf32, #tpu.memory_space<vmem>>
      %dma_wait3A_1228 = tpu.memref_squeeze %dma_wait3A_1227 : memref<1x1x50x32xf32, #tpu.memory_space<vmem>> -> memref<50x32xf32, #tpu.memory_space<vmem>>
      %dma_wait3A_1229 = arith.constant 0 : i32
      %dma_wait3A_1230 = tpu.memref_slice %arg5[%dma_wait3A_1221, %dma_wait3A_1222, %dma_wait3A_1229] : memref<2x32x50xi32, #tpu.memory_space<vmem>> -> memref<1x1x50xi32, #tpu.memory_space<vmem>>
      %dma_wait3A_1231 = tpu.memref_squeeze %dma_wait3A_1230 : memref<1x1x50xi32, #tpu.memory_space<vmem>> -> memref<50xi32, #tpu.memory_space<vmem>>
      %dma_wait3A_1232 = arith.constant 0 : i32
      %dma_wait3A_1233 = arith.constant 0 : i32
      %dma_wait3A_1234 = tpu.memref_slice %arg2[%dma_wait3A_1232, %dma_wait3A_1233] : memref<1000000x32xf32, #tpu.memory_space<hbm>> -> memref<1000000x32xf32, #tpu.memory_space<hbm>>
      tpu.wait_indirect_dma semaphore(%arg7 : memref<!tpu.dma_semaphore, #tpu.memory_space<semaphore_mem>>) src(%dma_wait3A_1234 : memref<1000000x32xf32, #tpu.memory_space<hbm>>) dst(%dma_wait3A_1228 : memref<50x32xf32, #tpu.memory_space<vmem>>)
      %dma_wait3A_1235 = arith.constant 0 : i32
      %dma_wait3A_1236 = arith.constant 23 : i32
      %dma_wait3A_1237 = arith.constant 0 : i32
      %dma_wait3A_1238 = arith.constant 23 : i32
      %dma_wait3A_1239 = arith.constant 0 : i32
      %dma_wait3A_1240 = arith.constant 0 : i32
      %dma_wait3A_1241 = tpu.memref_slice %arg6[%dma_wait3A_1237, %dma_wait3A_1238, %dma_wait3A_1239, %dma_wait3A_1240] : memref<2x32x50x32xf32, #tpu.memory_space<vmem>> -> memref<1x1x50x32xf32, #tpu.memory_space<vmem>>
      %dma_wait3A_1242 = tpu.memref_squeeze %dma_wait3A_1241 : memref<1x1x50x32xf32, #tpu.memory_space<vmem>> -> memref<50x32xf32, #tpu.memory_space<vmem>>
      %dma_wait3A_1243 = arith.constant 0 : i32
      %dma_wait3A_1244 = tpu.memref_slice %arg5[%dma_wait3A_1235, %dma_wait3A_1236, %dma_wait3A_1243] : memref<2x32x50xi32, #tpu.memory_space<vmem>> -> memref<1x1x50xi32, #tpu.memory_space<vmem>>
      %dma_wait3A_1245 = tpu.memref_squeeze %dma_wait3A_1244 : memref<1x1x50xi32, #tpu.memory_space<vmem>> -> memref<50xi32, #tpu.memory_space<vmem>>
      %dma_wait3A_1246 = arith.constant 0 : i32
      %dma_wait3A_1247 = arith.constant 0 : i32
      %dma_wait3A_1248 = tpu.memref_slice %arg2[%dma_wait3A_1246, %dma_wait3A_1247] : memref<1000000x32xf32, #tpu.memory_space<hbm>> -> memref<1000000x32xf32, #tpu.memory_space<hbm>>
      tpu.wait_indirect_dma semaphore(%arg7 : memref<!tpu.dma_semaphore, #tpu.memory_space<semaphore_mem>>) src(%dma_wait3A_1248 : memref<1000000x32xf32, #tpu.memory_space<hbm>>) dst(%dma_wait3A_1242 : memref<50x32xf32, #tpu.memory_space<vmem>>)
      %dma_wait3A_1249 = arith.constant 0 : i32
      %dma_wait3A_1250 = arith.constant 24 : i32
      %dma_wait3A_1251 = arith.constant 0 : i32
      %dma_wait3A_1252 = arith.constant 24 : i32
      %dma_wait3A_1253 = arith.constant 0 : i32
      %dma_wait3A_1254 = arith.constant 0 : i32
      %dma_wait3A_1255 = tpu.memref_slice %arg6[%dma_wait3A_1251, %dma_wait3A_1252, %dma_wait3A_1253, %dma_wait3A_1254] : memref<2x32x50x32xf32, #tpu.memory_space<vmem>> -> memref<1x1x50x32xf32, #tpu.memory_space<vmem>>
      %dma_wait3A_1256 = tpu.memref_squeeze %dma_wait3A_1255 : memref<1x1x50x32xf32, #tpu.memory_space<vmem>> -> memref<50x32xf32, #tpu.memory_space<vmem>>
      %dma_wait3A_1257 = arith.constant 0 : i32
      %dma_wait3A_1258 = tpu.memref_slice %arg5[%dma_wait3A_1249, %dma_wait3A_1250, %dma_wait3A_1257] : memref<2x32x50xi32, #tpu.memory_space<vmem>> -> memref<1x1x50xi32, #tpu.memory_space<vmem>>
      %dma_wait3A_1259 = tpu.memref_squeeze %dma_wait3A_1258 : memref<1x1x50xi32, #tpu.memory_space<vmem>> -> memref<50xi32, #tpu.memory_space<vmem>>
      %dma_wait3A_1260 = arith.constant 0 : i32
      %dma_wait3A_1261 = arith.constant 0 : i32
      %dma_wait3A_1262 = tpu.memref_slice %arg2[%dma_wait3A_1260, %dma_wait3A_1261] : memref<1000000x32xf32, #tpu.memory_space<hbm>> -> memref<1000000x32xf32, #tpu.memory_space<hbm>>
      tpu.wait_indirect_dma semaphore(%arg7 : memref<!tpu.dma_semaphore, #tpu.memory_space<semaphore_mem>>) src(%dma_wait3A_1262 : memref<1000000x32xf32, #tpu.memory_space<hbm>>) dst(%dma_wait3A_1256 : memref<50x32xf32, #tpu.memory_space<vmem>>)
      %dma_wait3A_1263 = arith.constant 0 : i32
      %dma_wait3A_1264 = arith.constant 25 : i32
      %dma_wait3A_1265 = arith.constant 0 : i32
      %dma_wait3A_1266 = arith.constant 25 : i32
      %dma_wait3A_1267 = arith.constant 0 : i32
      %dma_wait3A_1268 = arith.constant 0 : i32
      %dma_wait3A_1269 = tpu.memref_slice %arg6[%dma_wait3A_1265, %dma_wait3A_1266, %dma_wait3A_1267, %dma_wait3A_1268] : memref<2x32x50x32xf32, #tpu.memory_space<vmem>> -> memref<1x1x50x32xf32, #tpu.memory_space<vmem>>
      %dma_wait3A_1270 = tpu.memref_squeeze %dma_wait3A_1269 : memref<1x1x50x32xf32, #tpu.memory_space<vmem>> -> memref<50x32xf32, #tpu.memory_space<vmem>>
      %dma_wait3A_1271 = arith.constant 0 : i32
      %dma_wait3A_1272 = tpu.memref_slice %arg5[%dma_wait3A_1263, %dma_wait3A_1264, %dma_wait3A_1271] : memref<2x32x50xi32, #tpu.memory_space<vmem>> -> memref<1x1x50xi32, #tpu.memory_space<vmem>>
      %dma_wait3A_1273 = tpu.memref_squeeze %dma_wait3A_1272 : memref<1x1x50xi32, #tpu.memory_space<vmem>> -> memref<50xi32, #tpu.memory_space<vmem>>
      %dma_wait3A_1274 = arith.constant 0 : i32
      %dma_wait3A_1275 = arith.constant 0 : i32
      %dma_wait3A_1276 = tpu.memref_slice %arg2[%dma_wait3A_1274, %dma_wait3A_1275] : memref<1000000x32xf32, #tpu.memory_space<hbm>> -> memref<1000000x32xf32, #tpu.memory_space<hbm>>
      tpu.wait_indirect_dma semaphore(%arg7 : memref<!tpu.dma_semaphore, #tpu.memory_space<semaphore_mem>>) src(%dma_wait3A_1276 : memref<1000000x32xf32, #tpu.memory_space<hbm>>) dst(%dma_wait3A_1270 : memref<50x32xf32, #tpu.memory_space<vmem>>)
      %dma_wait3A_1277 = arith.constant 0 : i32
      %dma_wait3A_1278 = arith.constant 26 : i32
      %dma_wait3A_1279 = arith.constant 0 : i32
      %dma_wait3A_1280 = arith.constant 26 : i32
      %dma_wait3A_1281 = arith.constant 0 : i32
      %dma_wait3A_1282 = arith.constant 0 : i32
      %dma_wait3A_1283 = tpu.memref_slice %arg6[%dma_wait3A_1279, %dma_wait3A_1280, %dma_wait3A_1281, %dma_wait3A_1282] : memref<2x32x50x32xf32, #tpu.memory_space<vmem>> -> memref<1x1x50x32xf32, #tpu.memory_space<vmem>>
      %dma_wait3A_1284 = tpu.memref_squeeze %dma_wait3A_1283 : memref<1x1x50x32xf32, #tpu.memory_space<vmem>> -> memref<50x32xf32, #tpu.memory_space<vmem>>
      %dma_wait3A_1285 = arith.constant 0 : i32
      %dma_wait3A_1286 = tpu.memref_slice %arg5[%dma_wait3A_1277, %dma_wait3A_1278, %dma_wait3A_1285] : memref<2x32x50xi32, #tpu.memory_space<vmem>> -> memref<1x1x50xi32, #tpu.memory_space<vmem>>
      %dma_wait3A_1287 = tpu.memref_squeeze %dma_wait3A_1286 : memref<1x1x50xi32, #tpu.memory_space<vmem>> -> memref<50xi32, #tpu.memory_space<vmem>>
      %dma_wait3A_1288 = arith.constant 0 : i32
      %dma_wait3A_1289 = arith.constant 0 : i32
      %dma_wait3A_1290 = tpu.memref_slice %arg2[%dma_wait3A_1288, %dma_wait3A_1289] : memref<1000000x32xf32, #tpu.memory_space<hbm>> -> memref<1000000x32xf32, #tpu.memory_space<hbm>>
      tpu.wait_indirect_dma semaphore(%arg7 : memref<!tpu.dma_semaphore, #tpu.memory_space<semaphore_mem>>) src(%dma_wait3A_1290 : memref<1000000x32xf32, #tpu.memory_space<hbm>>) dst(%dma_wait3A_1284 : memref<50x32xf32, #tpu.memory_space<vmem>>)
      %dma_wait3A_1291 = arith.constant 0 : i32
      %dma_wait3A_1292 = arith.constant 27 : i32
      %dma_wait3A_1293 = arith.constant 0 : i32
      %dma_wait3A_1294 = arith.constant 27 : i32
      %dma_wait3A_1295 = arith.constant 0 : i32
      %dma_wait3A_1296 = arith.constant 0 : i32
      %dma_wait3A_1297 = tpu.memref_slice %arg6[%dma_wait3A_1293, %dma_wait3A_1294, %dma_wait3A_1295, %dma_wait3A_1296] : memref<2x32x50x32xf32, #tpu.memory_space<vmem>> -> memref<1x1x50x32xf32, #tpu.memory_space<vmem>>
      %dma_wait3A_1298 = tpu.memref_squeeze %dma_wait3A_1297 : memref<1x1x50x32xf32, #tpu.memory_space<vmem>> -> memref<50x32xf32, #tpu.memory_space<vmem>>
      %dma_wait3A_1299 = arith.constant 0 : i32
      %dma_wait3A_1300 = tpu.memref_slice %arg5[%dma_wait3A_1291, %dma_wait3A_1292, %dma_wait3A_1299] : memref<2x32x50xi32, #tpu.memory_space<vmem>> -> memref<1x1x50xi32, #tpu.memory_space<vmem>>
      %dma_wait3A_1301 = tpu.memref_squeeze %dma_wait3A_1300 : memref<1x1x50xi32, #tpu.memory_space<vmem>> -> memref<50xi32, #tpu.memory_space<vmem>>
      %dma_wait3A_1302 = arith.constant 0 : i32
      %dma_wait3A_1303 = arith.constant 0 : i32
      %dma_wait3A_1304 = tpu.memref_slice %arg2[%dma_wait3A_1302, %dma_wait3A_1303] : memref<1000000x32xf32, #tpu.memory_space<hbm>> -> memref<1000000x32xf32, #tpu.memory_space<hbm>>
      tpu.wait_indirect_dma semaphore(%arg7 : memref<!tpu.dma_semaphore, #tpu.memory_space<semaphore_mem>>) src(%dma_wait3A_1304 : memref<1000000x32xf32, #tpu.memory_space<hbm>>) dst(%dma_wait3A_1298 : memref<50x32xf32, #tpu.memory_space<vmem>>)
      %dma_wait3A_1305 = arith.constant 0 : i32
      %dma_wait3A_1306 = arith.constant 28 : i32
      %dma_wait3A_1307 = arith.constant 0 : i32
      %dma_wait3A_1308 = arith.constant 28 : i32
      %dma_wait3A_1309 = arith.constant 0 : i32
      %dma_wait3A_1310 = arith.constant 0 : i32
      %dma_wait3A_1311 = tpu.memref_slice %arg6[%dma_wait3A_1307, %dma_wait3A_1308, %dma_wait3A_1309, %dma_wait3A_1310] : memref<2x32x50x32xf32, #tpu.memory_space<vmem>> -> memref<1x1x50x32xf32, #tpu.memory_space<vmem>>
      %dma_wait3A_1312 = tpu.memref_squeeze %dma_wait3A_1311 : memref<1x1x50x32xf32, #tpu.memory_space<vmem>> -> memref<50x32xf32, #tpu.memory_space<vmem>>
      %dma_wait3A_1313 = arith.constant 0 : i32
      %dma_wait3A_1314 = tpu.memref_slice %arg5[%dma_wait3A_1305, %dma_wait3A_1306, %dma_wait3A_1313] : memref<2x32x50xi32, #tpu.memory_space<vmem>> -> memref<1x1x50xi32, #tpu.memory_space<vmem>>
      %dma_wait3A_1315 = tpu.memref_squeeze %dma_wait3A_1314 : memref<1x1x50xi32, #tpu.memory_space<vmem>> -> memref<50xi32, #tpu.memory_space<vmem>>
      %dma_wait3A_1316 = arith.constant 0 : i32
      %dma_wait3A_1317 = arith.constant 0 : i32
      %dma_wait3A_1318 = tpu.memref_slice %arg2[%dma_wait3A_1316, %dma_wait3A_1317] : memref<1000000x32xf32, #tpu.memory_space<hbm>> -> memref<1000000x32xf32, #tpu.memory_space<hbm>>
      tpu.wait_indirect_dma semaphore(%arg7 : memref<!tpu.dma_semaphore, #tpu.memory_space<semaphore_mem>>) src(%dma_wait3A_1318 : memref<1000000x32xf32, #tpu.memory_space<hbm>>) dst(%dma_wait3A_1312 : memref<50x32xf32, #tpu.memory_space<vmem>>)
      %dma_wait3A_1319 = arith.constant 0 : i32
      %dma_wait3A_1320 = arith.constant 29 : i32
      %dma_wait3A_1321 = arith.constant 0 : i32
      %dma_wait3A_1322 = arith.constant 29 : i32
      %dma_wait3A_1323 = arith.constant 0 : i32
      %dma_wait3A_1324 = arith.constant 0 : i32
      %dma_wait3A_1325 = tpu.memref_slice %arg6[%dma_wait3A_1321, %dma_wait3A_1322, %dma_wait3A_1323, %dma_wait3A_1324] : memref<2x32x50x32xf32, #tpu.memory_space<vmem>> -> memref<1x1x50x32xf32, #tpu.memory_space<vmem>>
      %dma_wait3A_1326 = tpu.memref_squeeze %dma_wait3A_1325 : memref<1x1x50x32xf32, #tpu.memory_space<vmem>> -> memref<50x32xf32, #tpu.memory_space<vmem>>
      %dma_wait3A_1327 = arith.constant 0 : i32
      %dma_wait3A_1328 = tpu.memref_slice %arg5[%dma_wait3A_1319, %dma_wait3A_1320, %dma_wait3A_1327] : memref<2x32x50xi32, #tpu.memory_space<vmem>> -> memref<1x1x50xi32, #tpu.memory_space<vmem>>
      %dma_wait3A_1329 = tpu.memref_squeeze %dma_wait3A_1328 : memref<1x1x50xi32, #tpu.memory_space<vmem>> -> memref<50xi32, #tpu.memory_space<vmem>>
      %dma_wait3A_1330 = arith.constant 0 : i32
      %dma_wait3A_1331 = arith.constant 0 : i32
      %dma_wait3A_1332 = tpu.memref_slice %arg2[%dma_wait3A_1330, %dma_wait3A_1331] : memref<1000000x32xf32, #tpu.memory_space<hbm>> -> memref<1000000x32xf32, #tpu.memory_space<hbm>>
      tpu.wait_indirect_dma semaphore(%arg7 : memref<!tpu.dma_semaphore, #tpu.memory_space<semaphore_mem>>) src(%dma_wait3A_1332 : memref<1000000x32xf32, #tpu.memory_space<hbm>>) dst(%dma_wait3A_1326 : memref<50x32xf32, #tpu.memory_space<vmem>>)
      %dma_wait3A_1333 = arith.constant 0 : i32
      %dma_wait3A_1334 = arith.constant 30 : i32
      %dma_wait3A_1335 = arith.constant 0 : i32
      %dma_wait3A_1336 = arith.constant 30 : i32
      %dma_wait3A_1337 = arith.constant 0 : i32
      %dma_wait3A_1338 = arith.constant 0 : i32
      %dma_wait3A_1339 = tpu.memref_slice %arg6[%dma_wait3A_1335, %dma_wait3A_1336, %dma_wait3A_1337, %dma_wait3A_1338] : memref<2x32x50x32xf32, #tpu.memory_space<vmem>> -> memref<1x1x50x32xf32, #tpu.memory_space<vmem>>
      %dma_wait3A_1340 = tpu.memref_squeeze %dma_wait3A_1339 : memref<1x1x50x32xf32, #tpu.memory_space<vmem>> -> memref<50x32xf32, #tpu.memory_space<vmem>>
      %dma_wait3A_1341 = arith.constant 0 : i32
      %dma_wait3A_1342 = tpu.memref_slice %arg5[%dma_wait3A_1333, %dma_wait3A_1334, %dma_wait3A_1341] : memref<2x32x50xi32, #tpu.memory_space<vmem>> -> memref<1x1x50xi32, #tpu.memory_space<vmem>>
      %dma_wait3A_1343 = tpu.memref_squeeze %dma_wait3A_1342 : memref<1x1x50xi32, #tpu.memory_space<vmem>> -> memref<50xi32, #tpu.memory_space<vmem>>
      %dma_wait3A_1344 = arith.constant 0 : i32
      %dma_wait3A_1345 = arith.constant 0 : i32
      %dma_wait3A_1346 = tpu.memref_slice %arg2[%dma_wait3A_1344, %dma_wait3A_1345] : memref<1000000x32xf32, #tpu.memory_space<hbm>> -> memref<1000000x32xf32, #tpu.memory_space<hbm>>
      tpu.wait_indirect_dma semaphore(%arg7 : memref<!tpu.dma_semaphore, #tpu.memory_space<semaphore_mem>>) src(%dma_wait3A_1346 : memref<1000000x32xf32, #tpu.memory_space<hbm>>) dst(%dma_wait3A_1340 : memref<50x32xf32, #tpu.memory_space<vmem>>)
      %dma_wait3A_1347 = arith.constant 0 : i32
      %dma_wait3A_1348 = arith.constant 31 : i32
      %dma_wait3A_1349 = arith.constant 0 : i32
      %dma_wait3A_1350 = arith.constant 31 : i32
      %dma_wait3A_1351 = arith.constant 0 : i32
      %dma_wait3A_1352 = arith.constant 0 : i32
      %dma_wait3A_1353 = tpu.memref_slice %arg6[%dma_wait3A_1349, %dma_wait3A_1350, %dma_wait3A_1351, %dma_wait3A_1352] : memref<2x32x50x32xf32, #tpu.memory_space<vmem>> -> memref<1x1x50x32xf32, #tpu.memory_space<vmem>>
      %dma_wait3A_1354 = tpu.memref_squeeze %dma_wait3A_1353 : memref<1x1x50x32xf32, #tpu.memory_space<vmem>> -> memref<50x32xf32, #tpu.memory_space<vmem>>
      %dma_wait3A_1355 = arith.constant 0 : i32
      %dma_wait3A_1356 = tpu.memref_slice %arg5[%dma_wait3A_1347, %dma_wait3A_1348, %dma_wait3A_1355] : memref<2x32x50xi32, #tpu.memory_space<vmem>> -> memref<1x1x50xi32, #tpu.memory_space<vmem>>
      %dma_wait3A_1357 = tpu.memref_squeeze %dma_wait3A_1356 : memref<1x1x50xi32, #tpu.memory_space<vmem>> -> memref<50xi32, #tpu.memory_space<vmem>>
      %dma_wait3A_1358 = arith.constant 0 : i32
      %dma_wait3A_1359 = arith.constant 0 : i32
      %dma_wait3A_1360 = tpu.memref_slice %arg2[%dma_wait3A_1358, %dma_wait3A_1359] : memref<1000000x32xf32, #tpu.memory_space<hbm>> -> memref<1000000x32xf32, #tpu.memory_space<hbm>>
      tpu.wait_indirect_dma semaphore(%arg7 : memref<!tpu.dma_semaphore, #tpu.memory_space<semaphore_mem>>) src(%dma_wait3A_1360 : memref<1000000x32xf32, #tpu.memory_space<hbm>>) dst(%dma_wait3A_1354 : memref<50x32xf32, #tpu.memory_space<vmem>>)
      %run_scoped3A_1361 = arith.constant 0 : i32
      "tpu.region"() ({
        %run_scoped3A_1813 = tpu.sem_alloc : memref<!tpu.dma_semaphore, #tpu.memory_space<semaphore_mem>>
        %dma_start3A_1814 = arith.constant 0 : i32
        %dma_start3A_1815 = arith.constant 0 : i32
        %dma_start3A_1816 = arith.constant 0 : i32
        %dma_start3A_1817 = tpu.memref_slice %arg6[%run_scoped3A_1361, %dma_start3A_1814, %dma_start3A_1815, %dma_start3A_1816] : memref<2x32x50x32xf32, #tpu.memory_space<vmem>> -> memref<1x32x50x32xf32, #tpu.memory_space<vmem>>
        %dma_start3A_1818 = tpu.memref_squeeze %dma_start3A_1817 : memref<1x32x50x32xf32, #tpu.memory_space<vmem>> -> memref<32x50x32xf32, #tpu.memory_space<vmem>>
        %dma_start3A_1819 = arith.constant 0 : i32
        %dma_start3A_1820 = arith.constant 0 : i32
        %dma_start3A_1821 = tpu.memref_slice %arg4[%add3A_15, %dma_start3A_1819, %dma_start3A_1820] : memref<16384x50x32xf32, #tpu.memory_space<hbm>> -> memref<32x50x32xf32, #tpu.memory_space<hbm>>
        %dma_start3A_1822 = arith.constant 0 : i32
        %dma_start3A_1823 = arith.constant 0 : i32
        %dma_start3A_1824 = tpu.memref_slice %arg4[%add3A_15, %dma_start3A_1822, %dma_start3A_1823] : memref<16384x50x32xf32, #tpu.memory_space<hbm>> -> memref<32x50x32xf32, #tpu.memory_space<hbm>>
        %dma_start3A_1825 = arith.constant 0 : i32
        %dma_start3A_1826 = arith.constant 0 : i32
        %dma_start3A_1827 = arith.constant 0 : i32
        %dma_start3A_1828 = tpu.memref_slice %arg6[%run_scoped3A_1361, %dma_start3A_1825, %dma_start3A_1826, %dma_start3A_1827] : memref<2x32x50x32xf32, #tpu.memory_space<vmem>> -> memref<1x32x50x32xf32, #tpu.memory_space<vmem>>
        %dma_start3A_1829 = tpu.memref_squeeze %dma_start3A_1828 : memref<1x32x50x32xf32, #tpu.memory_space<vmem>> -> memref<32x50x32xf32, #tpu.memory_space<vmem>>
        tpu.enqueue_dma source(%dma_start3A_1829 : memref<32x50x32xf32, #tpu.memory_space<vmem>>) target(%dma_start3A_1824 : memref<32x50x32xf32, #tpu.memory_space<hbm>>) target_semaphore(%run_scoped3A_1813 : memref<!tpu.dma_semaphore, #tpu.memory_space<semaphore_mem>>)
        %dma_wait3A_1830 = arith.constant 0 : i32
        %dma_wait3A_1831 = arith.constant 0 : i32
        %dma_wait3A_1832 = arith.constant 0 : i32
        %dma_wait3A_1833 = tpu.memref_slice %arg6[%run_scoped3A_1361, %dma_wait3A_1830, %dma_wait3A_1831, %dma_wait3A_1832] : memref<2x32x50x32xf32, #tpu.memory_space<vmem>> -> memref<1x32x50x32xf32, #tpu.memory_space<vmem>>
        %dma_wait3A_1834 = tpu.memref_squeeze %dma_wait3A_1833 : memref<1x32x50x32xf32, #tpu.memory_space<vmem>> -> memref<32x50x32xf32, #tpu.memory_space<vmem>>
        %dma_wait3A_1835 = arith.constant 0 : i32
        %dma_wait3A_1836 = arith.constant 0 : i32
        %dma_wait3A_1837 = tpu.memref_slice %arg4[%add3A_15, %dma_wait3A_1835, %dma_wait3A_1836] : memref<16384x50x32xf32, #tpu.memory_space<hbm>> -> memref<32x50x32xf32, #tpu.memory_space<hbm>>
        %dma_wait3A_1838 = arith.constant 0 : i32
        %dma_wait3A_1839 = arith.constant 0 : i32
        %dma_wait3A_1840 = tpu.memref_slice %arg4[%add3A_15, %dma_wait3A_1838, %dma_wait3A_1839] : memref<16384x50x32xf32, #tpu.memory_space<hbm>> -> memref<32x50x32xf32, #tpu.memory_space<hbm>>
        %dma_wait3A_1841 = arith.constant 0 : i32
        %dma_wait3A_1842 = arith.constant 0 : i32
        %dma_wait3A_1843 = arith.constant 0 : i32
        %dma_wait3A_1844 = tpu.memref_slice %arg6[%run_scoped3A_1361, %dma_wait3A_1841, %dma_wait3A_1842, %dma_wait3A_1843] : memref<2x32x50x32xf32, #tpu.memory_space<vmem>> -> memref<1x32x50x32xf32, #tpu.memory_space<vmem>>
        %dma_wait3A_1845 = tpu.memref_squeeze %dma_wait3A_1844 : memref<1x32x50x32xf32, #tpu.memory_space<vmem>> -> memref<32x50x32xf32, #tpu.memory_space<vmem>>
        tpu.wait_dma2 semaphore(%run_scoped3A_1813 : memref<!tpu.dma_semaphore, #tpu.memory_space<semaphore_mem>>) src(%dma_wait3A_1845 : memref<32x50x32xf32, #tpu.memory_space<vmem>>) dst(%dma_wait3A_1840 : memref<32x50x32xf32, #tpu.memory_space<hbm>>)
        tpu.yield
      }) : () -> ()
      %add3A_1362 = arith.constant 32 : i32
      %add3A_1363 = arith.addi %add3A_15, %add3A_1362 : i32
      %dma_wait3A_1364 = arith.constant 1 : i32
      %dma_wait3A_1365 = arith.constant 0 : i32
      %dma_wait3A_1366 = arith.constant 1 : i32
      %dma_wait3A_1367 = arith.constant 0 : i32
      %dma_wait3A_1368 = arith.constant 0 : i32
      %dma_wait3A_1369 = arith.constant 0 : i32
      %dma_wait3A_1370 = tpu.memref_slice %arg6[%dma_wait3A_1366, %dma_wait3A_1367, %dma_wait3A_1368, %dma_wait3A_1369] : memref<2x32x50x32xf32, #tpu.memory_space<vmem>> -> memref<1x1x50x32xf32, #tpu.memory_space<vmem>>
      %dma_wait3A_1371 = tpu.memref_squeeze %dma_wait3A_1370 : memref<1x1x50x32xf32, #tpu.memory_space<vmem>> -> memref<50x32xf32, #tpu.memory_space<vmem>>
      %dma_wait3A_1372 = arith.constant 0 : i32
      %dma_wait3A_1373 = tpu.memref_slice %arg5[%dma_wait3A_1364, %dma_wait3A_1365, %dma_wait3A_1372] : memref<2x32x50xi32, #tpu.memory_space<vmem>> -> memref<1x1x50xi32, #tpu.memory_space<vmem>>
      %dma_wait3A_1374 = tpu.memref_squeeze %dma_wait3A_1373 : memref<1x1x50xi32, #tpu.memory_space<vmem>> -> memref<50xi32, #tpu.memory_space<vmem>>
      %dma_wait3A_1375 = arith.constant 0 : i32
      %dma_wait3A_1376 = arith.constant 0 : i32
      %dma_wait3A_1377 = tpu.memref_slice %arg2[%dma_wait3A_1375, %dma_wait3A_1376] : memref<1000000x32xf32, #tpu.memory_space<hbm>> -> memref<1000000x32xf32, #tpu.memory_space<hbm>>
      tpu.wait_indirect_dma semaphore(%arg8 : memref<!tpu.dma_semaphore, #tpu.memory_space<semaphore_mem>>) src(%dma_wait3A_1377 : memref<1000000x32xf32, #tpu.memory_space<hbm>>) dst(%dma_wait3A_1371 : memref<50x32xf32, #tpu.memory_space<vmem>>)
      %dma_wait3A_1378 = arith.constant 1 : i32
      %dma_wait3A_1379 = arith.constant 1 : i32
      %dma_wait3A_1380 = arith.constant 1 : i32
      %dma_wait3A_1381 = arith.constant 1 : i32
      %dma_wait3A_1382 = arith.constant 0 : i32
      %dma_wait3A_1383 = arith.constant 0 : i32
      %dma_wait3A_1384 = tpu.memref_slice %arg6[%dma_wait3A_1380, %dma_wait3A_1381, %dma_wait3A_1382, %dma_wait3A_1383] : memref<2x32x50x32xf32, #tpu.memory_space<vmem>> -> memref<1x1x50x32xf32, #tpu.memory_space<vmem>>
      %dma_wait3A_1385 = tpu.memref_squeeze %dma_wait3A_1384 : memref<1x1x50x32xf32, #tpu.memory_space<vmem>> -> memref<50x32xf32, #tpu.memory_space<vmem>>
      %dma_wait3A_1386 = arith.constant 0 : i32
      %dma_wait3A_1387 = tpu.memref_slice %arg5[%dma_wait3A_1378, %dma_wait3A_1379, %dma_wait3A_1386] : memref<2x32x50xi32, #tpu.memory_space<vmem>> -> memref<1x1x50xi32, #tpu.memory_space<vmem>>
      %dma_wait3A_1388 = tpu.memref_squeeze %dma_wait3A_1387 : memref<1x1x50xi32, #tpu.memory_space<vmem>> -> memref<50xi32, #tpu.memory_space<vmem>>
      %dma_wait3A_1389 = arith.constant 0 : i32
      %dma_wait3A_1390 = arith.constant 0 : i32
      %dma_wait3A_1391 = tpu.memref_slice %arg2[%dma_wait3A_1389, %dma_wait3A_1390] : memref<1000000x32xf32, #tpu.memory_space<hbm>> -> memref<1000000x32xf32, #tpu.memory_space<hbm>>
      tpu.wait_indirect_dma semaphore(%arg8 : memref<!tpu.dma_semaphore, #tpu.memory_space<semaphore_mem>>) src(%dma_wait3A_1391 : memref<1000000x32xf32, #tpu.memory_space<hbm>>) dst(%dma_wait3A_1385 : memref<50x32xf32, #tpu.memory_space<vmem>>)
      %dma_wait3A_1392 = arith.constant 1 : i32
      %dma_wait3A_1393 = arith.constant 2 : i32
      %dma_wait3A_1394 = arith.constant 1 : i32
      %dma_wait3A_1395 = arith.constant 2 : i32
      %dma_wait3A_1396 = arith.constant 0 : i32
      %dma_wait3A_1397 = arith.constant 0 : i32
      %dma_wait3A_1398 = tpu.memref_slice %arg6[%dma_wait3A_1394, %dma_wait3A_1395, %dma_wait3A_1396, %dma_wait3A_1397] : memref<2x32x50x32xf32, #tpu.memory_space<vmem>> -> memref<1x1x50x32xf32, #tpu.memory_space<vmem>>
      %dma_wait3A_1399 = tpu.memref_squeeze %dma_wait3A_1398 : memref<1x1x50x32xf32, #tpu.memory_space<vmem>> -> memref<50x32xf32, #tpu.memory_space<vmem>>
      %dma_wait3A_1400 = arith.constant 0 : i32
      %dma_wait3A_1401 = tpu.memref_slice %arg5[%dma_wait3A_1392, %dma_wait3A_1393, %dma_wait3A_1400] : memref<2x32x50xi32, #tpu.memory_space<vmem>> -> memref<1x1x50xi32, #tpu.memory_space<vmem>>
      %dma_wait3A_1402 = tpu.memref_squeeze %dma_wait3A_1401 : memref<1x1x50xi32, #tpu.memory_space<vmem>> -> memref<50xi32, #tpu.memory_space<vmem>>
      %dma_wait3A_1403 = arith.constant 0 : i32
      %dma_wait3A_1404 = arith.constant 0 : i32
      %dma_wait3A_1405 = tpu.memref_slice %arg2[%dma_wait3A_1403, %dma_wait3A_1404] : memref<1000000x32xf32, #tpu.memory_space<hbm>> -> memref<1000000x32xf32, #tpu.memory_space<hbm>>
      tpu.wait_indirect_dma semaphore(%arg8 : memref<!tpu.dma_semaphore, #tpu.memory_space<semaphore_mem>>) src(%dma_wait3A_1405 : memref<1000000x32xf32, #tpu.memory_space<hbm>>) dst(%dma_wait3A_1399 : memref<50x32xf32, #tpu.memory_space<vmem>>)
      %dma_wait3A_1406 = arith.constant 1 : i32
      %dma_wait3A_1407 = arith.constant 3 : i32
      %dma_wait3A_1408 = arith.constant 1 : i32
      %dma_wait3A_1409 = arith.constant 3 : i32
      %dma_wait3A_1410 = arith.constant 0 : i32
      %dma_wait3A_1411 = arith.constant 0 : i32
      %dma_wait3A_1412 = tpu.memref_slice %arg6[%dma_wait3A_1408, %dma_wait3A_1409, %dma_wait3A_1410, %dma_wait3A_1411] : memref<2x32x50x32xf32, #tpu.memory_space<vmem>> -> memref<1x1x50x32xf32, #tpu.memory_space<vmem>>
      %dma_wait3A_1413 = tpu.memref_squeeze %dma_wait3A_1412 : memref<1x1x50x32xf32, #tpu.memory_space<vmem>> -> memref<50x32xf32, #tpu.memory_space<vmem>>
      %dma_wait3A_1414 = arith.constant 0 : i32
      %dma_wait3A_1415 = tpu.memref_slice %arg5[%dma_wait3A_1406, %dma_wait3A_1407, %dma_wait3A_1414] : memref<2x32x50xi32, #tpu.memory_space<vmem>> -> memref<1x1x50xi32, #tpu.memory_space<vmem>>
      %dma_wait3A_1416 = tpu.memref_squeeze %dma_wait3A_1415 : memref<1x1x50xi32, #tpu.memory_space<vmem>> -> memref<50xi32, #tpu.memory_space<vmem>>
      %dma_wait3A_1417 = arith.constant 0 : i32
      %dma_wait3A_1418 = arith.constant 0 : i32
      %dma_wait3A_1419 = tpu.memref_slice %arg2[%dma_wait3A_1417, %dma_wait3A_1418] : memref<1000000x32xf32, #tpu.memory_space<hbm>> -> memref<1000000x32xf32, #tpu.memory_space<hbm>>
      tpu.wait_indirect_dma semaphore(%arg8 : memref<!tpu.dma_semaphore, #tpu.memory_space<semaphore_mem>>) src(%dma_wait3A_1419 : memref<1000000x32xf32, #tpu.memory_space<hbm>>) dst(%dma_wait3A_1413 : memref<50x32xf32, #tpu.memory_space<vmem>>)
      %dma_wait3A_1420 = arith.constant 1 : i32
      %dma_wait3A_1421 = arith.constant 4 : i32
      %dma_wait3A_1422 = arith.constant 1 : i32
      %dma_wait3A_1423 = arith.constant 4 : i32
      %dma_wait3A_1424 = arith.constant 0 : i32
      %dma_wait3A_1425 = arith.constant 0 : i32
      %dma_wait3A_1426 = tpu.memref_slice %arg6[%dma_wait3A_1422, %dma_wait3A_1423, %dma_wait3A_1424, %dma_wait3A_1425] : memref<2x32x50x32xf32, #tpu.memory_space<vmem>> -> memref<1x1x50x32xf32, #tpu.memory_space<vmem>>
      %dma_wait3A_1427 = tpu.memref_squeeze %dma_wait3A_1426 : memref<1x1x50x32xf32, #tpu.memory_space<vmem>> -> memref<50x32xf32, #tpu.memory_space<vmem>>
      %dma_wait3A_1428 = arith.constant 0 : i32
      %dma_wait3A_1429 = tpu.memref_slice %arg5[%dma_wait3A_1420, %dma_wait3A_1421, %dma_wait3A_1428] : memref<2x32x50xi32, #tpu.memory_space<vmem>> -> memref<1x1x50xi32, #tpu.memory_space<vmem>>
      %dma_wait3A_1430 = tpu.memref_squeeze %dma_wait3A_1429 : memref<1x1x50xi32, #tpu.memory_space<vmem>> -> memref<50xi32, #tpu.memory_space<vmem>>
      %dma_wait3A_1431 = arith.constant 0 : i32
      %dma_wait3A_1432 = arith.constant 0 : i32
      %dma_wait3A_1433 = tpu.memref_slice %arg2[%dma_wait3A_1431, %dma_wait3A_1432] : memref<1000000x32xf32, #tpu.memory_space<hbm>> -> memref<1000000x32xf32, #tpu.memory_space<hbm>>
      tpu.wait_indirect_dma semaphore(%arg8 : memref<!tpu.dma_semaphore, #tpu.memory_space<semaphore_mem>>) src(%dma_wait3A_1433 : memref<1000000x32xf32, #tpu.memory_space<hbm>>) dst(%dma_wait3A_1427 : memref<50x32xf32, #tpu.memory_space<vmem>>)
      %dma_wait3A_1434 = arith.constant 1 : i32
      %dma_wait3A_1435 = arith.constant 5 : i32
      %dma_wait3A_1436 = arith.constant 1 : i32
      %dma_wait3A_1437 = arith.constant 5 : i32
      %dma_wait3A_1438 = arith.constant 0 : i32
      %dma_wait3A_1439 = arith.constant 0 : i32
      %dma_wait3A_1440 = tpu.memref_slice %arg6[%dma_wait3A_1436, %dma_wait3A_1437, %dma_wait3A_1438, %dma_wait3A_1439] : memref<2x32x50x32xf32, #tpu.memory_space<vmem>> -> memref<1x1x50x32xf32, #tpu.memory_space<vmem>>
      %dma_wait3A_1441 = tpu.memref_squeeze %dma_wait3A_1440 : memref<1x1x50x32xf32, #tpu.memory_space<vmem>> -> memref<50x32xf32, #tpu.memory_space<vmem>>
      %dma_wait3A_1442 = arith.constant 0 : i32
      %dma_wait3A_1443 = tpu.memref_slice %arg5[%dma_wait3A_1434, %dma_wait3A_1435, %dma_wait3A_1442] : memref<2x32x50xi32, #tpu.memory_space<vmem>> -> memref<1x1x50xi32, #tpu.memory_space<vmem>>
      %dma_wait3A_1444 = tpu.memref_squeeze %dma_wait3A_1443 : memref<1x1x50xi32, #tpu.memory_space<vmem>> -> memref<50xi32, #tpu.memory_space<vmem>>
      %dma_wait3A_1445 = arith.constant 0 : i32
      %dma_wait3A_1446 = arith.constant 0 : i32
      %dma_wait3A_1447 = tpu.memref_slice %arg2[%dma_wait3A_1445, %dma_wait3A_1446] : memref<1000000x32xf32, #tpu.memory_space<hbm>> -> memref<1000000x32xf32, #tpu.memory_space<hbm>>
      tpu.wait_indirect_dma semaphore(%arg8 : memref<!tpu.dma_semaphore, #tpu.memory_space<semaphore_mem>>) src(%dma_wait3A_1447 : memref<1000000x32xf32, #tpu.memory_space<hbm>>) dst(%dma_wait3A_1441 : memref<50x32xf32, #tpu.memory_space<vmem>>)
      %dma_wait3A_1448 = arith.constant 1 : i32
      %dma_wait3A_1449 = arith.constant 6 : i32
      %dma_wait3A_1450 = arith.constant 1 : i32
      %dma_wait3A_1451 = arith.constant 6 : i32
      %dma_wait3A_1452 = arith.constant 0 : i32
      %dma_wait3A_1453 = arith.constant 0 : i32
      %dma_wait3A_1454 = tpu.memref_slice %arg6[%dma_wait3A_1450, %dma_wait3A_1451, %dma_wait3A_1452, %dma_wait3A_1453] : memref<2x32x50x32xf32, #tpu.memory_space<vmem>> -> memref<1x1x50x32xf32, #tpu.memory_space<vmem>>
      %dma_wait3A_1455 = tpu.memref_squeeze %dma_wait3A_1454 : memref<1x1x50x32xf32, #tpu.memory_space<vmem>> -> memref<50x32xf32, #tpu.memory_space<vmem>>
      %dma_wait3A_1456 = arith.constant 0 : i32
      %dma_wait3A_1457 = tpu.memref_slice %arg5[%dma_wait3A_1448, %dma_wait3A_1449, %dma_wait3A_1456] : memref<2x32x50xi32, #tpu.memory_space<vmem>> -> memref<1x1x50xi32, #tpu.memory_space<vmem>>
      %dma_wait3A_1458 = tpu.memref_squeeze %dma_wait3A_1457 : memref<1x1x50xi32, #tpu.memory_space<vmem>> -> memref<50xi32, #tpu.memory_space<vmem>>
      %dma_wait3A_1459 = arith.constant 0 : i32
      %dma_wait3A_1460 = arith.constant 0 : i32
      %dma_wait3A_1461 = tpu.memref_slice %arg2[%dma_wait3A_1459, %dma_wait3A_1460] : memref<1000000x32xf32, #tpu.memory_space<hbm>> -> memref<1000000x32xf32, #tpu.memory_space<hbm>>
      tpu.wait_indirect_dma semaphore(%arg8 : memref<!tpu.dma_semaphore, #tpu.memory_space<semaphore_mem>>) src(%dma_wait3A_1461 : memref<1000000x32xf32, #tpu.memory_space<hbm>>) dst(%dma_wait3A_1455 : memref<50x32xf32, #tpu.memory_space<vmem>>)
      %dma_wait3A_1462 = arith.constant 1 : i32
      %dma_wait3A_1463 = arith.constant 7 : i32
      %dma_wait3A_1464 = arith.constant 1 : i32
      %dma_wait3A_1465 = arith.constant 7 : i32
      %dma_wait3A_1466 = arith.constant 0 : i32
      %dma_wait3A_1467 = arith.constant 0 : i32
      %dma_wait3A_1468 = tpu.memref_slice %arg6[%dma_wait3A_1464, %dma_wait3A_1465, %dma_wait3A_1466, %dma_wait3A_1467] : memref<2x32x50x32xf32, #tpu.memory_space<vmem>> -> memref<1x1x50x32xf32, #tpu.memory_space<vmem>>
      %dma_wait3A_1469 = tpu.memref_squeeze %dma_wait3A_1468 : memref<1x1x50x32xf32, #tpu.memory_space<vmem>> -> memref<50x32xf32, #tpu.memory_space<vmem>>
      %dma_wait3A_1470 = arith.constant 0 : i32
      %dma_wait3A_1471 = tpu.memref_slice %arg5[%dma_wait3A_1462, %dma_wait3A_1463, %dma_wait3A_1470] : memref<2x32x50xi32, #tpu.memory_space<vmem>> -> memref<1x1x50xi32, #tpu.memory_space<vmem>>
      %dma_wait3A_1472 = tpu.memref_squeeze %dma_wait3A_1471 : memref<1x1x50xi32, #tpu.memory_space<vmem>> -> memref<50xi32, #tpu.memory_space<vmem>>
      %dma_wait3A_1473 = arith.constant 0 : i32
      %dma_wait3A_1474 = arith.constant 0 : i32
      %dma_wait3A_1475 = tpu.memref_slice %arg2[%dma_wait3A_1473, %dma_wait3A_1474] : memref<1000000x32xf32, #tpu.memory_space<hbm>> -> memref<1000000x32xf32, #tpu.memory_space<hbm>>
      tpu.wait_indirect_dma semaphore(%arg8 : memref<!tpu.dma_semaphore, #tpu.memory_space<semaphore_mem>>) src(%dma_wait3A_1475 : memref<1000000x32xf32, #tpu.memory_space<hbm>>) dst(%dma_wait3A_1469 : memref<50x32xf32, #tpu.memory_space<vmem>>)
      %dma_wait3A_1476 = arith.constant 1 : i32
      %dma_wait3A_1477 = arith.constant 8 : i32
      %dma_wait3A_1478 = arith.constant 1 : i32
      %dma_wait3A_1479 = arith.constant 8 : i32
      %dma_wait3A_1480 = arith.constant 0 : i32
      %dma_wait3A_1481 = arith.constant 0 : i32
      %dma_wait3A_1482 = tpu.memref_slice %arg6[%dma_wait3A_1478, %dma_wait3A_1479, %dma_wait3A_1480, %dma_wait3A_1481] : memref<2x32x50x32xf32, #tpu.memory_space<vmem>> -> memref<1x1x50x32xf32, #tpu.memory_space<vmem>>
      %dma_wait3A_1483 = tpu.memref_squeeze %dma_wait3A_1482 : memref<1x1x50x32xf32, #tpu.memory_space<vmem>> -> memref<50x32xf32, #tpu.memory_space<vmem>>
      %dma_wait3A_1484 = arith.constant 0 : i32
      %dma_wait3A_1485 = tpu.memref_slice %arg5[%dma_wait3A_1476, %dma_wait3A_1477, %dma_wait3A_1484] : memref<2x32x50xi32, #tpu.memory_space<vmem>> -> memref<1x1x50xi32, #tpu.memory_space<vmem>>
      %dma_wait3A_1486 = tpu.memref_squeeze %dma_wait3A_1485 : memref<1x1x50xi32, #tpu.memory_space<vmem>> -> memref<50xi32, #tpu.memory_space<vmem>>
      %dma_wait3A_1487 = arith.constant 0 : i32
      %dma_wait3A_1488 = arith.constant 0 : i32
      %dma_wait3A_1489 = tpu.memref_slice %arg2[%dma_wait3A_1487, %dma_wait3A_1488] : memref<1000000x32xf32, #tpu.memory_space<hbm>> -> memref<1000000x32xf32, #tpu.memory_space<hbm>>
      tpu.wait_indirect_dma semaphore(%arg8 : memref<!tpu.dma_semaphore, #tpu.memory_space<semaphore_mem>>) src(%dma_wait3A_1489 : memref<1000000x32xf32, #tpu.memory_space<hbm>>) dst(%dma_wait3A_1483 : memref<50x32xf32, #tpu.memory_space<vmem>>)
      %dma_wait3A_1490 = arith.constant 1 : i32
      %dma_wait3A_1491 = arith.constant 9 : i32
      %dma_wait3A_1492 = arith.constant 1 : i32
      %dma_wait3A_1493 = arith.constant 9 : i32
      %dma_wait3A_1494 = arith.constant 0 : i32
      %dma_wait3A_1495 = arith.constant 0 : i32
      %dma_wait3A_1496 = tpu.memref_slice %arg6[%dma_wait3A_1492, %dma_wait3A_1493, %dma_wait3A_1494, %dma_wait3A_1495] : memref<2x32x50x32xf32, #tpu.memory_space<vmem>> -> memref<1x1x50x32xf32, #tpu.memory_space<vmem>>
      %dma_wait3A_1497 = tpu.memref_squeeze %dma_wait3A_1496 : memref<1x1x50x32xf32, #tpu.memory_space<vmem>> -> memref<50x32xf32, #tpu.memory_space<vmem>>
      %dma_wait3A_1498 = arith.constant 0 : i32
      %dma_wait3A_1499 = tpu.memref_slice %arg5[%dma_wait3A_1490, %dma_wait3A_1491, %dma_wait3A_1498] : memref<2x32x50xi32, #tpu.memory_space<vmem>> -> memref<1x1x50xi32, #tpu.memory_space<vmem>>
      %dma_wait3A_1500 = tpu.memref_squeeze %dma_wait3A_1499 : memref<1x1x50xi32, #tpu.memory_space<vmem>> -> memref<50xi32, #tpu.memory_space<vmem>>
      %dma_wait3A_1501 = arith.constant 0 : i32
      %dma_wait3A_1502 = arith.constant 0 : i32
      %dma_wait3A_1503 = tpu.memref_slice %arg2[%dma_wait3A_1501, %dma_wait3A_1502] : memref<1000000x32xf32, #tpu.memory_space<hbm>> -> memref<1000000x32xf32, #tpu.memory_space<hbm>>
      tpu.wait_indirect_dma semaphore(%arg8 : memref<!tpu.dma_semaphore, #tpu.memory_space<semaphore_mem>>) src(%dma_wait3A_1503 : memref<1000000x32xf32, #tpu.memory_space<hbm>>) dst(%dma_wait3A_1497 : memref<50x32xf32, #tpu.memory_space<vmem>>)
      %dma_wait3A_1504 = arith.constant 1 : i32
      %dma_wait3A_1505 = arith.constant 10 : i32
      %dma_wait3A_1506 = arith.constant 1 : i32
      %dma_wait3A_1507 = arith.constant 10 : i32
      %dma_wait3A_1508 = arith.constant 0 : i32
      %dma_wait3A_1509 = arith.constant 0 : i32
      %dma_wait3A_1510 = tpu.memref_slice %arg6[%dma_wait3A_1506, %dma_wait3A_1507, %dma_wait3A_1508, %dma_wait3A_1509] : memref<2x32x50x32xf32, #tpu.memory_space<vmem>> -> memref<1x1x50x32xf32, #tpu.memory_space<vmem>>
      %dma_wait3A_1511 = tpu.memref_squeeze %dma_wait3A_1510 : memref<1x1x50x32xf32, #tpu.memory_space<vmem>> -> memref<50x32xf32, #tpu.memory_space<vmem>>
      %dma_wait3A_1512 = arith.constant 0 : i32
      %dma_wait3A_1513 = tpu.memref_slice %arg5[%dma_wait3A_1504, %dma_wait3A_1505, %dma_wait3A_1512] : memref<2x32x50xi32, #tpu.memory_space<vmem>> -> memref<1x1x50xi32, #tpu.memory_space<vmem>>
      %dma_wait3A_1514 = tpu.memref_squeeze %dma_wait3A_1513 : memref<1x1x50xi32, #tpu.memory_space<vmem>> -> memref<50xi32, #tpu.memory_space<vmem>>
      %dma_wait3A_1515 = arith.constant 0 : i32
      %dma_wait3A_1516 = arith.constant 0 : i32
      %dma_wait3A_1517 = tpu.memref_slice %arg2[%dma_wait3A_1515, %dma_wait3A_1516] : memref<1000000x32xf32, #tpu.memory_space<hbm>> -> memref<1000000x32xf32, #tpu.memory_space<hbm>>
      tpu.wait_indirect_dma semaphore(%arg8 : memref<!tpu.dma_semaphore, #tpu.memory_space<semaphore_mem>>) src(%dma_wait3A_1517 : memref<1000000x32xf32, #tpu.memory_space<hbm>>) dst(%dma_wait3A_1511 : memref<50x32xf32, #tpu.memory_space<vmem>>)
      %dma_wait3A_1518 = arith.constant 1 : i32
      %dma_wait3A_1519 = arith.constant 11 : i32
      %dma_wait3A_1520 = arith.constant 1 : i32
      %dma_wait3A_1521 = arith.constant 11 : i32
      %dma_wait3A_1522 = arith.constant 0 : i32
      %dma_wait3A_1523 = arith.constant 0 : i32
      %dma_wait3A_1524 = tpu.memref_slice %arg6[%dma_wait3A_1520, %dma_wait3A_1521, %dma_wait3A_1522, %dma_wait3A_1523] : memref<2x32x50x32xf32, #tpu.memory_space<vmem>> -> memref<1x1x50x32xf32, #tpu.memory_space<vmem>>
      %dma_wait3A_1525 = tpu.memref_squeeze %dma_wait3A_1524 : memref<1x1x50x32xf32, #tpu.memory_space<vmem>> -> memref<50x32xf32, #tpu.memory_space<vmem>>
      %dma_wait3A_1526 = arith.constant 0 : i32
      %dma_wait3A_1527 = tpu.memref_slice %arg5[%dma_wait3A_1518, %dma_wait3A_1519, %dma_wait3A_1526] : memref<2x32x50xi32, #tpu.memory_space<vmem>> -> memref<1x1x50xi32, #tpu.memory_space<vmem>>
      %dma_wait3A_1528 = tpu.memref_squeeze %dma_wait3A_1527 : memref<1x1x50xi32, #tpu.memory_space<vmem>> -> memref<50xi32, #tpu.memory_space<vmem>>
      %dma_wait3A_1529 = arith.constant 0 : i32
      %dma_wait3A_1530 = arith.constant 0 : i32
      %dma_wait3A_1531 = tpu.memref_slice %arg2[%dma_wait3A_1529, %dma_wait3A_1530] : memref<1000000x32xf32, #tpu.memory_space<hbm>> -> memref<1000000x32xf32, #tpu.memory_space<hbm>>
      tpu.wait_indirect_dma semaphore(%arg8 : memref<!tpu.dma_semaphore, #tpu.memory_space<semaphore_mem>>) src(%dma_wait3A_1531 : memref<1000000x32xf32, #tpu.memory_space<hbm>>) dst(%dma_wait3A_1525 : memref<50x32xf32, #tpu.memory_space<vmem>>)
      %dma_wait3A_1532 = arith.constant 1 : i32
      %dma_wait3A_1533 = arith.constant 12 : i32
      %dma_wait3A_1534 = arith.constant 1 : i32
      %dma_wait3A_1535 = arith.constant 12 : i32
      %dma_wait3A_1536 = arith.constant 0 : i32
      %dma_wait3A_1537 = arith.constant 0 : i32
      %dma_wait3A_1538 = tpu.memref_slice %arg6[%dma_wait3A_1534, %dma_wait3A_1535, %dma_wait3A_1536, %dma_wait3A_1537] : memref<2x32x50x32xf32, #tpu.memory_space<vmem>> -> memref<1x1x50x32xf32, #tpu.memory_space<vmem>>
      %dma_wait3A_1539 = tpu.memref_squeeze %dma_wait3A_1538 : memref<1x1x50x32xf32, #tpu.memory_space<vmem>> -> memref<50x32xf32, #tpu.memory_space<vmem>>
      %dma_wait3A_1540 = arith.constant 0 : i32
      %dma_wait3A_1541 = tpu.memref_slice %arg5[%dma_wait3A_1532, %dma_wait3A_1533, %dma_wait3A_1540] : memref<2x32x50xi32, #tpu.memory_space<vmem>> -> memref<1x1x50xi32, #tpu.memory_space<vmem>>
      %dma_wait3A_1542 = tpu.memref_squeeze %dma_wait3A_1541 : memref<1x1x50xi32, #tpu.memory_space<vmem>> -> memref<50xi32, #tpu.memory_space<vmem>>
      %dma_wait3A_1543 = arith.constant 0 : i32
      %dma_wait3A_1544 = arith.constant 0 : i32
      %dma_wait3A_1545 = tpu.memref_slice %arg2[%dma_wait3A_1543, %dma_wait3A_1544] : memref<1000000x32xf32, #tpu.memory_space<hbm>> -> memref<1000000x32xf32, #tpu.memory_space<hbm>>
      tpu.wait_indirect_dma semaphore(%arg8 : memref<!tpu.dma_semaphore, #tpu.memory_space<semaphore_mem>>) src(%dma_wait3A_1545 : memref<1000000x32xf32, #tpu.memory_space<hbm>>) dst(%dma_wait3A_1539 : memref<50x32xf32, #tpu.memory_space<vmem>>)
      %dma_wait3A_1546 = arith.constant 1 : i32
      %dma_wait3A_1547 = arith.constant 13 : i32
      %dma_wait3A_1548 = arith.constant 1 : i32
      %dma_wait3A_1549 = arith.constant 13 : i32
      %dma_wait3A_1550 = arith.constant 0 : i32
      %dma_wait3A_1551 = arith.constant 0 : i32
      %dma_wait3A_1552 = tpu.memref_slice %arg6[%dma_wait3A_1548, %dma_wait3A_1549, %dma_wait3A_1550, %dma_wait3A_1551] : memref<2x32x50x32xf32, #tpu.memory_space<vmem>> -> memref<1x1x50x32xf32, #tpu.memory_space<vmem>>
      %dma_wait3A_1553 = tpu.memref_squeeze %dma_wait3A_1552 : memref<1x1x50x32xf32, #tpu.memory_space<vmem>> -> memref<50x32xf32, #tpu.memory_space<vmem>>
      %dma_wait3A_1554 = arith.constant 0 : i32
      %dma_wait3A_1555 = tpu.memref_slice %arg5[%dma_wait3A_1546, %dma_wait3A_1547, %dma_wait3A_1554] : memref<2x32x50xi32, #tpu.memory_space<vmem>> -> memref<1x1x50xi32, #tpu.memory_space<vmem>>
      %dma_wait3A_1556 = tpu.memref_squeeze %dma_wait3A_1555 : memref<1x1x50xi32, #tpu.memory_space<vmem>> -> memref<50xi32, #tpu.memory_space<vmem>>
      %dma_wait3A_1557 = arith.constant 0 : i32
      %dma_wait3A_1558 = arith.constant 0 : i32
      %dma_wait3A_1559 = tpu.memref_slice %arg2[%dma_wait3A_1557, %dma_wait3A_1558] : memref<1000000x32xf32, #tpu.memory_space<hbm>> -> memref<1000000x32xf32, #tpu.memory_space<hbm>>
      tpu.wait_indirect_dma semaphore(%arg8 : memref<!tpu.dma_semaphore, #tpu.memory_space<semaphore_mem>>) src(%dma_wait3A_1559 : memref<1000000x32xf32, #tpu.memory_space<hbm>>) dst(%dma_wait3A_1553 : memref<50x32xf32, #tpu.memory_space<vmem>>)
      %dma_wait3A_1560 = arith.constant 1 : i32
      %dma_wait3A_1561 = arith.constant 14 : i32
      %dma_wait3A_1562 = arith.constant 1 : i32
      %dma_wait3A_1563 = arith.constant 14 : i32
      %dma_wait3A_1564 = arith.constant 0 : i32
      %dma_wait3A_1565 = arith.constant 0 : i32
      %dma_wait3A_1566 = tpu.memref_slice %arg6[%dma_wait3A_1562, %dma_wait3A_1563, %dma_wait3A_1564, %dma_wait3A_1565] : memref<2x32x50x32xf32, #tpu.memory_space<vmem>> -> memref<1x1x50x32xf32, #tpu.memory_space<vmem>>
      %dma_wait3A_1567 = tpu.memref_squeeze %dma_wait3A_1566 : memref<1x1x50x32xf32, #tpu.memory_space<vmem>> -> memref<50x32xf32, #tpu.memory_space<vmem>>
      %dma_wait3A_1568 = arith.constant 0 : i32
      %dma_wait3A_1569 = tpu.memref_slice %arg5[%dma_wait3A_1560, %dma_wait3A_1561, %dma_wait3A_1568] : memref<2x32x50xi32, #tpu.memory_space<vmem>> -> memref<1x1x50xi32, #tpu.memory_space<vmem>>
      %dma_wait3A_1570 = tpu.memref_squeeze %dma_wait3A_1569 : memref<1x1x50xi32, #tpu.memory_space<vmem>> -> memref<50xi32, #tpu.memory_space<vmem>>
      %dma_wait3A_1571 = arith.constant 0 : i32
      %dma_wait3A_1572 = arith.constant 0 : i32
      %dma_wait3A_1573 = tpu.memref_slice %arg2[%dma_wait3A_1571, %dma_wait3A_1572] : memref<1000000x32xf32, #tpu.memory_space<hbm>> -> memref<1000000x32xf32, #tpu.memory_space<hbm>>
      tpu.wait_indirect_dma semaphore(%arg8 : memref<!tpu.dma_semaphore, #tpu.memory_space<semaphore_mem>>) src(%dma_wait3A_1573 : memref<1000000x32xf32, #tpu.memory_space<hbm>>) dst(%dma_wait3A_1567 : memref<50x32xf32, #tpu.memory_space<vmem>>)
      %dma_wait3A_1574 = arith.constant 1 : i32
      %dma_wait3A_1575 = arith.constant 15 : i32
      %dma_wait3A_1576 = arith.constant 1 : i32
      %dma_wait3A_1577 = arith.constant 15 : i32
      %dma_wait3A_1578 = arith.constant 0 : i32
      %dma_wait3A_1579 = arith.constant 0 : i32
      %dma_wait3A_1580 = tpu.memref_slice %arg6[%dma_wait3A_1576, %dma_wait3A_1577, %dma_wait3A_1578, %dma_wait3A_1579] : memref<2x32x50x32xf32, #tpu.memory_space<vmem>> -> memref<1x1x50x32xf32, #tpu.memory_space<vmem>>
      %dma_wait3A_1581 = tpu.memref_squeeze %dma_wait3A_1580 : memref<1x1x50x32xf32, #tpu.memory_space<vmem>> -> memref<50x32xf32, #tpu.memory_space<vmem>>
      %dma_wait3A_1582 = arith.constant 0 : i32
      %dma_wait3A_1583 = tpu.memref_slice %arg5[%dma_wait3A_1574, %dma_wait3A_1575, %dma_wait3A_1582] : memref<2x32x50xi32, #tpu.memory_space<vmem>> -> memref<1x1x50xi32, #tpu.memory_space<vmem>>
      %dma_wait3A_1584 = tpu.memref_squeeze %dma_wait3A_1583 : memref<1x1x50xi32, #tpu.memory_space<vmem>> -> memref<50xi32, #tpu.memory_space<vmem>>
      %dma_wait3A_1585 = arith.constant 0 : i32
      %dma_wait3A_1586 = arith.constant 0 : i32
      %dma_wait3A_1587 = tpu.memref_slice %arg2[%dma_wait3A_1585, %dma_wait3A_1586] : memref<1000000x32xf32, #tpu.memory_space<hbm>> -> memref<1000000x32xf32, #tpu.memory_space<hbm>>
      tpu.wait_indirect_dma semaphore(%arg8 : memref<!tpu.dma_semaphore, #tpu.memory_space<semaphore_mem>>) src(%dma_wait3A_1587 : memref<1000000x32xf32, #tpu.memory_space<hbm>>) dst(%dma_wait3A_1581 : memref<50x32xf32, #tpu.memory_space<vmem>>)
      %dma_wait3A_1588 = arith.constant 1 : i32
      %dma_wait3A_1589 = arith.constant 16 : i32
      %dma_wait3A_1590 = arith.constant 1 : i32
      %dma_wait3A_1591 = arith.constant 16 : i32
      %dma_wait3A_1592 = arith.constant 0 : i32
      %dma_wait3A_1593 = arith.constant 0 : i32
      %dma_wait3A_1594 = tpu.memref_slice %arg6[%dma_wait3A_1590, %dma_wait3A_1591, %dma_wait3A_1592, %dma_wait3A_1593] : memref<2x32x50x32xf32, #tpu.memory_space<vmem>> -> memref<1x1x50x32xf32, #tpu.memory_space<vmem>>
      %dma_wait3A_1595 = tpu.memref_squeeze %dma_wait3A_1594 : memref<1x1x50x32xf32, #tpu.memory_space<vmem>> -> memref<50x32xf32, #tpu.memory_space<vmem>>
      %dma_wait3A_1596 = arith.constant 0 : i32
      %dma_wait3A_1597 = tpu.memref_slice %arg5[%dma_wait3A_1588, %dma_wait3A_1589, %dma_wait3A_1596] : memref<2x32x50xi32, #tpu.memory_space<vmem>> -> memref<1x1x50xi32, #tpu.memory_space<vmem>>
      %dma_wait3A_1598 = tpu.memref_squeeze %dma_wait3A_1597 : memref<1x1x50xi32, #tpu.memory_space<vmem>> -> memref<50xi32, #tpu.memory_space<vmem>>
      %dma_wait3A_1599 = arith.constant 0 : i32
      %dma_wait3A_1600 = arith.constant 0 : i32
      %dma_wait3A_1601 = tpu.memref_slice %arg2[%dma_wait3A_1599, %dma_wait3A_1600] : memref<1000000x32xf32, #tpu.memory_space<hbm>> -> memref<1000000x32xf32, #tpu.memory_space<hbm>>
      tpu.wait_indirect_dma semaphore(%arg8 : memref<!tpu.dma_semaphore, #tpu.memory_space<semaphore_mem>>) src(%dma_wait3A_1601 : memref<1000000x32xf32, #tpu.memory_space<hbm>>) dst(%dma_wait3A_1595 : memref<50x32xf32, #tpu.memory_space<vmem>>)
      %dma_wait3A_1602 = arith.constant 1 : i32
      %dma_wait3A_1603 = arith.constant 17 : i32
      %dma_wait3A_1604 = arith.constant 1 : i32
      %dma_wait3A_1605 = arith.constant 17 : i32
      %dma_wait3A_1606 = arith.constant 0 : i32
      %dma_wait3A_1607 = arith.constant 0 : i32
      %dma_wait3A_1608 = tpu.memref_slice %arg6[%dma_wait3A_1604, %dma_wait3A_1605, %dma_wait3A_1606, %dma_wait3A_1607] : memref<2x32x50x32xf32, #tpu.memory_space<vmem>> -> memref<1x1x50x32xf32, #tpu.memory_space<vmem>>
      %dma_wait3A_1609 = tpu.memref_squeeze %dma_wait3A_1608 : memref<1x1x50x32xf32, #tpu.memory_space<vmem>> -> memref<50x32xf32, #tpu.memory_space<vmem>>
      %dma_wait3A_1610 = arith.constant 0 : i32
      %dma_wait3A_1611 = tpu.memref_slice %arg5[%dma_wait3A_1602, %dma_wait3A_1603, %dma_wait3A_1610] : memref<2x32x50xi32, #tpu.memory_space<vmem>> -> memref<1x1x50xi32, #tpu.memory_space<vmem>>
      %dma_wait3A_1612 = tpu.memref_squeeze %dma_wait3A_1611 : memref<1x1x50xi32, #tpu.memory_space<vmem>> -> memref<50xi32, #tpu.memory_space<vmem>>
      %dma_wait3A_1613 = arith.constant 0 : i32
      %dma_wait3A_1614 = arith.constant 0 : i32
      %dma_wait3A_1615 = tpu.memref_slice %arg2[%dma_wait3A_1613, %dma_wait3A_1614] : memref<1000000x32xf32, #tpu.memory_space<hbm>> -> memref<1000000x32xf32, #tpu.memory_space<hbm>>
      tpu.wait_indirect_dma semaphore(%arg8 : memref<!tpu.dma_semaphore, #tpu.memory_space<semaphore_mem>>) src(%dma_wait3A_1615 : memref<1000000x32xf32, #tpu.memory_space<hbm>>) dst(%dma_wait3A_1609 : memref<50x32xf32, #tpu.memory_space<vmem>>)
      %dma_wait3A_1616 = arith.constant 1 : i32
      %dma_wait3A_1617 = arith.constant 18 : i32
      %dma_wait3A_1618 = arith.constant 1 : i32
      %dma_wait3A_1619 = arith.constant 18 : i32
      %dma_wait3A_1620 = arith.constant 0 : i32
      %dma_wait3A_1621 = arith.constant 0 : i32
      %dma_wait3A_1622 = tpu.memref_slice %arg6[%dma_wait3A_1618, %dma_wait3A_1619, %dma_wait3A_1620, %dma_wait3A_1621] : memref<2x32x50x32xf32, #tpu.memory_space<vmem>> -> memref<1x1x50x32xf32, #tpu.memory_space<vmem>>
      %dma_wait3A_1623 = tpu.memref_squeeze %dma_wait3A_1622 : memref<1x1x50x32xf32, #tpu.memory_space<vmem>> -> memref<50x32xf32, #tpu.memory_space<vmem>>
      %dma_wait3A_1624 = arith.constant 0 : i32
      %dma_wait3A_1625 = tpu.memref_slice %arg5[%dma_wait3A_1616, %dma_wait3A_1617, %dma_wait3A_1624] : memref<2x32x50xi32, #tpu.memory_space<vmem>> -> memref<1x1x50xi32, #tpu.memory_space<vmem>>
      %dma_wait3A_1626 = tpu.memref_squeeze %dma_wait3A_1625 : memref<1x1x50xi32, #tpu.memory_space<vmem>> -> memref<50xi32, #tpu.memory_space<vmem>>
      %dma_wait3A_1627 = arith.constant 0 : i32
      %dma_wait3A_1628 = arith.constant 0 : i32
      %dma_wait3A_1629 = tpu.memref_slice %arg2[%dma_wait3A_1627, %dma_wait3A_1628] : memref<1000000x32xf32, #tpu.memory_space<hbm>> -> memref<1000000x32xf32, #tpu.memory_space<hbm>>
      tpu.wait_indirect_dma semaphore(%arg8 : memref<!tpu.dma_semaphore, #tpu.memory_space<semaphore_mem>>) src(%dma_wait3A_1629 : memref<1000000x32xf32, #tpu.memory_space<hbm>>) dst(%dma_wait3A_1623 : memref<50x32xf32, #tpu.memory_space<vmem>>)
      %dma_wait3A_1630 = arith.constant 1 : i32
      %dma_wait3A_1631 = arith.constant 19 : i32
      %dma_wait3A_1632 = arith.constant 1 : i32
      %dma_wait3A_1633 = arith.constant 19 : i32
      %dma_wait3A_1634 = arith.constant 0 : i32
      %dma_wait3A_1635 = arith.constant 0 : i32
      %dma_wait3A_1636 = tpu.memref_slice %arg6[%dma_wait3A_1632, %dma_wait3A_1633, %dma_wait3A_1634, %dma_wait3A_1635] : memref<2x32x50x32xf32, #tpu.memory_space<vmem>> -> memref<1x1x50x32xf32, #tpu.memory_space<vmem>>
      %dma_wait3A_1637 = tpu.memref_squeeze %dma_wait3A_1636 : memref<1x1x50x32xf32, #tpu.memory_space<vmem>> -> memref<50x32xf32, #tpu.memory_space<vmem>>
      %dma_wait3A_1638 = arith.constant 0 : i32
      %dma_wait3A_1639 = tpu.memref_slice %arg5[%dma_wait3A_1630, %dma_wait3A_1631, %dma_wait3A_1638] : memref<2x32x50xi32, #tpu.memory_space<vmem>> -> memref<1x1x50xi32, #tpu.memory_space<vmem>>
      %dma_wait3A_1640 = tpu.memref_squeeze %dma_wait3A_1639 : memref<1x1x50xi32, #tpu.memory_space<vmem>> -> memref<50xi32, #tpu.memory_space<vmem>>
      %dma_wait3A_1641 = arith.constant 0 : i32
      %dma_wait3A_1642 = arith.constant 0 : i32
      %dma_wait3A_1643 = tpu.memref_slice %arg2[%dma_wait3A_1641, %dma_wait3A_1642] : memref<1000000x32xf32, #tpu.memory_space<hbm>> -> memref<1000000x32xf32, #tpu.memory_space<hbm>>
      tpu.wait_indirect_dma semaphore(%arg8 : memref<!tpu.dma_semaphore, #tpu.memory_space<semaphore_mem>>) src(%dma_wait3A_1643 : memref<1000000x32xf32, #tpu.memory_space<hbm>>) dst(%dma_wait3A_1637 : memref<50x32xf32, #tpu.memory_space<vmem>>)
      %dma_wait3A_1644 = arith.constant 1 : i32
      %dma_wait3A_1645 = arith.constant 20 : i32
      %dma_wait3A_1646 = arith.constant 1 : i32
      %dma_wait3A_1647 = arith.constant 20 : i32
      %dma_wait3A_1648 = arith.constant 0 : i32
      %dma_wait3A_1649 = arith.constant 0 : i32
      %dma_wait3A_1650 = tpu.memref_slice %arg6[%dma_wait3A_1646, %dma_wait3A_1647, %dma_wait3A_1648, %dma_wait3A_1649] : memref<2x32x50x32xf32, #tpu.memory_space<vmem>> -> memref<1x1x50x32xf32, #tpu.memory_space<vmem>>
      %dma_wait3A_1651 = tpu.memref_squeeze %dma_wait3A_1650 : memref<1x1x50x32xf32, #tpu.memory_space<vmem>> -> memref<50x32xf32, #tpu.memory_space<vmem>>
      %dma_wait3A_1652 = arith.constant 0 : i32
      %dma_wait3A_1653 = tpu.memref_slice %arg5[%dma_wait3A_1644, %dma_wait3A_1645, %dma_wait3A_1652] : memref<2x32x50xi32, #tpu.memory_space<vmem>> -> memref<1x1x50xi32, #tpu.memory_space<vmem>>
      %dma_wait3A_1654 = tpu.memref_squeeze %dma_wait3A_1653 : memref<1x1x50xi32, #tpu.memory_space<vmem>> -> memref<50xi32, #tpu.memory_space<vmem>>
      %dma_wait3A_1655 = arith.constant 0 : i32
      %dma_wait3A_1656 = arith.constant 0 : i32
      %dma_wait3A_1657 = tpu.memref_slice %arg2[%dma_wait3A_1655, %dma_wait3A_1656] : memref<1000000x32xf32, #tpu.memory_space<hbm>> -> memref<1000000x32xf32, #tpu.memory_space<hbm>>
      tpu.wait_indirect_dma semaphore(%arg8 : memref<!tpu.dma_semaphore, #tpu.memory_space<semaphore_mem>>) src(%dma_wait3A_1657 : memref<1000000x32xf32, #tpu.memory_space<hbm>>) dst(%dma_wait3A_1651 : memref<50x32xf32, #tpu.memory_space<vmem>>)
      %dma_wait3A_1658 = arith.constant 1 : i32
      %dma_wait3A_1659 = arith.constant 21 : i32
      %dma_wait3A_1660 = arith.constant 1 : i32
      %dma_wait3A_1661 = arith.constant 21 : i32
      %dma_wait3A_1662 = arith.constant 0 : i32
      %dma_wait3A_1663 = arith.constant 0 : i32
      %dma_wait3A_1664 = tpu.memref_slice %arg6[%dma_wait3A_1660, %dma_wait3A_1661, %dma_wait3A_1662, %dma_wait3A_1663] : memref<2x32x50x32xf32, #tpu.memory_space<vmem>> -> memref<1x1x50x32xf32, #tpu.memory_space<vmem>>
      %dma_wait3A_1665 = tpu.memref_squeeze %dma_wait3A_1664 : memref<1x1x50x32xf32, #tpu.memory_space<vmem>> -> memref<50x32xf32, #tpu.memory_space<vmem>>
      %dma_wait3A_1666 = arith.constant 0 : i32
      %dma_wait3A_1667 = tpu.memref_slice %arg5[%dma_wait3A_1658, %dma_wait3A_1659, %dma_wait3A_1666] : memref<2x32x50xi32, #tpu.memory_space<vmem>> -> memref<1x1x50xi32, #tpu.memory_space<vmem>>
      %dma_wait3A_1668 = tpu.memref_squeeze %dma_wait3A_1667 : memref<1x1x50xi32, #tpu.memory_space<vmem>> -> memref<50xi32, #tpu.memory_space<vmem>>
      %dma_wait3A_1669 = arith.constant 0 : i32
      %dma_wait3A_1670 = arith.constant 0 : i32
      %dma_wait3A_1671 = tpu.memref_slice %arg2[%dma_wait3A_1669, %dma_wait3A_1670] : memref<1000000x32xf32, #tpu.memory_space<hbm>> -> memref<1000000x32xf32, #tpu.memory_space<hbm>>
      tpu.wait_indirect_dma semaphore(%arg8 : memref<!tpu.dma_semaphore, #tpu.memory_space<semaphore_mem>>) src(%dma_wait3A_1671 : memref<1000000x32xf32, #tpu.memory_space<hbm>>) dst(%dma_wait3A_1665 : memref<50x32xf32, #tpu.memory_space<vmem>>)
      %dma_wait3A_1672 = arith.constant 1 : i32
      %dma_wait3A_1673 = arith.constant 22 : i32
      %dma_wait3A_1674 = arith.constant 1 : i32
      %dma_wait3A_1675 = arith.constant 22 : i32
      %dma_wait3A_1676 = arith.constant 0 : i32
      %dma_wait3A_1677 = arith.constant 0 : i32
      %dma_wait3A_1678 = tpu.memref_slice %arg6[%dma_wait3A_1674, %dma_wait3A_1675, %dma_wait3A_1676, %dma_wait3A_1677] : memref<2x32x50x32xf32, #tpu.memory_space<vmem>> -> memref<1x1x50x32xf32, #tpu.memory_space<vmem>>
      %dma_wait3A_1679 = tpu.memref_squeeze %dma_wait3A_1678 : memref<1x1x50x32xf32, #tpu.memory_space<vmem>> -> memref<50x32xf32, #tpu.memory_space<vmem>>
      %dma_wait3A_1680 = arith.constant 0 : i32
      %dma_wait3A_1681 = tpu.memref_slice %arg5[%dma_wait3A_1672, %dma_wait3A_1673, %dma_wait3A_1680] : memref<2x32x50xi32, #tpu.memory_space<vmem>> -> memref<1x1x50xi32, #tpu.memory_space<vmem>>
      %dma_wait3A_1682 = tpu.memref_squeeze %dma_wait3A_1681 : memref<1x1x50xi32, #tpu.memory_space<vmem>> -> memref<50xi32, #tpu.memory_space<vmem>>
      %dma_wait3A_1683 = arith.constant 0 : i32
      %dma_wait3A_1684 = arith.constant 0 : i32
      %dma_wait3A_1685 = tpu.memref_slice %arg2[%dma_wait3A_1683, %dma_wait3A_1684] : memref<1000000x32xf32, #tpu.memory_space<hbm>> -> memref<1000000x32xf32, #tpu.memory_space<hbm>>
      tpu.wait_indirect_dma semaphore(%arg8 : memref<!tpu.dma_semaphore, #tpu.memory_space<semaphore_mem>>) src(%dma_wait3A_1685 : memref<1000000x32xf32, #tpu.memory_space<hbm>>) dst(%dma_wait3A_1679 : memref<50x32xf32, #tpu.memory_space<vmem>>)
      %dma_wait3A_1686 = arith.constant 1 : i32
      %dma_wait3A_1687 = arith.constant 23 : i32
      %dma_wait3A_1688 = arith.constant 1 : i32
      %dma_wait3A_1689 = arith.constant 23 : i32
      %dma_wait3A_1690 = arith.constant 0 : i32
      %dma_wait3A_1691 = arith.constant 0 : i32
      %dma_wait3A_1692 = tpu.memref_slice %arg6[%dma_wait3A_1688, %dma_wait3A_1689, %dma_wait3A_1690, %dma_wait3A_1691] : memref<2x32x50x32xf32, #tpu.memory_space<vmem>> -> memref<1x1x50x32xf32, #tpu.memory_space<vmem>>
      %dma_wait3A_1693 = tpu.memref_squeeze %dma_wait3A_1692 : memref<1x1x50x32xf32, #tpu.memory_space<vmem>> -> memref<50x32xf32, #tpu.memory_space<vmem>>
      %dma_wait3A_1694 = arith.constant 0 : i32
      %dma_wait3A_1695 = tpu.memref_slice %arg5[%dma_wait3A_1686, %dma_wait3A_1687, %dma_wait3A_1694] : memref<2x32x50xi32, #tpu.memory_space<vmem>> -> memref<1x1x50xi32, #tpu.memory_space<vmem>>
      %dma_wait3A_1696 = tpu.memref_squeeze %dma_wait3A_1695 : memref<1x1x50xi32, #tpu.memory_space<vmem>> -> memref<50xi32, #tpu.memory_space<vmem>>
      %dma_wait3A_1697 = arith.constant 0 : i32
      %dma_wait3A_1698 = arith.constant 0 : i32
      %dma_wait3A_1699 = tpu.memref_slice %arg2[%dma_wait3A_1697, %dma_wait3A_1698] : memref<1000000x32xf32, #tpu.memory_space<hbm>> -> memref<1000000x32xf32, #tpu.memory_space<hbm>>
      tpu.wait_indirect_dma semaphore(%arg8 : memref<!tpu.dma_semaphore, #tpu.memory_space<semaphore_mem>>) src(%dma_wait3A_1699 : memref<1000000x32xf32, #tpu.memory_space<hbm>>) dst(%dma_wait3A_1693 : memref<50x32xf32, #tpu.memory_space<vmem>>)
      %dma_wait3A_1700 = arith.constant 1 : i32
      %dma_wait3A_1701 = arith.constant 24 : i32
      %dma_wait3A_1702 = arith.constant 1 : i32
      %dma_wait3A_1703 = arith.constant 24 : i32
      %dma_wait3A_1704 = arith.constant 0 : i32
      %dma_wait3A_1705 = arith.constant 0 : i32
      %dma_wait3A_1706 = tpu.memref_slice %arg6[%dma_wait3A_1702, %dma_wait3A_1703, %dma_wait3A_1704, %dma_wait3A_1705] : memref<2x32x50x32xf32, #tpu.memory_space<vmem>> -> memref<1x1x50x32xf32, #tpu.memory_space<vmem>>
      %dma_wait3A_1707 = tpu.memref_squeeze %dma_wait3A_1706 : memref<1x1x50x32xf32, #tpu.memory_space<vmem>> -> memref<50x32xf32, #tpu.memory_space<vmem>>
      %dma_wait3A_1708 = arith.constant 0 : i32
      %dma_wait3A_1709 = tpu.memref_slice %arg5[%dma_wait3A_1700, %dma_wait3A_1701, %dma_wait3A_1708] : memref<2x32x50xi32, #tpu.memory_space<vmem>> -> memref<1x1x50xi32, #tpu.memory_space<vmem>>
      %dma_wait3A_1710 = tpu.memref_squeeze %dma_wait3A_1709 : memref<1x1x50xi32, #tpu.memory_space<vmem>> -> memref<50xi32, #tpu.memory_space<vmem>>
      %dma_wait3A_1711 = arith.constant 0 : i32
      %dma_wait3A_1712 = arith.constant 0 : i32
      %dma_wait3A_1713 = tpu.memref_slice %arg2[%dma_wait3A_1711, %dma_wait3A_1712] : memref<1000000x32xf32, #tpu.memory_space<hbm>> -> memref<1000000x32xf32, #tpu.memory_space<hbm>>
      tpu.wait_indirect_dma semaphore(%arg8 : memref<!tpu.dma_semaphore, #tpu.memory_space<semaphore_mem>>) src(%dma_wait3A_1713 : memref<1000000x32xf32, #tpu.memory_space<hbm>>) dst(%dma_wait3A_1707 : memref<50x32xf32, #tpu.memory_space<vmem>>)
      %dma_wait3A_1714 = arith.constant 1 : i32
      %dma_wait3A_1715 = arith.constant 25 : i32
      %dma_wait3A_1716 = arith.constant 1 : i32
      %dma_wait3A_1717 = arith.constant 25 : i32
      %dma_wait3A_1718 = arith.constant 0 : i32
      %dma_wait3A_1719 = arith.constant 0 : i32
      %dma_wait3A_1720 = tpu.memref_slice %arg6[%dma_wait3A_1716, %dma_wait3A_1717, %dma_wait3A_1718, %dma_wait3A_1719] : memref<2x32x50x32xf32, #tpu.memory_space<vmem>> -> memref<1x1x50x32xf32, #tpu.memory_space<vmem>>
      %dma_wait3A_1721 = tpu.memref_squeeze %dma_wait3A_1720 : memref<1x1x50x32xf32, #tpu.memory_space<vmem>> -> memref<50x32xf32, #tpu.memory_space<vmem>>
      %dma_wait3A_1722 = arith.constant 0 : i32
      %dma_wait3A_1723 = tpu.memref_slice %arg5[%dma_wait3A_1714, %dma_wait3A_1715, %dma_wait3A_1722] : memref<2x32x50xi32, #tpu.memory_space<vmem>> -> memref<1x1x50xi32, #tpu.memory_space<vmem>>
      %dma_wait3A_1724 = tpu.memref_squeeze %dma_wait3A_1723 : memref<1x1x50xi32, #tpu.memory_space<vmem>> -> memref<50xi32, #tpu.memory_space<vmem>>
      %dma_wait3A_1725 = arith.constant 0 : i32
      %dma_wait3A_1726 = arith.constant 0 : i32
      %dma_wait3A_1727 = tpu.memref_slice %arg2[%dma_wait3A_1725, %dma_wait3A_1726] : memref<1000000x32xf32, #tpu.memory_space<hbm>> -> memref<1000000x32xf32, #tpu.memory_space<hbm>>
      tpu.wait_indirect_dma semaphore(%arg8 : memref<!tpu.dma_semaphore, #tpu.memory_space<semaphore_mem>>) src(%dma_wait3A_1727 : memref<1000000x32xf32, #tpu.memory_space<hbm>>) dst(%dma_wait3A_1721 : memref<50x32xf32, #tpu.memory_space<vmem>>)
      %dma_wait3A_1728 = arith.constant 1 : i32
      %dma_wait3A_1729 = arith.constant 26 : i32
      %dma_wait3A_1730 = arith.constant 1 : i32
      %dma_wait3A_1731 = arith.constant 26 : i32
      %dma_wait3A_1732 = arith.constant 0 : i32
      %dma_wait3A_1733 = arith.constant 0 : i32
      %dma_wait3A_1734 = tpu.memref_slice %arg6[%dma_wait3A_1730, %dma_wait3A_1731, %dma_wait3A_1732, %dma_wait3A_1733] : memref<2x32x50x32xf32, #tpu.memory_space<vmem>> -> memref<1x1x50x32xf32, #tpu.memory_space<vmem>>
      %dma_wait3A_1735 = tpu.memref_squeeze %dma_wait3A_1734 : memref<1x1x50x32xf32, #tpu.memory_space<vmem>> -> memref<50x32xf32, #tpu.memory_space<vmem>>
      %dma_wait3A_1736 = arith.constant 0 : i32
      %dma_wait3A_1737 = tpu.memref_slice %arg5[%dma_wait3A_1728, %dma_wait3A_1729, %dma_wait3A_1736] : memref<2x32x50xi32, #tpu.memory_space<vmem>> -> memref<1x1x50xi32, #tpu.memory_space<vmem>>
      %dma_wait3A_1738 = tpu.memref_squeeze %dma_wait3A_1737 : memref<1x1x50xi32, #tpu.memory_space<vmem>> -> memref<50xi32, #tpu.memory_space<vmem>>
      %dma_wait3A_1739 = arith.constant 0 : i32
      %dma_wait3A_1740 = arith.constant 0 : i32
      %dma_wait3A_1741 = tpu.memref_slice %arg2[%dma_wait3A_1739, %dma_wait3A_1740] : memref<1000000x32xf32, #tpu.memory_space<hbm>> -> memref<1000000x32xf32, #tpu.memory_space<hbm>>
      tpu.wait_indirect_dma semaphore(%arg8 : memref<!tpu.dma_semaphore, #tpu.memory_space<semaphore_mem>>) src(%dma_wait3A_1741 : memref<1000000x32xf32, #tpu.memory_space<hbm>>) dst(%dma_wait3A_1735 : memref<50x32xf32, #tpu.memory_space<vmem>>)
      %dma_wait3A_1742 = arith.constant 1 : i32
      %dma_wait3A_1743 = arith.constant 27 : i32
      %dma_wait3A_1744 = arith.constant 1 : i32
      %dma_wait3A_1745 = arith.constant 27 : i32
      %dma_wait3A_1746 = arith.constant 0 : i32
      %dma_wait3A_1747 = arith.constant 0 : i32
      %dma_wait3A_1748 = tpu.memref_slice %arg6[%dma_wait3A_1744, %dma_wait3A_1745, %dma_wait3A_1746, %dma_wait3A_1747] : memref<2x32x50x32xf32, #tpu.memory_space<vmem>> -> memref<1x1x50x32xf32, #tpu.memory_space<vmem>>
      %dma_wait3A_1749 = tpu.memref_squeeze %dma_wait3A_1748 : memref<1x1x50x32xf32, #tpu.memory_space<vmem>> -> memref<50x32xf32, #tpu.memory_space<vmem>>
      %dma_wait3A_1750 = arith.constant 0 : i32
      %dma_wait3A_1751 = tpu.memref_slice %arg5[%dma_wait3A_1742, %dma_wait3A_1743, %dma_wait3A_1750] : memref<2x32x50xi32, #tpu.memory_space<vmem>> -> memref<1x1x50xi32, #tpu.memory_space<vmem>>
      %dma_wait3A_1752 = tpu.memref_squeeze %dma_wait3A_1751 : memref<1x1x50xi32, #tpu.memory_space<vmem>> -> memref<50xi32, #tpu.memory_space<vmem>>
      %dma_wait3A_1753 = arith.constant 0 : i32
      %dma_wait3A_1754 = arith.constant 0 : i32
      %dma_wait3A_1755 = tpu.memref_slice %arg2[%dma_wait3A_1753, %dma_wait3A_1754] : memref<1000000x32xf32, #tpu.memory_space<hbm>> -> memref<1000000x32xf32, #tpu.memory_space<hbm>>
      tpu.wait_indirect_dma semaphore(%arg8 : memref<!tpu.dma_semaphore, #tpu.memory_space<semaphore_mem>>) src(%dma_wait3A_1755 : memref<1000000x32xf32, #tpu.memory_space<hbm>>) dst(%dma_wait3A_1749 : memref<50x32xf32, #tpu.memory_space<vmem>>)
      %dma_wait3A_1756 = arith.constant 1 : i32
      %dma_wait3A_1757 = arith.constant 28 : i32
      %dma_wait3A_1758 = arith.constant 1 : i32
      %dma_wait3A_1759 = arith.constant 28 : i32
      %dma_wait3A_1760 = arith.constant 0 : i32
      %dma_wait3A_1761 = arith.constant 0 : i32
      %dma_wait3A_1762 = tpu.memref_slice %arg6[%dma_wait3A_1758, %dma_wait3A_1759, %dma_wait3A_1760, %dma_wait3A_1761] : memref<2x32x50x32xf32, #tpu.memory_space<vmem>> -> memref<1x1x50x32xf32, #tpu.memory_space<vmem>>
      %dma_wait3A_1763 = tpu.memref_squeeze %dma_wait3A_1762 : memref<1x1x50x32xf32, #tpu.memory_space<vmem>> -> memref<50x32xf32, #tpu.memory_space<vmem>>
      %dma_wait3A_1764 = arith.constant 0 : i32
      %dma_wait3A_1765 = tpu.memref_slice %arg5[%dma_wait3A_1756, %dma_wait3A_1757, %dma_wait3A_1764] : memref<2x32x50xi32, #tpu.memory_space<vmem>> -> memref<1x1x50xi32, #tpu.memory_space<vmem>>
      %dma_wait3A_1766 = tpu.memref_squeeze %dma_wait3A_1765 : memref<1x1x50xi32, #tpu.memory_space<vmem>> -> memref<50xi32, #tpu.memory_space<vmem>>
      %dma_wait3A_1767 = arith.constant 0 : i32
      %dma_wait3A_1768 = arith.constant 0 : i32
      %dma_wait3A_1769 = tpu.memref_slice %arg2[%dma_wait3A_1767, %dma_wait3A_1768] : memref<1000000x32xf32, #tpu.memory_space<hbm>> -> memref<1000000x32xf32, #tpu.memory_space<hbm>>
      tpu.wait_indirect_dma semaphore(%arg8 : memref<!tpu.dma_semaphore, #tpu.memory_space<semaphore_mem>>) src(%dma_wait3A_1769 : memref<1000000x32xf32, #tpu.memory_space<hbm>>) dst(%dma_wait3A_1763 : memref<50x32xf32, #tpu.memory_space<vmem>>)
      %dma_wait3A_1770 = arith.constant 1 : i32
      %dma_wait3A_1771 = arith.constant 29 : i32
      %dma_wait3A_1772 = arith.constant 1 : i32
      %dma_wait3A_1773 = arith.constant 29 : i32
      %dma_wait3A_1774 = arith.constant 0 : i32
      %dma_wait3A_1775 = arith.constant 0 : i32
      %dma_wait3A_1776 = tpu.memref_slice %arg6[%dma_wait3A_1772, %dma_wait3A_1773, %dma_wait3A_1774, %dma_wait3A_1775] : memref<2x32x50x32xf32, #tpu.memory_space<vmem>> -> memref<1x1x50x32xf32, #tpu.memory_space<vmem>>
      %dma_wait3A_1777 = tpu.memref_squeeze %dma_wait3A_1776 : memref<1x1x50x32xf32, #tpu.memory_space<vmem>> -> memref<50x32xf32, #tpu.memory_space<vmem>>
      %dma_wait3A_1778 = arith.constant 0 : i32
      %dma_wait3A_1779 = tpu.memref_slice %arg5[%dma_wait3A_1770, %dma_wait3A_1771, %dma_wait3A_1778] : memref<2x32x50xi32, #tpu.memory_space<vmem>> -> memref<1x1x50xi32, #tpu.memory_space<vmem>>
      %dma_wait3A_1780 = tpu.memref_squeeze %dma_wait3A_1779 : memref<1x1x50xi32, #tpu.memory_space<vmem>> -> memref<50xi32, #tpu.memory_space<vmem>>
      %dma_wait3A_1781 = arith.constant 0 : i32
      %dma_wait3A_1782 = arith.constant 0 : i32
      %dma_wait3A_1783 = tpu.memref_slice %arg2[%dma_wait3A_1781, %dma_wait3A_1782] : memref<1000000x32xf32, #tpu.memory_space<hbm>> -> memref<1000000x32xf32, #tpu.memory_space<hbm>>
      tpu.wait_indirect_dma semaphore(%arg8 : memref<!tpu.dma_semaphore, #tpu.memory_space<semaphore_mem>>) src(%dma_wait3A_1783 : memref<1000000x32xf32, #tpu.memory_space<hbm>>) dst(%dma_wait3A_1777 : memref<50x32xf32, #tpu.memory_space<vmem>>)
      %dma_wait3A_1784 = arith.constant 1 : i32
      %dma_wait3A_1785 = arith.constant 30 : i32
      %dma_wait3A_1786 = arith.constant 1 : i32
      %dma_wait3A_1787 = arith.constant 30 : i32
      %dma_wait3A_1788 = arith.constant 0 : i32
      %dma_wait3A_1789 = arith.constant 0 : i32
      %dma_wait3A_1790 = tpu.memref_slice %arg6[%dma_wait3A_1786, %dma_wait3A_1787, %dma_wait3A_1788, %dma_wait3A_1789] : memref<2x32x50x32xf32, #tpu.memory_space<vmem>> -> memref<1x1x50x32xf32, #tpu.memory_space<vmem>>
      %dma_wait3A_1791 = tpu.memref_squeeze %dma_wait3A_1790 : memref<1x1x50x32xf32, #tpu.memory_space<vmem>> -> memref<50x32xf32, #tpu.memory_space<vmem>>
      %dma_wait3A_1792 = arith.constant 0 : i32
      %dma_wait3A_1793 = tpu.memref_slice %arg5[%dma_wait3A_1784, %dma_wait3A_1785, %dma_wait3A_1792] : memref<2x32x50xi32, #tpu.memory_space<vmem>> -> memref<1x1x50xi32, #tpu.memory_space<vmem>>
      %dma_wait3A_1794 = tpu.memref_squeeze %dma_wait3A_1793 : memref<1x1x50xi32, #tpu.memory_space<vmem>> -> memref<50xi32, #tpu.memory_space<vmem>>
      %dma_wait3A_1795 = arith.constant 0 : i32
      %dma_wait3A_1796 = arith.constant 0 : i32
      %dma_wait3A_1797 = tpu.memref_slice %arg2[%dma_wait3A_1795, %dma_wait3A_1796] : memref<1000000x32xf32, #tpu.memory_space<hbm>> -> memref<1000000x32xf32, #tpu.memory_space<hbm>>
      tpu.wait_indirect_dma semaphore(%arg8 : memref<!tpu.dma_semaphore, #tpu.memory_space<semaphore_mem>>) src(%dma_wait3A_1797 : memref<1000000x32xf32, #tpu.memory_space<hbm>>) dst(%dma_wait3A_1791 : memref<50x32xf32, #tpu.memory_space<vmem>>)
      %dma_wait3A_1798 = arith.constant 1 : i32
      %dma_wait3A_1799 = arith.constant 31 : i32
      %dma_wait3A_1800 = arith.constant 1 : i32
      %dma_wait3A_1801 = arith.constant 31 : i32
      %dma_wait3A_1802 = arith.constant 0 : i32
      %dma_wait3A_1803 = arith.constant 0 : i32
      %dma_wait3A_1804 = tpu.memref_slice %arg6[%dma_wait3A_1800, %dma_wait3A_1801, %dma_wait3A_1802, %dma_wait3A_1803] : memref<2x32x50x32xf32, #tpu.memory_space<vmem>> -> memref<1x1x50x32xf32, #tpu.memory_space<vmem>>
      %dma_wait3A_1805 = tpu.memref_squeeze %dma_wait3A_1804 : memref<1x1x50x32xf32, #tpu.memory_space<vmem>> -> memref<50x32xf32, #tpu.memory_space<vmem>>
      %dma_wait3A_1806 = arith.constant 0 : i32
      %dma_wait3A_1807 = tpu.memref_slice %arg5[%dma_wait3A_1798, %dma_wait3A_1799, %dma_wait3A_1806] : memref<2x32x50xi32, #tpu.memory_space<vmem>> -> memref<1x1x50xi32, #tpu.memory_space<vmem>>
      %dma_wait3A_1808 = tpu.memref_squeeze %dma_wait3A_1807 : memref<1x1x50xi32, #tpu.memory_space<vmem>> -> memref<50xi32, #tpu.memory_space<vmem>>
      %dma_wait3A_1809 = arith.constant 0 : i32
      %dma_wait3A_1810 = arith.constant 0 : i32
      %dma_wait3A_1811 = tpu.memref_slice %arg2[%dma_wait3A_1809, %dma_wait3A_1810] : memref<1000000x32xf32, #tpu.memory_space<hbm>> -> memref<1000000x32xf32, #tpu.memory_space<hbm>>
      tpu.wait_indirect_dma semaphore(%arg8 : memref<!tpu.dma_semaphore, #tpu.memory_space<semaphore_mem>>) src(%dma_wait3A_1811 : memref<1000000x32xf32, #tpu.memory_space<hbm>>) dst(%dma_wait3A_1805 : memref<50x32xf32, #tpu.memory_space<vmem>>)
      %run_scoped3A_1812 = arith.constant 1 : i32
      "tpu.region"() ({
        %run_scoped3A_1813 = tpu.sem_alloc : memref<!tpu.dma_semaphore, #tpu.memory_space<semaphore_mem>>
        %dma_start3A_1814 = arith.constant 0 : i32
        %dma_start3A_1815 = arith.constant 0 : i32
        %dma_start3A_1816 = arith.constant 0 : i32
        %dma_start3A_1817 = tpu.memref_slice %arg6[%run_scoped3A_1812, %dma_start3A_1814, %dma_start3A_1815, %dma_start3A_1816] : memref<2x32x50x32xf32, #tpu.memory_space<vmem>> -> memref<1x32x50x32xf32, #tpu.memory_space<vmem>>
        %dma_start3A_1818 = tpu.memref_squeeze %dma_start3A_1817 : memref<1x32x50x32xf32, #tpu.memory_space<vmem>> -> memref<32x50x32xf32, #tpu.memory_space<vmem>>
        %dma_start3A_1819 = arith.constant 0 : i32
        %dma_start3A_1820 = arith.constant 0 : i32
        %dma_start3A_1821 = tpu.memref_slice %arg4[%add3A_1363, %dma_start3A_1819, %dma_start3A_1820] : memref<16384x50x32xf32, #tpu.memory_space<hbm>> -> memref<32x50x32xf32, #tpu.memory_space<hbm>>
        %dma_start3A_1822 = arith.constant 0 : i32
        %dma_start3A_1823 = arith.constant 0 : i32
        %dma_start3A_1824 = tpu.memref_slice %arg4[%add3A_1363, %dma_start3A_1822, %dma_start3A_1823] : memref<16384x50x32xf32, #tpu.memory_space<hbm>> -> memref<32x50x32xf32, #tpu.memory_space<hbm>>
        %dma_start3A_1825 = arith.constant 0 : i32
        %dma_start3A_1826 = arith.constant 0 : i32
        %dma_start3A_1827 = arith.constant 0 : i32
        %dma_start3A_1828 = tpu.memref_slice %arg6[%run_scoped3A_1812, %dma_start3A_1825, %dma_start3A_1826, %dma_start3A_1827] : memref<2x32x50x32xf32, #tpu.memory_space<vmem>> -> memref<1x32x50x32xf32, #tpu.memory_space<vmem>>
        %dma_start3A_1829 = tpu.memref_squeeze %dma_start3A_1828 : memref<1x32x50x32xf32, #tpu.memory_space<vmem>> -> memref<32x50x32xf32, #tpu.memory_space<vmem>>
        tpu.enqueue_dma source(%dma_start3A_1829 : memref<32x50x32xf32, #tpu.memory_space<vmem>>) target(%dma_start3A_1824 : memref<32x50x32xf32, #tpu.memory_space<hbm>>) target_semaphore(%run_scoped3A_1813 : memref<!tpu.dma_semaphore, #tpu.memory_space<semaphore_mem>>)
        %dma_wait3A_1830 = arith.constant 0 : i32
        %dma_wait3A_1831 = arith.constant 0 : i32
        %dma_wait3A_1832 = arith.constant 0 : i32
        %dma_wait3A_1833 = tpu.memref_slice %arg6[%run_scoped3A_1812, %dma_wait3A_1830, %dma_wait3A_1831, %dma_wait3A_1832] : memref<2x32x50x32xf32, #tpu.memory_space<vmem>> -> memref<1x32x50x32xf32, #tpu.memory_space<vmem>>
        %dma_wait3A_1834 = tpu.memref_squeeze %dma_wait3A_1833 : memref<1x32x50x32xf32, #tpu.memory_space<vmem>> -> memref<32x50x32xf32, #tpu.memory_space<vmem>>
        %dma_wait3A_1835 = arith.constant 0 : i32
        %dma_wait3A_1836 = arith.constant 0 : i32
        %dma_wait3A_1837 = tpu.memref_slice %arg4[%add3A_1363, %dma_wait3A_1835, %dma_wait3A_1836] : memref<16384x50x32xf32, #tpu.memory_space<hbm>> -> memref<32x50x32xf32, #tpu.memory_space<hbm>>
        %dma_wait3A_1838 = arith.constant 0 : i32
        %dma_wait3A_1839 = arith.constant 0 : i32
        %dma_wait3A_1840 = tpu.memref_slice %arg4[%add3A_1363, %dma_wait3A_1838, %dma_wait3A_1839] : memref<16384x50x32xf32, #tpu.memory_space<hbm>> -> memref<32x50x32xf32, #tpu.memory_space<hbm>>
        %dma_wait3A_1841 = arith.constant 0 : i32
        %dma_wait3A_1842 = arith.constant 0 : i32
        %dma_wait3A_1843 = arith.constant 0 : i32
        %dma_wait3A_1844 = tpu.memref_slice %arg6[%run_scoped3A_1812, %dma_wait3A_1841, %dma_wait3A_1842, %dma_wait3A_1843] : memref<2x32x50x32xf32, #tpu.memory_space<vmem>> -> memref<1x32x50x32xf32, #tpu.memory_space<vmem>>
        %dma_wait3A_1845 = tpu.memref_squeeze %dma_wait3A_1844 : memref<1x32x50x32xf32, #tpu.memory_space<vmem>> -> memref<32x50x32xf32, #tpu.memory_space<vmem>>
        tpu.wait_dma2 semaphore(%run_scoped3A_1813 : memref<!tpu.dma_semaphore, #tpu.memory_space<semaphore_mem>>) src(%dma_wait3A_1845 : memref<32x50x32xf32, #tpu.memory_space<vmem>>) dst(%dma_wait3A_1840 : memref<32x50x32xf32, #tpu.memory_space<hbm>>)
        tpu.yield
      }) : () -> ()
    }
    %scan3A_9 = arith.constant 8 : i32
    return
  }
}

</mosaic_0001>

<sc_bundles>
// kernel: kernel.3.cloned.1.call-start
scs
__scs_entry_jumppad:
0x0: {  	(pc) =	sbr.rel $0x88, $3  }
0x1: {  	(tag) =	ssettag $0x0;
	lr =	simm.s32 $0x1  }
0x2: {  	[smem:$0x3F9F] =	sst lr;
	_ =	strace $0xD0000000  }
0x3: {  	_ = 	snop  }
0x4: {  	_ = 	snop  }
0x5: {  	_ = 	snop  }
0x6: {  	_ = 	snop  }
0x7: {  	_ = 	snop  }
__scs_overlays_trampoline_lowered:
0x8: {  	[smem:$0x3FAE] =	sst s0  }
0x9: {  	[smem:$0x3FAF] =	sst s1  }
0xa: {  	[smem:$0x3FB0] =	sst s2  }
0xb: {  	[smem:$0x3FB1] =	sst s3  }
0xc: {  	[smem:$0x3FB2] =	sst s4  }
0xd: {  	[smem:$0x3FB3] =	sst s5  }
0xe: {  	[smem:$0x3FB4] =	sst s6  }
0xf: {  	[smem:$0x3FB5] =	sst s7  }
0x10: {  	[smem:$0x3FB6] =	sst s8  }
0x11: {  	[smem:$0x3FB7] =	sst s9;
	s0 =	simm.s32 @!p0 $0x0  }
0x12: {  	s1 =	sld [smem:$0x3F9D];
	s0 =	simm.s32 @p0 $0x1  }
0x13: {  	[smem:$0x3FB8] =	sst s0;
	s0 =	simm.s32 @!p1 $0x0  }
0x14: {  	s2 =	sld [smem:$0x3F9C];
	s0 =	simm.s32 @p1 $0x1  }
0x15: {  	[smem:$0x3FB9] =	sst s0;
	s0 =	simm.s32 @!p2 $0x0  }
0x16: {  	s3 =	sld [smem:$0x3FDB];
	s0 =	simm.s32 @p2 $0x1  }
0x17: {  	s4 =	simm.s32 $0x1BF5;
	[smem:$0x3FBB] =	sst s0  }
0x18: {  	s0 =	sld [smem:$0x3F9E];
	_ =	swait.ge [sflag:s4], $0x0  }
0x19: {  	s7 =	sld [smem:$0x3F9F]  }
0x1a: {  	s8 =	sadd.s32 $0xFFFFE003, lr  }
0x1b: {  	s9 =	sadd.s32 $0xFFFFFEF7, lr;
	s5 =	simm.s32 $0xFFFFFFFF;
	p2 =	slt.u32 s8, $0xFFFFF086  }
0x1c: {  	p1 =	slt.u32 s9, $0xF7A;
	s5 =	simm.s32 @!p2 $0x0  }
0x1d: {  	s5 =	simm.s32 @p1 $0x1;
	p0 =	seq.s32 s7, s2  }
0x1e: {  	s7 =	smul.u32 @!p0 $0xF7A, s2;
	p2 =	seq.s32 @!p0 s5, $0x0  }
0x1f: {  	s9 =	smul.u32 $0xF7A, s1;
	s8 =	simm.s32 @!p0 $0x1BF5;
	p2 =	por !p2, p0  }
0x20: {  	[sflag:s8] =	ssyncset.s32 @!p0 $0xFFFFF086;
	s6 =	sadd.s32 @!p0 s3, s7;
	s7 =	simm.s32 @!p0 $0x108  }
0x21: {  	s3 =	sadd.s32 s3, s9;
	s6 =	sadd.s32 @!p0 $0x88, s6;
	s7 =	simm.s32 @p2 $0x1082  }
0x22: {  	[simem:s7], [sflag:s8] =	dma.local @!p0 [hbm:s6], $0xF7A  }
0x23: {  	s9 =	sor.u32 $0xD0000000, s2;
	s6 =	simm.s32 $0x108;
	_ =	swait.ge @!p0 [sflag:s8], $0x0  }
0x24: {  	s3 =	sadd.s32 $0x88, s3;
	s6 =	simm.s32 @!p1 $0x1082;
	[sflag:s4] =	ssyncset.s32 $0xFFFFF086  }
0x25: {  	[simem:s6], [sflag:s4] =	dma.local [hbm:s3], $0xF7A  }
0x26: {  	[smem:$0x3F9F] =	sst s1;
	(tag) =	ssettag s2;
	_ =	strace s9  }
0x27: {  	s1 =	sld [smem:$0x3FAF]  }
0x28: {  	s2 =	sld [smem:$0x3FB0]  }
0x29: {  	s4 =	sld [smem:$0x3FB2]  }
0x2a: {  	p0 =	seq.s32 s5, $0x0;
	s5 =	sld [smem:$0x3FB3]  }
0x2b: {  	s6 =	sld [smem:$0x3FB4]  }
0x2c: {  	s7 =	sld [smem:$0x3FB5]  }
0x2d: {  	s3 =	simm.s32 $0x108;
	s8 =	sld [smem:$0x3FB6]  }
0x2e: {  	s3 =	simm.s32 @!p0 $0x1082;
	s9 =	sld [smem:$0x3FB7]  }
0x2f: {  	lr =	sadd.s32 s0, s3;
	s0 =	sld [smem:$0x3FAE]  }
0x30: {  	s3 =	sld [smem:$0x3FB1]  }
0x31: {  	[smem:$0x3FBA] =	sst s10  }
0x32: {  	s10 =	sld [smem:$0x3FB8];
	_ =	sdelay $0x3  }
0x33: {  	p0 =	seq.s32 s10, $0x1;
	s10 =	sld [smem:$0x3FBA];
	_ =	sdelay $0x3  }
0x34: {  	[smem:$0x3FBA] =	sst s10  }
0x35: {  	s10 =	sld [smem:$0x3FB9];
	_ =	sdelay $0x3  }
0x36: {  	p1 =	seq.s32 s10, $0x1;
	s10 =	sld [smem:$0x3FBA];
	_ =	sdelay $0x3  }
0x37: {  	[smem:$0x3FBA] =	sst s10  }
0x38: {  	s10 =	sld [smem:$0x3FBB]  }
0x39: {  	_ = 	snop;
	(pc) =	sbr.ind lr, $3  }
0x3a: {  	_ = 	snop  }
0x3b: {  	_ = 	snop  }
0x3c: {  	p2 =	seq.s32 s10, $0x1;
	s10 =	sld [smem:$0x3FBA]  }
0x3d: {  	_ =	shalt  }
0x3e: {  	_ =	shalt  }
0x3f: {  	_ =	shalt  }
0x40: {  	_ =	shalt  }
0x41: {  	_ =	shalt  }
0x42: {  	_ =	shalt  }
0x43: {  	_ =	shalt  }
0x44: {  	_ =	shalt  }
0x45: {  	_ =	shalt  }
0x46: {  	_ =	shalt  }
0x47: {  	_ =	shalt  }
0x48: {  	_ =	shalt  }
0x49: {  	_ =	shalt  }
0x4a: {  	_ =	shalt  }
0x4b: {  	_ =	shalt  }
0x4c: {  	_ =	shalt  }
0x4d: {  	_ =	shalt  }
0x4e: {  	_ =	shalt  }
0x4f: {  	_ =	shalt  }
0x50: {  	_ =	shalt  }
0x51: {  	_ =	shalt  }
0x52: {  	_ =	shalt  }
0x53: {  	_ =	shalt  }
0x54: {  	_ =	shalt  }
0x55: {  	_ =	shalt  }
0x56: {  	_ =	shalt  }
0x57: {  	_ =	shalt  }
0x58: {  	_ =	shalt  }
0x59: {  	_ =	shalt  }
0x5a: {  	_ =	shalt  }
0x5b: {  	_ =	shalt  }
0x5c: {  	_ =	shalt  }
0x5d: {  	_ =	shalt  }
0x5e: {  	_ =	shalt  }
0x5f: {  	_ =	shalt  }
0x60: {  	_ =	shalt  }
0x61: {  	_ =	shalt  }
0x62: {  	_ =	shalt  }
0x63: {  	_ =	shalt  }
0x64: {  	_ =	shalt  }
0x65: {  	_ =	shalt  }
0x66: {  	_ =	shalt  }
0x67: {  	_ =	shalt  }
0x68: {  	_ =	shalt  }
0x69: {  	_ =	shalt  }
0x6a: {  	_ =	shalt  }
0x6b: {  	_ =	shalt  }
0x6c: {  	_ =	shalt  }
0x6d: {  	_ =	shalt  }
0x6e: {  	_ =	shalt  }
0x6f: {  	_ =	shalt  }
0x70: {  	_ =	shalt  }
0x71: {  	_ =	shalt  }
0x72: {  	_ =	shalt  }
0x73: {  	_ =	shalt  }
0x74: {  	_ =	shalt  }
0x75: {  	_ =	shalt  }
0x76: {  	_ =	shalt  }
0x77: {  	_ =	shalt  }
0x78: {  	_ =	shalt  }
0x79: {  	_ =	shalt  }
0x7a: {  	_ =	shalt  }
0x7b: {  	_ =	shalt  }
0x7c: {  	_ =	shalt  }
0x7d: {  	_ =	shalt  }
0x7e: {  	_ =	shalt  }
0x7f: {  	_ =	shalt  }
0x80: {  	_ =	shalt  }
0x81: {  	_ =	shalt  }
0x82: {  	_ =	shalt  }
0x83: {  	_ =	shalt  }
0x84: {  	_ =	shalt  }
0x85: {  	_ =	shalt  }
0x86: {  	_ =	shalt  }
0x87: {  	_ =	shalt  }
.Lfunc_end0:
.L_simem_size_0:
called_computation.1_lowered:
.L_overlay_start_0:
0x88: {  	s2 =	sld [smem:$0x3FD9]  }
0x89: {  	s3 =	sld [smem:$0x3FFE];
	_ =	sdelay $0x1  }
0x8a: {  	s1 =	srdreg.scid  }
0x8b: {  	s0 =	sand.u32 $0x1, s1  }
0x8c: {  	s17 =	sshll.u32 s0, $0xA;
	s2 =	sadd.s32 s3, s2  }
0x8d: {  	s2 =	sadd.s32 s2, s17  }
0x8e: {  	[smem:$0x3FC6] =	sst s2  }
0x8f: {  	_ = 	snop  }
0x90: {  	s2 =	sld [smem:$0x3FD0];
	(tm) =	ssettm $0x1  }
0x91: {  	s18 =	sld [smem:$0x3FFB];
	_ =	sdelay $0x3  }
0x92: {  	_ =	strace s18  }
0x93: {  	s3 =	sld [smem:$0x3FFC];
	_ =	sdelay $0x3  }
0x94: {  	_ =	strace s3  }
0x95: {  	s3 =	sld [smem:$0x3FFD];
	_ =	sdelay $0x3  }
0x96: {  	_ =	strace s3  }
0x97: {  	_ =	strace $0x8FFFFFFF  }
0x98: {  	s19 =	sld [smem:$0x3FDB];
	_ =	sdelay $0x1  }
0x99: {  	s4 =	simm.s32 $_scs_section_size  }
0x9a: {  	s5 =	simm.s32 $_size__tile_overlayer_lowered;
	s6 =	simm.s32 $_tile_overlayer_lowered  }
0x9b: {  	s22 =	simm.s32 $0x1BFF;
	s21 =	sshll.u32 s6, $0x1;
	s3 =	sadd.s32 s4, s19  }
0x9c: {  	s7 =	simm.s32 $0x0;
	s20 =	sshll.u32 s5, $0x1;
	s5 =	sadd.s32 s21, s3  }
0x9d: {  	[timem:s7], [sflag:s22] =	dma.local [hbm:s5], s20  }
0x9e: {  	_ =	swait.ge [sflag:s22], s20  }
0x9f: {  	s4 =	ssub.s32 $0x0, s20;
	[sflag:s22] =	ssyncset.done $0x0  }
0xa0: {  	[sflag:s22] =	ssyncadd.s32 s4;
	_ =	sdelay $0x1  }
0xa1: {  	s23 =	simm.s32 $0x1B8B  }
0xa2: {  	_ =	swait.ge [sflag:s23], $0x1  }
0xa3: {  	[sflag:s23] =	ssyncset.done $0x0  }
0xa4: {  	s25 =	simm.s32 $0x1B8E;
	s24 =	sld [smem:$0x3FFE];
	[sflag:s23] =	ssyncadd.s32 $0xFFFFFFFF  }
0xa5: {  	s26 =	simm.s32 $execute0_lowered;
	[smem:$0x3FD2] =	sst s25  }
0xa6: {  	s5 =	sshll.u32 s26, $0x1;
	_ =	strace $0x80000046;
	[dreg:$0x1] =	wrdreg $0xFFFFFFFF  }
0xa7: {  	s28 =	simm.s32 $_size_execute0_lowered;
	s3 =	sadd.s32 s3, s5;
	[dreg:$0x0] =	wrdreg $0x0  }
0xa8: {  	s5 =	sshll.u32 s28, $0x1;
	[dreg:$0x2] =	wrdreg s3  }
0xa9: {  	[dreg:$0x3] =	wrdreg s5  }
0xaa: {  	[dreg:$0x4] =	wrdreg $0xC0  }
0xab: {  	_ =	task [dreg:s7], $0x5FFFF  }
0xac: {  	[dreg:$0x1] =	wrdreg $0xFFFFFFFF  }
0xad: {  	[dreg:$0x0] =	wrdreg $0x60  }
0xae: {  	[dreg:$0x2] =	wrdreg s24  }
0xaf: {  	[dreg:$0x3] =	wrdreg s2  }
0xb0: {  	[dreg:$0x4] =	wrdreg $0x9  }
0xb1: {  	_ =	task.clear_ibuf [dreg:s7], $0x5FFFF;
	_ =	strace $0x90000046  }
0xb2: {  	s29 =	simm.s32 $0x9;
	_ =	strace $0x80000048  }
0xb3: {  	_ =	swait.ge [sflag:s29], $0x1  }
0xb4: {  	[sflag:s29] =	ssyncadd.s32 $0xFFFFFFFF  }
0xb5: {  	_ =	strace $0x90000048  }
0xb6: {  	_ =	sfence  }
0xb7: {  	s30 =	sld [smem:$0x0];
	_ =	sdelay $0x2  }
0xb8: {  	s31 =	sshll.u32 s1, $0xD;
	s1 =	sshrl.u32 s1, $0x2  }
0xb9: {  	s3 =	sand.u32 $0x4000, s31;
	s1 =	sadd.s32 s1, s30  }
0xba: {  	s0 =	sor.u32 s3, s0;
	s1 =	sshll.u32 s1, $0x11  }
0xbb: {  	s0 =	sor.u32 s1, s0  }
0xbc: {  	s0 =	sadd.s32 $0x8F2B, s0  }
0xbd: {  	[sflag:s0] =	ssyncadd.remote.s32 $0x1  }
0xbe: {  	_ =	sfence.sel $0xFFFF  }
0xbf: {  	[dreg:$0x0] =	wrdreg $0xFFFFFFFF;
	(pc) =	sbr.abs _section_cstart, $3  }
0xc0: {  	[dreg:$0x1] =	wrdreg $0xFFFFFFFF  }
0xc1: {  	_ =	task.clear_ibuf [dreg:s7], $0x2FFFF;
	_ =	strace $0x9FFFFFFF  }
0xc2: {  	(tm) =	ssettm $0x7FFFFFFF  }
0xc3: {  	_ =	shalt  }
tec
execute0_lowered:
.L_overlay_start_1:
0x0: {  	(tag) =	ssettag $0x1  }
0x1: {  	s5 =	rddreg [dreg:$0x0]  }
0x2: {  	s3 =	rddreg [dreg:$0x1];
	s2 =	simm.s32 $0x0  }
0x3: {  	s11 =	simm.s32 $0x38;
	[smem:$0x7FF] =	sst s2  }
0x4: {  	s12 =	simm.s32 $0x1440;
	_ =	strace $0x80000047;
	[dreg:$0x4] =	wrdreg s11  }
0x5: {  	s13 =	simm.s32 $0x70;
	[dreg:$0x5] =	wrdreg s12  }
0x6: {  	s14 =	simm.s32 $0x1A80;
	[dreg:$0x6] =	wrdreg s13  }
0x7: {  	s15 =	simm.s32 $0xA8;
	[dreg:$0x7] =	wrdreg s14  }
0x8: {  	s16 =	simm.s32 $0x20C0;
	[dreg:$0x8] =	wrdreg s15  }
0x9: {  	s17 =	simm.s32 $0xE0;
	[dreg:$0x9] =	wrdreg s16  }
0xa: {  	s18 =	simm.s32 $0x2700;
	[dreg:$0xa] =	wrdreg s17  }
0xb: {  	s19 =	simm.s32 $0x118;
	[dreg:$0xb] =	wrdreg s18  }
0xc: {  	s20 =	simm.s32 $0x2D40;
	[dreg:$0xc] =	wrdreg s19  }
0xd: {  	s21 =	simm.s32 $0x150;
	[dreg:$0xd] =	wrdreg s20  }
0xe: {  	s22 =	simm.s32 $0x3380;
	[dreg:$0xe] =	wrdreg s21  }
0xf: {  	s23 =	simm.s32 $0x188;
	[dreg:$0xf] =	wrdreg s22  }
0x10: {  	s24 =	simm.s32 $0x39C0;
	[dreg:$0x10] =	wrdreg s23  }
0x11: {  	s25 =	simm.s32 $0x1C0;
	[dreg:$0x11] =	wrdreg s24  }
0x12: {  	s26 =	simm.s32 $0x4000;
	[dreg:$0x12] =	wrdreg s25  }
0x13: {  	s30 =	simm.s32 $0x1F8;
	[dreg:$0x13] =	wrdreg s26  }
0x14: {  	s31 =	simm.s32 $0x4640;
	[dreg:$0x14] =	wrdreg s30  }
0x15: {  	s7 =	simm.s32 $0x268;
	[dreg:$0x15] =	wrdreg s31  }
0x16: {  	s8 =	simm.s32 $0x52C0;
	[dreg:$0x18] =	wrdreg s7  }
0x17: {  	s9 =	simm.s32 $0x2A0;
	[dreg:$0x19] =	wrdreg s8  }
0x18: {  	[dreg:$0x1a] =	wrdreg s9;
	s11 =	simm.s32 $0x2D8  }
0x19: {  	s12 =	simm.s32 $0x5F40;
	[dreg:$0x1c] =	wrdreg s11  }
0x1a: {  	s13 =	simm.s32 $0x310;
	[dreg:$0x1d] =	wrdreg s12  }
0x1b: {  	s14 =	simm.s32 $0x6580;
	[dreg:$0x1e] =	wrdreg s13  }
0x1c: {  	s15 =	simm.s32 $0x348;
	[dreg:$0x1f] =	wrdreg s14  }
0x1d: {  	s16 =	simm.s32 $0x6BC0;
	[smem:$0x7AB] =	sst s15  }
0x1e: {  	s17 =	simm.s32 $0x380;
	[smem:$0x7AC] =	sst s16  }
0x1f: {  	s18 =	simm.s32 $0x7200;
	[smem:$0x7AD] =	sst s17  }
0x20: {  	s19 =	simm.s32 $0x3B8;
	[smem:$0x7AE] =	sst s18  }
0x21: {  	s20 =	simm.s32 $0x7840;
	[smem:$0x7AF] =	sst s19  }
0x22: {  	s21 =	simm.s32 $0x3F0;
	[smem:$0x7B0] =	sst s20  }
0x23: {  	s22 =	simm.s32 $0x7E80;
	[smem:$0x7B1] =	sst s21  }
0x24: {  	s23 =	simm.s32 $0x428;
	[smem:$0x7B2] =	sst s22  }
0x25: {  	s24 =	simm.s32 $0x84C0;
	[smem:$0x7B3] =	sst s23  }
0x26: {  	s25 =	simm.s32 $0x460;
	[smem:$0x7B4] =	sst s24  }
0x27: {  	s26 =	simm.s32 $0x8B00;
	[smem:$0x7B5] =	sst s25  }
0x28: {  	s30 =	simm.s32 $0x498;
	[smem:$0x7B6] =	sst s26  }
0x29: {  	s0 =	stileid.u32;
	s31 =	simm.s32 $0x9140;
	[smem:$0x7B7] =	sst s30  }
0x2a: {  	s1 =	srdreg.scid;
	s7 =	simm.s32 $0x508;
	[smem:$0x7B8] =	sst s31  }
0x2b: {  	s10 =	smul.u32 $0x32000, s0;
	s8 =	simm.s32 $0x9DC0;
	[smem:$0x7BB] =	sst s7  }
0x2c: {  	s4 =	sand.u32 $0x1, s1;
	s9 =	simm.s32 $0x540;
	[smem:$0x7BC] =	sst s8  }
0x2d: {  	s1 =	sadd.s32 s10, s3;
	s3 =	simm.s32 $0x230;
	[smem:$0x7BD] =	sst s9  }
0x2e: {  	s10 =	simm.s32 $0x5900;
	[dreg:$0x16] =	wrdreg s3  }
0x2f: {  	s11 =	simm.s32 $0x578;
	[dreg:$0x1b] =	wrdreg s10  }
0x30: {  	s12 =	simm.s32 $0xAA40;
	[smem:$0x7BF] =	sst s11  }
0x31: {  	s13 =	simm.s32 $0x5B0;
	[smem:$0x7C0] =	sst s12  }
0x32: {  	s14 =	simm.s32 $0xB080;
	[smem:$0x7C1] =	sst s13  }
0x33: {  	s15 =	simm.s32 $0x5E8;
	[smem:$0x7C2] =	sst s14  }
0x34: {  	s16 =	simm.s32 $0xB6C0;
	[smem:$0x7C3] =	sst s15  }
0x35: {  	s17 =	simm.s32 $0x620;
	[smem:$0x7C4] =	sst s16  }
0x36: {  	s18 =	simm.s32 $0xBD00;
	[smem:$0x7C5] =	sst s17  }
0x37: {  	s19 =	simm.s32 $0x658;
	[smem:$0x7C6] =	sst s18  }
0x38: {  	s20 =	simm.s32 $0xC340;
	[smem:$0x7C7] =	sst s19  }
0x39: {  	s21 =	simm.s32 $0x690;
	[smem:$0x7C8] =	sst s20  }
0x3a: {  	s22 =	simm.s32 $0xC980;
	[smem:$0x7C9] =	sst s21  }
0x3b: {  	s23 =	simm.s32 $0x6C8;
	[smem:$0x7CA] =	sst s22  }
0x3c: {  	s24 =	simm.s32 $0xCFC0;
	[smem:$0x7CB] =	sst s23  }
0x3d: {  	s25 =	simm.s32 $0x738;
	[smem:$0x7CC] =	sst s24  }
0x3e: {  	s26 =	simm.s32 $0xDC40;
	[smem:$0x7CD] =	sst s25  }
0x3f: {  	s30 =	simm.s32 $0x770;
	[smem:$0x7CE] =	sst s26  }
0x40: {  	s31 =	simm.s32 $0xE280;
	[smem:$0x7CF] =	sst s30  }
0x41: {  	s7 =	simm.s32 $0x7E0;
	[smem:$0x7D0] =	sst s31  }
0x42: {  	s6 =	smul.u32 $0x19000, s4;
	s8 =	simm.s32 $0xEF00;
	[smem:$0x7D3] =	sst s7  }
0x43: {  	s9 =	simm.s32 $0x818;
	[smem:$0x7D4] =	sst s8  }
0x44: {  	s1 =	sadd.s32 s6, s1;
	[smem:$0x7D5] =	sst s9  }
0x45: {  	s6 =	simm.s32 $0x4C80;
	[dreg:$0x3] =	wrdreg s1  }
0x46: {  	s3 =	simm.s32 $0x4D0;
	[dreg:$0x17] =	wrdreg s6  }
0x47: {  	s10 =	simm.s32 $0xA400;
	[smem:$0x7B9] =	sst s3  }
0x48: {  	s11 =	simm.s32 $0x850;
	[smem:$0x7BE] =	sst s10  }
0x49: {  	s12 =	simm.s32 $0xFB80;
	[smem:$0x7D7] =	sst s11  }
0x4a: {  	s13 =	simm.s32 $0x888;
	[smem:$0x7D8] =	sst s12  }
0x4b: {  	s14 =	simm.s32 $0x101C0;
	[smem:$0x7D9] =	sst s13  }
0x4c: {  	s15 =	simm.s32 $0x8C0;
	[smem:$0x7DA] =	sst s14  }
0x4d: {  	s16 =	simm.s32 $0x10800;
	[smem:$0x7DB] =	sst s15  }
0x4e: {  	s17 =	simm.s32 $0x8F8;
	[smem:$0x7DC] =	sst s16  }
0x4f: {  	s18 =	simm.s32 $0x10E40;
	[smem:$0x7DD] =	sst s17  }
0x50: {  	s19 =	simm.s32 $0x930;
	[smem:$0x7DE] =	sst s18  }
0x51: {  	s20 =	simm.s32 $0x11480;
	[smem:$0x7DF] =	sst s19  }
0x52: {  	s21 =	simm.s32 $0x968;
	[smem:$0x7E0] =	sst s20  }
0x53: {  	s22 =	simm.s32 $0x11AC0;
	[smem:$0x7E1] =	sst s21  }
0x54: {  	s23 =	simm.s32 $0x9A0;
	[smem:$0x7E2] =	sst s22  }
0x55: {  	s24 =	simm.s32 $0x12100;
	[smem:$0x7E3] =	sst s23  }
0x56: {  	s25 =	simm.s32 $0x9D8;
	[smem:$0x7E4] =	sst s24  }
0x57: {  	s26 =	simm.s32 $0x12740;
	[smem:$0x7E5] =	sst s25  }
0x58: {  	s30 =	simm.s32 $0xA10;
	[smem:$0x7E6] =	sst s26  }
0x59: {  	s31 =	simm.s32 $0x12D80;
	[smem:$0x7E7] =	sst s30  }
0x5a: {  	s7 =	simm.s32 $0xA80;
	[smem:$0x7E8] =	sst s31  }
0x5b: {  	s8 =	simm.s32 $0x13A00;
	[smem:$0x7EB] =	sst s7  }
0x5c: {  	s9 =	simm.s32 $0xAB8;
	[smem:$0x7EC] =	sst s8  }
0x5d: {  	s6 =	simm.s32 $0x9780;
	[smem:$0x7ED] =	sst s9  }
0x5e: {  	s3 =	simm.s32 $0x7A8;
	[smem:$0x7BA] =	sst s6  }
0x5f: {  	s10 =	simm.s32 $0xF540;
	[smem:$0x7D1] =	sst s3  }
0x60: {  	s12 =	simm.s32 $0xAF0;
	[smem:$0x7D6] =	sst s10  }
0x61: {  	s13 =	simm.s32 $0x14680;
	[smem:$0x7EF] =	sst s12  }
0x62: {  	s28 =	simm.s32 $0x2;
	s14 =	simm.s32 $0xB28;
	[smem:$0x7F0] =	sst s13  }
0x63: {  	s29 =	simm.s32 $0x0;
	s16 =	simm.s32 $0x14CC0;
	[smem:$0x7F1] =	sst s14  }
0x64: {  	s11 =	smul.u32 $0x1C00, s0;
	s17 =	simm.s32 $0xB60;
	[smem:$0x7F2] =	sst s16  }
0x65: {  	s15 =	ssub.s32 $0x2, s4;
	s18 =	simm.s32 $0x15300;
	[smem:$0x7F3] =	sst s17  }
0x66: {  	s19 =	smul.u32 $0xE00, s4;
	s20 =	simm.s32 $0xB98;
	[smem:$0x7F4] =	sst s18  }
0x67: {  	s22 =	simm.s32 $0x15940;
	s23 =	simm.s32 $0xBD0;
	[smem:$0x7F6] =	sst s20  }
0x68: {  	s25 =	simm.s32 $0x15F80;
	s26 =	simm.s32 $0xC08;
	[smem:$0x7F7] =	sst s22  }
0x69: {  	s30 =	simm.s32 $0x165C0;
	s8 =	simm.s32 $0xE00;
	[smem:$0x7F9] =	sst s23  }
0x6a: {  	s31 =	simm.s32 $0xC40;
	s9 =	simm.s32 $0x700;
	[smem:$0x7FA] =	sst s25  }
0x6b: {  	s6 =	simm.s32 $0xE8C0;
	s3 =	simm.s32 $0xA48;
	[smem:$0x7FB] =	sst s26  }
0x6c: {  	s10 =	simm.s32 $0x14040;
	s7 =	sshrl.u32 s15, $0x1;
	[smem:$0x7FC] =	sst s30  }
0x6d: {  	[smem:$0x7FD] =	sst s31;
	s12 =	simm.s32 $0xC78;
	s13 =	simm.s32 $0x17240  }
0x6e: {  	s14 =	simm.s32 $0xCB0;
	s16 =	simm.s32 $0xCE8;
	s17 =	simm.s32 $0x17EC0  }
0x6f: {  	s18 =	simm.s32 $0xD20;
	s20 =	simm.s32 $0xD58;
	s22 =	simm.s32 $0xD90  }
0x70: {  	s23 =	simm.s32 $0x19180;
	s25 =	simm.s32 $0x197C0;
	[smem:$0x7D2] =	sst s6  }
0x71: {  	s26 =	simm.s32 $0x1;
	[smem:$0x7E9] =	sst s3;
	s6 =	simm.s32 $0x133C0  }
0x72: {  	[smem:$0x7EE] =	sst s10;
	s3 =	sadd.s32 $0xF42E00, s5;
	s5 =	sadd.s32 s11, s5  }
0x73: {  	s10 =	simm.s32 $0xD600;
	s11 =	simm.s32 $0x16C00;
	[smem:$0x7EA] =	sst s6  }
0x74: {  	s6 =	ssub.s32 s15, s7;
	s5 =	sadd.s32 s19, s5;
	s7 =	simm.s32 $0x32  }
0x75: {  	s15 =	simm.s32 $0x17880;
	s19 =	simm.s32 $0x18500;
	s21 =	smax.u32 s6, $0x1  }
0x76: {  	s24 =	sadd.s32 $0xAE0, s5;
	s6 =	simm.s32 $0x3;
	[smem:$0x7F5] =	sst s21  }
0x77: {  	[smem:$0x7F8] =	sst s24;
	s21 =	simm.s32 $0x18B40;
	s24 =	simm.s32 $0xDC8  }
.LBB2_1:
0x78: {  	s30 =	sld [smem:$0x7F8];
	_ =	sdelay $0x1  }
0x79: {  	s31 =	simm.s32 $0x0  }
.LBB2_2:
0x7a: {  	s1 =	sadd.s32 $0xFFFFFF20, s30  }
0x7b: {  	[tilespmem:s2], [sflag:$0x3] =	stream.linear.gather [hbm4b:s1+s2], $0x700, $0x38;
	[tilespmem:$0x19E00] =	vst v63  }
0x7c: {  	_ =	swait.ge [sflag:s6], $0x700  }
0x7d: {  	s5 =	rddreg [dreg:$0x4]  }
0x7e: {  	[sflag:s6] =	ssyncset.done $0x0;
	s0 =	rddreg [dreg:$0x5]  }
0x7f: {  	s1 =	rddreg [dreg:$0x7];
	[sflag:s6] =	ssyncadd.s32 $0xFFFFF900  }
0x80: {  	[tilespmem:s8], [sflag:$0x1] =	stream.indirect.gather [hbm4b:s3+s7], $0x20, s2, s7, $0xb8;
	[tilespmem:$0x19E00] =	vst v63  }
0x81: {  	s4 =	rddreg [dreg:$0x8]  }
0x82: {  	[tilespmem:s0], [sflag:$0x1] =	stream.indirect.gather [hbm4b:s3+s7], $0x20, s5, s7, $0xb8;
	[tilespmem:$0x19E00] =	vst v63  }
0x83: {  	s0 =	rddreg [dreg:$0x6]  }
0x84: {  	s5 =	rddreg [dreg:$0x9]  }
0x85: {  	[tilespmem:s1], [sflag:$0x1] =	stream.indirect.gather [hbm4b:s3+s7], $0x20, s0, s7, $0xb8;
	[tilespmem:$0x19E00] =	vst v63  }
0x86: {  	s0 =	rddreg [dreg:$0xa]  }
0x87: {  	s1 =	rddreg [dreg:$0xb]  }
0x88: {  	[tilespmem:s5], [sflag:$0x1] =	stream.indirect.gather [hbm4b:s3+s7], $0x20, s4, s7, $0xb8;
	[tilespmem:$0x19E00] =	vst v63  }
0x89: {  	s4 =	rddreg [dreg:$0xc]  }
0x8a: {  	s5 =	rddreg [dreg:$0xd]  }
0x8b: {  	[tilespmem:s1], [sflag:$0x1] =	stream.indirect.gather [hbm4b:s3+s7], $0x20, s0, s7, $0xb8;
	[tilespmem:$0x19E00] =	vst v63  }
0x8c: {  	s0 =	rddreg [dreg:$0xe]  }
0x8d: {  	s1 =	rddreg [dreg:$0xf]  }
0x8e: {  	[tilespmem:s5], [sflag:$0x1] =	stream.indirect.gather [hbm4b:s3+s7], $0x20, s4, s7, $0xb8;
	[tilespmem:$0x19E00] =	vst v63  }
0x8f: {  	s4 =	rddreg [dreg:$0x10]  }
0x90: {  	s5 =	rddreg [dreg:$0x11]  }
0x91: {  	[tilespmem:s1], [sflag:$0x1] =	stream.indirect.gather [hbm4b:s3+s7], $0x20, s0, s7, $0xb8;
	[tilespmem:$0x19E00] =	vst v63  }
0x92: {  	s0 =	rddreg [dreg:$0x12]  }
0x93: {  	s1 =	rddreg [dreg:$0x13]  }
0x94: {  	[tilespmem:s5], [sflag:$0x1] =	stream.indirect.gather [hbm4b:s3+s7], $0x20, s4, s7, $0xb8;
	[tilespmem:$0x19E00] =	vst v63  }
0x95: {  	s4 =	rddreg [dreg:$0x14]  }
0x96: {  	s5 =	rddreg [dreg:$0x15]  }
0x97: {  	[tilespmem:s1], [sflag:$0x1] =	stream.indirect.gather [hbm4b:s3+s7], $0x20, s0, s7, $0xb8;
	[tilespmem:$0x19E00] =	vst v63  }
0x98: {  	s0 =	rddreg [dreg:$0x16]  }
0x99: {  	s1 =	rddreg [dreg:$0x17]  }
0x9a: {  	[tilespmem:s5], [sflag:$0x1] =	stream.indirect.gather [hbm4b:s3+s7], $0x20, s4, s7, $0xb8;
	[tilespmem:$0x19E00] =	vst v63  }
0x9b: {  	s4 =	rddreg [dreg:$0x18]  }
0x9c: {  	s5 =	rddreg [dreg:$0x19]  }
0x9d: {  	[tilespmem:s1], [sflag:$0x1] =	stream.indirect.gather [hbm4b:s3+s7], $0x20, s0, s7, $0xb8;
	[tilespmem:$0x19E00] =	vst v63  }
0x9e: {  	s0 =	rddreg [dreg:$0x1a]  }
0x9f: {  	s1 =	rddreg [dreg:$0x1b]  }
0xa0: {  	[tilespmem:s5], [sflag:$0x1] =	stream.indirect.gather [hbm4b:s3+s7], $0x20, s4, s7, $0xb8;
	[tilespmem:$0x19E00] =	vst v63  }
0xa1: {  	s4 =	rddreg [dreg:$0x1c]  }
0xa2: {  	s5 =	rddreg [dreg:$0x1d]  }
0xa3: {  	[tilespmem:s1], [sflag:$0x1] =	stream.indirect.gather [hbm4b:s3+s7], $0x20, s0, s7, $0xb8;
	[tilespmem:$0x19E00] =	vst v63  }
0xa4: {  	s0 =	rddreg [dreg:$0x1e]  }
0xa5: {  	s1 =	rddreg [dreg:$0x1f]  }
0xa6: {  	[tilespmem:s5], [sflag:$0x1] =	stream.indirect.gather [hbm4b:s3+s7], $0x20, s4, s7, $0xb8;
	[tilespmem:$0x19E00] =	vst v63  }
0xa7: {  	s4 =	sld [smem:$0x7AB]  }
0xa8: {  	s5 =	sld [smem:$0x7AC]  }
0xa9: {  	[tilespmem:s1], [sflag:$0x1] =	stream.indirect.gather [hbm4b:s3+s7], $0x20, s0, s7, $0xb8;
	[tilespmem:$0x19E00] =	vst v63  }
0xaa: {  	s0 =	sld [smem:$0x7AD]  }
0xab: {  	s1 =	sld [smem:$0x7AE]  }
0xac: {  	[tilespmem:s5], [sflag:$0x1] =	stream.indirect.gather [hbm4b:s3+s7], $0x20, s4, s7, $0xb8;
	[tilespmem:$0x19E00] =	vst v63  }
0xad: {  	s4 =	sld [smem:$0x7AF]  }
0xae: {  	s5 =	sld [smem:$0x7B0]  }
0xaf: {  	[tilespmem:s1], [sflag:$0x1] =	stream.indirect.gather [hbm4b:s3+s7], $0x20, s0, s7, $0xb8;
	[tilespmem:$0x19E00] =	vst v63  }
0xb0: {  	s0 =	sld [smem:$0x7B1]  }
0xb1: {  	s1 =	sld [smem:$0x7B2]  }
0xb2: {  	[tilespmem:s5], [sflag:$0x1] =	stream.indirect.gather [hbm4b:s3+s7], $0x20, s4, s7, $0xb8;
	[tilespmem:$0x19E00] =	vst v63  }
0xb3: {  	s4 =	sld [smem:$0x7B3]  }
0xb4: {  	s5 =	sld [smem:$0x7B4]  }
0xb5: {  	[tilespmem:s1], [sflag:$0x1] =	stream.indirect.gather [hbm4b:s3+s7], $0x20, s0, s7, $0xb8;
	[tilespmem:$0x19E00] =	vst v63  }
0xb6: {  	s0 =	sld [smem:$0x7B5]  }
0xb7: {  	s1 =	sld [smem:$0x7B6]  }
0xb8: {  	[tilespmem:s5], [sflag:$0x1] =	stream.indirect.gather [hbm4b:s3+s7], $0x20, s4, s7, $0xb8;
	[tilespmem:$0x19E00] =	vst v63  }
0xb9: {  	s4 =	sld [smem:$0x7B7]  }
0xba: {  	s5 =	sld [smem:$0x7B8]  }
0xbb: {  	[tilespmem:s1], [sflag:$0x1] =	stream.indirect.gather [hbm4b:s3+s7], $0x20, s0, s7, $0xb8;
	[tilespmem:$0x19E00] =	vst v63  }
0xbc: {  	s0 =	sld [smem:$0x7B9]  }
0xbd: {  	s1 =	sld [smem:$0x7BA]  }
0xbe: {  	[tilespmem:s5], [sflag:$0x1] =	stream.indirect.gather [hbm4b:s3+s7], $0x20, s4, s7, $0xb8;
	[tilespmem:$0x19E00] =	vst v63  }
0xbf: {  	s4 =	sld [smem:$0x7BB]  }
0xc0: {  	s5 =	sld [smem:$0x7BC]  }
0xc1: {  	[tilespmem:s1], [sflag:$0x1] =	stream.indirect.gather [hbm4b:s3+s7], $0x20, s0, s7, $0xb8;
	[tilespmem:$0x19E00] =	vst v63  }
0xc2: {  	s0 =	sld [smem:$0x7BD]  }
0xc3: {  	s1 =	sld [smem:$0x7BE]  }
0xc4: {  	[tilespmem:s5], [sflag:$0x1] =	stream.indirect.gather [hbm4b:s3+s7], $0x20, s4, s7, $0xb8;
	[tilespmem:$0x19E00] =	vst v63  }
0xc5: {  	s4 =	sld [smem:$0x7BF]  }
0xc6: {  	s5 =	sld [smem:$0x7C0]  }
0xc7: {  	[tilespmem:s1], [sflag:$0x1] =	stream.indirect.gather [hbm4b:s3+s7], $0x20, s0, s7, $0xb8;
	[tilespmem:$0x19E00] =	vst v63  }
0xc8: {  	s0 =	sld [smem:$0x7C1]  }
0xc9: {  	s1 =	sld [smem:$0x7C2]  }
0xca: {  	[tilespmem:s5], [sflag:$0x1] =	stream.indirect.gather [hbm4b:s3+s7], $0x20, s4, s7, $0xb8;
	[tilespmem:$0x19E00] =	vst v63  }
0xcb: {  	s4 =	sld [smem:$0x7C3]  }
0xcc: {  	s5 =	sld [smem:$0x7C4]  }
0xcd: {  	[tilespmem:s1], [sflag:$0x1] =	stream.indirect.gather [hbm4b:s3+s7], $0x20, s0, s7, $0xb8;
	[tilespmem:$0x19E00] =	vst v63  }
0xce: {  	s0 =	sld [smem:$0x7C5]  }
0xcf: {  	s1 =	sld [smem:$0x7C6]  }
0xd0: {  	[tilespmem:s5], [sflag:$0x1] =	stream.indirect.gather [hbm4b:s3+s7], $0x20, s4, s7, $0xb8;
	[tilespmem:$0x19E00] =	vst v63  }
0xd1: {  	s4 =	sld [smem:$0x7C7]  }
0xd2: {  	s5 =	sld [smem:$0x7C8]  }
0xd3: {  	[tilespmem:s1], [sflag:$0x1] =	stream.indirect.gather [hbm4b:s3+s7], $0x20, s0, s7, $0xb8;
	[tilespmem:$0x19E00] =	vst v63  }
0xd4: {  	s0 =	sld [smem:$0x7C9]  }
0xd5: {  	s1 =	sld [smem:$0x7CA]  }
0xd6: {  	[tilespmem:s5], [sflag:$0x1] =	stream.indirect.gather [hbm4b:s3+s7], $0x20, s4, s7, $0xb8;
	[tilespmem:$0x19E00] =	vst v63  }
0xd7: {  	s4 =	sld [smem:$0x7CB]  }
0xd8: {  	s5 =	sld [smem:$0x7CC]  }
0xd9: {  	[tilespmem:s1], [sflag:$0x1] =	stream.indirect.gather [hbm4b:s3+s7], $0x20, s0, s7, $0xb8;
	[tilespmem:$0x19E00] =	vst v63  }
0xda: {  	_ = 	snop  }
0xdb: {  	[tilespmem:s5], [sflag:$0x1] =	stream.indirect.gather [hbm4b:s3+s7], $0x20, s4, s7, $0xb8;
	[tilespmem:$0x19E00] =	vst v63  }
0xdc: {  	_ = 	snop  }
0xdd: {  	[tilespmem:s9], [sflag:$0x3] =	stream.linear.gather [hbm4b:s30+s2], $0x700, $0x38;
	[tilespmem:$0x19E00] =	vst v63  }
0xde: {  	_ =	swait.ge [sflag:s6], $0x700  }
0xdf: {  	s4 =	sld [smem:$0x7CD]  }
0xe0: {  	[sflag:s6] =	ssyncset.done $0x0;
	s5 =	sld [smem:$0x7CE]  }
0xe1: {  	s0 =	sld [smem:$0x7CF];
	[sflag:s6] =	ssyncadd.s32 $0xFFFFF900  }
0xe2: {  	[tilespmem:s10], [sflag:$0x2] =	stream.indirect.gather [hbm4b:s3+s7], $0x20, s9, s7, $0xb8;
	[tilespmem:$0x19E00] =	vst v63  }
0xe3: {  	s1 =	sld [smem:$0x7D0]  }
0xe4: {  	[tilespmem:s5], [sflag:$0x2] =	stream.indirect.gather [hbm4b:s3+s7], $0x20, s4, s7, $0xb8;
	[tilespmem:$0x19E00] =	vst v63  }
0xe5: {  	s4 =	sld [smem:$0x7D1]  }
0xe6: {  	s5 =	sld [smem:$0x7D2]  }
0xe7: {  	[tilespmem:s1], [sflag:$0x2] =	stream.indirect.gather [hbm4b:s3+s7], $0x20, s0, s7, $0xb8;
	[tilespmem:$0x19E00] =	vst v63  }
0xe8: {  	s0 =	sld [smem:$0x7D3]  }
0xe9: {  	s1 =	sld [smem:$0x7D4]  }
0xea: {  	[tilespmem:s5], [sflag:$0x2] =	stream.indirect.gather [hbm4b:s3+s7], $0x20, s4, s7, $0xb8;
	[tilespmem:$0x19E00] =	vst v63  }
0xeb: {  	s4 =	sld [smem:$0x7D5]  }
0xec: {  	s5 =	sld [smem:$0x7D6]  }
0xed: {  	[tilespmem:s1], [sflag:$0x2] =	stream.indirect.gather [hbm4b:s3+s7], $0x20, s0, s7, $0xb8;
	[tilespmem:$0x19E00] =	vst v63  }
0xee: {  	s0 =	sld [smem:$0x7D7]  }
0xef: {  	s1 =	sld [smem:$0x7D8]  }
0xf0: {  	[tilespmem:s5], [sflag:$0x2] =	stream.indirect.gather [hbm4b:s3+s7], $0x20, s4, s7, $0xb8;
	[tilespmem:$0x19E00] =	vst v63  }
0xf1: {  	s4 =	sld [smem:$0x7D9]  }
0xf2: {  	s5 =	sld [smem:$0x7DA]  }
0xf3: {  	[tilespmem:s1], [sflag:$0x2] =	stream.indirect.gather [hbm4b:s3+s7], $0x20, s0, s7, $0xb8;
	[tilespmem:$0x19E00] =	vst v63  }
0xf4: {  	s0 =	sld [smem:$0x7DB]  }
0xf5: {  	s1 =	sld [smem:$0x7DC]  }
0xf6: {  	[tilespmem:s5], [sflag:$0x2] =	stream.indirect.gather [hbm4b:s3+s7], $0x20, s4, s7, $0xb8;
	[tilespmem:$0x19E00] =	vst v63  }
0xf7: {  	s4 =	sld [smem:$0x7DD]  }
0xf8: {  	s5 =	sld [smem:$0x7DE]  }
0xf9: {  	[tilespmem:s1], [sflag:$0x2] =	stream.indirect.gather [hbm4b:s3+s7], $0x20, s0, s7, $0xb8;
	[tilespmem:$0x19E00] =	vst v63  }
0xfa: {  	s0 =	sld [smem:$0x7DF]  }
0xfb: {  	s1 =	sld [smem:$0x7E0]  }
0xfc: {  	[tilespmem:s5], [sflag:$0x2] =	stream.indirect.gather [hbm4b:s3+s7], $0x20, s4, s7, $0xb8;
	[tilespmem:$0x19E00] =	vst v63  }
0xfd: {  	s4 =	sld [smem:$0x7E1]  }
0xfe: {  	s5 =	sld [smem:$0x7E2]  }
0xff: {  	[tilespmem:s1], [sflag:$0x2] =	stream.indirect.gather [hbm4b:s3+s7], $0x20, s0, s7, $0xb8;
	[tilespmem:$0x19E00] =	vst v63  }
0x100: {  	s0 =	sld [smem:$0x7E3]  }
0x101: {  	s1 =	sld [smem:$0x7E4]  }
0x102: {  	[tilespmem:s5], [sflag:$0x2] =	stream.indirect.gather [hbm4b:s3+s7], $0x20, s4, s7, $0xb8;
	[tilespmem:$0x19E00] =	vst v63  }
0x103: {  	s4 =	sld [smem:$0x7E5]  }
0x104: {  	s5 =	sld [smem:$0x7E6]  }
0x105: {  	[tilespmem:s1], [sflag:$0x2] =	stream.indirect.gather [hbm4b:s3+s7], $0x20, s0, s7, $0xb8;
	[tilespmem:$0x19E00] =	vst v63  }
0x106: {  	s0 =	sld [smem:$0x7E7]  }
0x107: {  	s1 =	sld [smem:$0x7E8]  }
0x108: {  	[tilespmem:s5], [sflag:$0x2] =	stream.indirect.gather [hbm4b:s3+s7], $0x20, s4, s7, $0xb8;
	[tilespmem:$0x19E00] =	vst v63  }
0x109: {  	s4 =	sld [smem:$0x7E9]  }
0x10a: {  	s5 =	sld [smem:$0x7EA]  }
0x10b: {  	[tilespmem:s1], [sflag:$0x2] =	stream.indirect.gather [hbm4b:s3+s7], $0x20, s0, s7, $0xb8;
	[tilespmem:$0x19E00] =	vst v63  }
0x10c: {  	s0 =	sld [smem:$0x7EB]  }
0x10d: {  	s1 =	sld [smem:$0x7EC]  }
0x10e: {  	[tilespmem:s5], [sflag:$0x2] =	stream.indirect.gather [hbm4b:s3+s7], $0x20, s4, s7, $0xb8;
	[tilespmem:$0x19E00] =	vst v63  }
0x10f: {  	s4 =	sld [smem:$0x7ED]  }
0x110: {  	s5 =	sld [smem:$0x7EE]  }
0x111: {  	[tilespmem:s1], [sflag:$0x2] =	stream.indirect.gather [hbm4b:s3+s7], $0x20, s0, s7, $0xb8;
	[tilespmem:$0x19E00] =	vst v63  }
0x112: {  	s0 =	sld [smem:$0x7EF]  }
0x113: {  	s1 =	sld [smem:$0x7F0]  }
0x114: {  	[tilespmem:s5], [sflag:$0x2] =	stream.indirect.gather [hbm4b:s3+s7], $0x20, s4, s7, $0xb8;
	[tilespmem:$0x19E00] =	vst v63  }
0x115: {  	s4 =	sld [smem:$0x7F1]  }
0x116: {  	s5 =	sld [smem:$0x7F2]  }
0x117: {  	[tilespmem:s1], [sflag:$0x2] =	stream.indirect.gather [hbm4b:s3+s7], $0x20, s0, s7, $0xb8;
	[tilespmem:$0x19E00] =	vst v63  }
0x118: {  	s0 =	sld [smem:$0x7F3]  }
0x119: {  	s1 =	sld [smem:$0x7F4]  }
0x11a: {  	[tilespmem:s5], [sflag:$0x2] =	stream.indirect.gather [hbm4b:s3+s7], $0x20, s4, s7, $0xb8;
	[tilespmem:$0x19E00] =	vst v63  }
0x11b: {  	s4 =	sld [smem:$0x7F6]  }
0x11c: {  	s5 =	sld [smem:$0x7F7]  }
0x11d: {  	[tilespmem:s1], [sflag:$0x2] =	stream.indirect.gather [hbm4b:s3+s7], $0x20, s0, s7, $0xb8;
	[tilespmem:$0x19E00] =	vst v63  }
0x11e: {  	s0 =	sld [smem:$0x7F9]  }
0x11f: {  	s1 =	sld [smem:$0x7FA]  }
0x120: {  	[tilespmem:s5], [sflag:$0x2] =	stream.indirect.gather [hbm4b:s3+s7], $0x20, s4, s7, $0xb8;
	[tilespmem:$0x19E00] =	vst v63  }
0x121: {  	s4 =	sld [smem:$0x7FB]  }
0x122: {  	s5 =	sld [smem:$0x7FC]  }
0x123: {  	[tilespmem:s1], [sflag:$0x2] =	stream.indirect.gather [hbm4b:s3+s7], $0x20, s0, s7, $0xb8;
	[tilespmem:$0x19E00] =	vst v63  }
0x124: {  	s1 =	sld [smem:$0x7FD]  }
0x125: {  	[tilespmem:s5], [sflag:$0x2] =	stream.indirect.gather [hbm4b:s3+s7], $0x20, s4, s7, $0xb8;
	[tilespmem:$0x19E00] =	vst v63  }
0x126: {  	_ = 	snop  }
0x127: {  	[tilespmem:s11], [sflag:$0x2] =	stream.indirect.gather [hbm4b:s3+s7], $0x20, s1, s7, $0xb8;
	[tilespmem:$0x19E00] =	vst v63  }
0x128: {  	_ = 	snop  }
0x129: {  	[tilespmem:s13], [sflag:$0x2] =	stream.indirect.gather [hbm4b:s3+s7], $0x20, s12, s7, $0xb8;
	[tilespmem:$0x19E00] =	vst v63  }
0x12a: {  	_ = 	snop  }
0x12b: {  	[tilespmem:s15], [sflag:$0x2] =	stream.indirect.gather [hbm4b:s3+s7], $0x20, s14, s7, $0xb8;
	[tilespmem:$0x19E00] =	vst v63  }
0x12c: {  	_ = 	snop  }
0x12d: {  	[tilespmem:s17], [sflag:$0x2] =	stream.indirect.gather [hbm4b:s3+s7], $0x20, s16, s7, $0xb8;
	[tilespmem:$0x19E00] =	vst v63  }
0x12e: {  	_ = 	snop  }
0x12f: {  	[tilespmem:s19], [sflag:$0x2] =	stream.indirect.gather [hbm4b:s3+s7], $0x20, s18, s7, $0xb8;
	[tilespmem:$0x19E00] =	vst v63  }
0x130: {  	_ = 	snop  }
0x131: {  	[tilespmem:s21], [sflag:$0x2] =	stream.indirect.gather [hbm4b:s3+s7], $0x20, s20, s7, $0xb8;
	[tilespmem:$0x19E00] =	vst v63  }
0x132: {  	_ = 	snop  }
0x133: {  	[tilespmem:s23], [sflag:$0x2] =	stream.indirect.gather [hbm4b:s3+s7], $0x20, s22, s7, $0xb8;
	[tilespmem:$0x19E00] =	vst v63  }
0x134: {  	_ = 	snop  }
0x135: {  	[tilespmem:s25], [sflag:$0x2] =	stream.indirect.gather [hbm4b:s3+s7], $0x20, s24, s7, $0xb8;
	[tilespmem:$0x19E00] =	vst v63  }
0x136: {  	_ =	swait.ge [sflag:s26], $0x640  }
0x137: {  	[sflag:s26] =	ssyncset.done $0x0  }
0x138: {  	[sflag:s26] =	ssyncadd.s32 $0xFFFFF9C0  }
0x139: {  	_ =	swait.ge [sflag:s26], $0x640  }
0x13a: {  	[sflag:s26] =	ssyncset.done $0x0  }
0x13b: {  	[sflag:s26] =	ssyncadd.s32 $0xFFFFF9C0  }
0x13c: {  	_ =	swait.ge [sflag:s26], $0x640  }
0x13d: {  	[sflag:s26] =	ssyncset.done $0x0  }
0x13e: {  	[sflag:s26] =	ssyncadd.s32 $0xFFFFF9C0  }
0x13f: {  	_ =	swait.ge [sflag:s26], $0x640  }
0x140: {  	[sflag:s26] =	ssyncset.done $0x0  }
0x141: {  	[sflag:s26] =	ssyncadd.s32 $0xFFFFF9C0  }
0x142: {  	_ =	swait.ge [sflag:s26], $0x640  }
0x143: {  	[sflag:s26] =	ssyncset.done $0x0  }
0x144: {  	[sflag:s26] =	ssyncadd.s32 $0xFFFFF9C0  }
0x145: {  	_ =	swait.ge [sflag:s26], $0x640  }
0x146: {  	[sflag:s26] =	ssyncset.done $0x0  }
0x147: {  	[sflag:s26] =	ssyncadd.s32 $0xFFFFF9C0  }
0x148: {  	_ =	swait.ge [sflag:s26], $0x640  }
0x149: {  	[sflag:s26] =	ssyncset.done $0x0  }
0x14a: {  	[sflag:s26] =	ssyncadd.s32 $0xFFFFF9C0  }
0x14b: {  	_ =	swait.ge [sflag:s26], $0x640  }
0x14c: {  	[sflag:s26] =	ssyncset.done $0x0  }
0x14d: {  	[sflag:s26] =	ssyncadd.s32 $0xFFFFF9C0  }
0x14e: {  	_ =	swait.ge [sflag:s26], $0x640  }
0x14f: {  	[sflag:s26] =	ssyncset.done $0x0  }
0x150: {  	[sflag:s26] =	ssyncadd.s32 $0xFFFFF9C0  }
0x151: {  	_ =	swait.ge [sflag:s26], $0x640  }
0x152: {  	[sflag:s26] =	ssyncset.done $0x0  }
0x153: {  	[sflag:s26] =	ssyncadd.s32 $0xFFFFF9C0  }
0x154: {  	_ =	swait.ge [sflag:s26], $0x640  }
0x155: {  	[sflag:s26] =	ssyncset.done $0x0  }
0x156: {  	[sflag:s26] =	ssyncadd.s32 $0xFFFFF9C0  }
0x157: {  	_ =	swait.ge [sflag:s26], $0x640  }
0x158: {  	[sflag:s26] =	ssyncset.done $0x0  }
0x159: {  	[sflag:s26] =	ssyncadd.s32 $0xFFFFF9C0  }
0x15a: {  	_ =	swait.ge [sflag:s26], $0x640  }
0x15b: {  	[sflag:s26] =	ssyncset.done $0x0  }
0x15c: {  	[sflag:s26] =	ssyncadd.s32 $0xFFFFF9C0  }
0x15d: {  	_ =	swait.ge [sflag:s26], $0x640  }
0x15e: {  	[sflag:s26] =	ssyncset.done $0x0  }
0x15f: {  	[sflag:s26] =	ssyncadd.s32 $0xFFFFF9C0  }
0x160: {  	_ =	swait.ge [sflag:s26], $0x640  }
0x161: {  	[sflag:s26] =	ssyncset.done $0x0  }
0x162: {  	[sflag:s26] =	ssyncadd.s32 $0xFFFFF9C0  }
0x163: {  	_ =	swait.ge [sflag:s26], $0x640  }
0x164: {  	[sflag:s26] =	ssyncset.done $0x0  }
0x165: {  	[sflag:s26] =	ssyncadd.s32 $0xFFFFF9C0  }
0x166: {  	_ =	swait.ge [sflag:s26], $0x640  }
0x167: {  	[sflag:s26] =	ssyncset.done $0x0  }
0x168: {  	[sflag:s26] =	ssyncadd.s32 $0xFFFFF9C0  }
0x169: {  	_ =	swait.ge [sflag:s26], $0x640  }
0x16a: {  	[sflag:s26] =	ssyncset.done $0x0  }
0x16b: {  	[sflag:s26] =	ssyncadd.s32 $0xFFFFF9C0  }
0x16c: {  	_ =	swait.ge [sflag:s26], $0x640  }
0x16d: {  	[sflag:s26] =	ssyncset.done $0x0  }
0x16e: {  	[sflag:s26] =	ssyncadd.s32 $0xFFFFF9C0  }
0x16f: {  	_ =	swait.ge [sflag:s26], $0x640  }
0x170: {  	[sflag:s26] =	ssyncset.done $0x0  }
0x171: {  	[sflag:s26] =	ssyncadd.s32 $0xFFFFF9C0  }
0x172: {  	_ =	swait.ge [sflag:s26], $0x640  }
0x173: {  	[sflag:s26] =	ssyncset.done $0x0  }
0x174: {  	[sflag:s26] =	ssyncadd.s32 $0xFFFFF9C0  }
0x175: {  	_ =	swait.ge [sflag:s26], $0x640  }
0x176: {  	[sflag:s26] =	ssyncset.done $0x0  }
0x177: {  	[sflag:s26] =	ssyncadd.s32 $0xFFFFF9C0  }
0x178: {  	_ =	swait.ge [sflag:s26], $0x640  }
0x179: {  	[sflag:s26] =	ssyncset.done $0x0  }
0x17a: {  	[sflag:s26] =	ssyncadd.s32 $0xFFFFF9C0  }
0x17b: {  	_ =	swait.ge [sflag:s26], $0x640  }
0x17c: {  	[sflag:s26] =	ssyncset.done $0x0  }
0x17d: {  	[sflag:s26] =	ssyncadd.s32 $0xFFFFF9C0  }
0x17e: {  	_ =	swait.ge [sflag:s26], $0x640  }
0x17f: {  	[sflag:s26] =	ssyncset.done $0x0  }
0x180: {  	[sflag:s26] =	ssyncadd.s32 $0xFFFFF9C0  }
0x181: {  	_ =	swait.ge [sflag:s26], $0x640  }
0x182: {  	[sflag:s26] =	ssyncset.done $0x0  }
0x183: {  	[sflag:s26] =	ssyncadd.s32 $0xFFFFF9C0  }
0x184: {  	_ =	swait.ge [sflag:s26], $0x640  }
0x185: {  	[sflag:s26] =	ssyncset.done $0x0  }
0x186: {  	[sflag:s26] =	ssyncadd.s32 $0xFFFFF9C0  }
0x187: {  	_ =	swait.ge [sflag:s26], $0x640  }
0x188: {  	[sflag:s26] =	ssyncset.done $0x0  }
0x189: {  	[sflag:s26] =	ssyncadd.s32 $0xFFFFF9C0  }
0x18a: {  	_ =	swait.ge [sflag:s26], $0x640  }
0x18b: {  	[sflag:s26] =	ssyncset.done $0x0  }
0x18c: {  	[sflag:s26] =	ssyncadd.s32 $0xFFFFF9C0  }
0x18d: {  	_ =	swait.ge [sflag:s26], $0x640  }
0x18e: {  	[sflag:s26] =	ssyncset.done $0x0  }
0x18f: {  	[sflag:s26] =	ssyncadd.s32 $0xFFFFF9C0  }
0x190: {  	_ =	swait.ge [sflag:s26], $0x640  }
0x191: {  	[sflag:s26] =	ssyncset.done $0x0  }
0x192: {  	[sflag:s26] =	ssyncadd.s32 $0xFFFFF9C0  }
0x193: {  	_ =	swait.ge [sflag:s26], $0x640  }
0x194: {  	s4 =	rddreg [dreg:$0x3];
	[sflag:s26] =	ssyncset.done $0x0  }
0x195: {  	[sflag:s26] =	ssyncadd.s32 $0xFFFFF9C0;
	s5 =	sadd.s32 s31, s4  }
0x196: {  	[hbm4b:s5+s2] =	stream.linear.scatter [tilespmem:s8], [sflag:$0x3], $0xC800, $0x38;
	[tilespmem:$0x19E00] =	vst v63  }
0x197: {  	_ =	swait.ge [sflag:s6], $0xC800  }
0x198: {  	[sflag:s6] =	ssyncset.done $0x0  }
0x199: {  	[sflag:s6] =	ssyncadd.s32 $0xFFFF3800  }
0x19a: {  	_ =	swait.ge [sflag:s28], $0x640  }
0x19b: {  	[sflag:s28] =	ssyncset.done $0x0  }
0x19c: {  	[sflag:s28] =	ssyncadd.s32 $0xFFFFF9C0  }
0x19d: {  	_ =	swait.ge [sflag:s28], $0x640  }
0x19e: {  	[sflag:s28] =	ssyncset.done $0x0  }
0x19f: {  	[sflag:s28] =	ssyncadd.s32 $0xFFFFF9C0  }
0x1a0: {  	_ =	swait.ge [sflag:s28], $0x640  }
0x1a1: {  	[sflag:s28] =	ssyncset.done $0x0  }
0x1a2: {  	[sflag:s28] =	ssyncadd.s32 $0xFFFFF9C0  }
0x1a3: {  	_ =	swait.ge [sflag:s28], $0x640  }
0x1a4: {  	[sflag:s28] =	ssyncset.done $0x0  }
0x1a5: {  	[sflag:s28] =	ssyncadd.s32 $0xFFFFF9C0  }
0x1a6: {  	_ =	swait.ge [sflag:s28], $0x640  }
0x1a7: {  	[sflag:s28] =	ssyncset.done $0x0  }
0x1a8: {  	[sflag:s28] =	ssyncadd.s32 $0xFFFFF9C0  }
0x1a9: {  	_ =	swait.ge [sflag:s28], $0x640  }
0x1aa: {  	[sflag:s28] =	ssyncset.done $0x0  }
0x1ab: {  	[sflag:s28] =	ssyncadd.s32 $0xFFFFF9C0  }
0x1ac: {  	_ =	swait.ge [sflag:s28], $0x640  }
0x1ad: {  	[sflag:s28] =	ssyncset.done $0x0  }
0x1ae: {  	[sflag:s28] =	ssyncadd.s32 $0xFFFFF9C0  }
0x1af: {  	_ =	swait.ge [sflag:s28], $0x640  }
0x1b0: {  	[sflag:s28] =	ssyncset.done $0x0  }
0x1b1: {  	[sflag:s28] =	ssyncadd.s32 $0xFFFFF9C0  }
0x1b2: {  	_ =	swait.ge [sflag:s28], $0x640  }
0x1b3: {  	[sflag:s28] =	ssyncset.done $0x0  }
0x1b4: {  	[sflag:s28] =	ssyncadd.s32 $0xFFFFF9C0  }
0x1b5: {  	_ =	swait.ge [sflag:s28], $0x640  }
0x1b6: {  	[sflag:s28] =	ssyncset.done $0x0  }
0x1b7: {  	[sflag:s28] =	ssyncadd.s32 $0xFFFFF9C0  }
0x1b8: {  	_ =	swait.ge [sflag:s28], $0x640  }
0x1b9: {  	[sflag:s28] =	ssyncset.done $0x0  }
0x1ba: {  	[sflag:s28] =	ssyncadd.s32 $0xFFFFF9C0  }
0x1bb: {  	_ =	swait.ge [sflag:s28], $0x640  }
0x1bc: {  	[sflag:s28] =	ssyncset.done $0x0  }
0x1bd: {  	[sflag:s28] =	ssyncadd.s32 $0xFFFFF9C0  }
0x1be: {  	_ =	swait.ge [sflag:s28], $0x640  }
0x1bf: {  	[sflag:s28] =	ssyncset.done $0x0  }
0x1c0: {  	[sflag:s28] =	ssyncadd.s32 $0xFFFFF9C0  }
0x1c1: {  	_ =	swait.ge [sflag:s28], $0x640  }
0x1c2: {  	[sflag:s28] =	ssyncset.done $0x0  }
0x1c3: {  	[sflag:s28] =	ssyncadd.s32 $0xFFFFF9C0  }
0x1c4: {  	_ =	swait.ge [sflag:s28], $0x640  }
0x1c5: {  	[sflag:s28] =	ssyncset.done $0x0  }
0x1c6: {  	[sflag:s28] =	ssyncadd.s32 $0xFFFFF9C0  }
0x1c7: {  	_ =	swait.ge [sflag:s28], $0x640  }
0x1c8: {  	[sflag:s28] =	ssyncset.done $0x0  }
0x1c9: {  	[sflag:s28] =	ssyncadd.s32 $0xFFFFF9C0  }
0x1ca: {  	_ =	swait.ge [sflag:s28], $0x640  }
0x1cb: {  	[sflag:s28] =	ssyncset.done $0x0  }
0x1cc: {  	[sflag:s28] =	ssyncadd.s32 $0xFFFFF9C0  }
0x1cd: {  	_ =	swait.ge [sflag:s28], $0x640  }
0x1ce: {  	[sflag:s28] =	ssyncset.done $0x0  }
0x1cf: {  	[sflag:s28] =	ssyncadd.s32 $0xFFFFF9C0  }
0x1d0: {  	_ =	swait.ge [sflag:s28], $0x640  }
0x1d1: {  	[sflag:s28] =	ssyncset.done $0x0  }
0x1d2: {  	[sflag:s28] =	ssyncadd.s32 $0xFFFFF9C0  }
0x1d3: {  	_ =	swait.ge [sflag:s28], $0x640  }
0x1d4: {  	[sflag:s28] =	ssyncset.done $0x0  }
0x1d5: {  	[sflag:s28] =	ssyncadd.s32 $0xFFFFF9C0  }
0x1d6: {  	_ =	swait.ge [sflag:s28], $0x640  }
0x1d7: {  	[sflag:s28] =	ssyncset.done $0x0  }
0x1d8: {  	[sflag:s28] =	ssyncadd.s32 $0xFFFFF9C0  }
0x1d9: {  	_ =	swait.ge [sflag:s28], $0x640  }
0x1da: {  	[sflag:s28] =	ssyncset.done $0x0  }
0x1db: {  	[sflag:s28] =	ssyncadd.s32 $0xFFFFF9C0  }
0x1dc: {  	_ =	swait.ge [sflag:s28], $0x640  }
0x1dd: {  	[sflag:s28] =	ssyncset.done $0x0  }
0x1de: {  	[sflag:s28] =	ssyncadd.s32 $0xFFFFF9C0  }
0x1df: {  	_ =	swait.ge [sflag:s28], $0x640  }
0x1e0: {  	[sflag:s28] =	ssyncset.done $0x0  }
0x1e1: {  	[sflag:s28] =	ssyncadd.s32 $0xFFFFF9C0  }
0x1e2: {  	_ =	swait.ge [sflag:s28], $0x640  }
0x1e3: {  	[sflag:s28] =	ssyncset.done $0x0  }
0x1e4: {  	[sflag:s28] =	ssyncadd.s32 $0xFFFFF9C0  }
0x1e5: {  	_ =	swait.ge [sflag:s28], $0x640  }
0x1e6: {  	[sflag:s28] =	ssyncset.done $0x0  }
0x1e7: {  	[sflag:s28] =	ssyncadd.s32 $0xFFFFF9C0  }
0x1e8: {  	_ =	swait.ge [sflag:s28], $0x640  }
0x1e9: {  	[sflag:s28] =	ssyncset.done $0x0  }
0x1ea: {  	[sflag:s28] =	ssyncadd.s32 $0xFFFFF9C0  }
0x1eb: {  	_ =	swait.ge [sflag:s28], $0x640  }
0x1ec: {  	[sflag:s28] =	ssyncset.done $0x0  }
0x1ed: {  	[sflag:s28] =	ssyncadd.s32 $0xFFFFF9C0  }
0x1ee: {  	_ =	swait.ge [sflag:s28], $0x640  }
0x1ef: {  	[sflag:s28] =	ssyncset.done $0x0  }
0x1f0: {  	[sflag:s28] =	ssyncadd.s32 $0xFFFFF9C0  }
0x1f1: {  	_ =	swait.ge [sflag:s28], $0x640  }
0x1f2: {  	[sflag:s28] =	ssyncset.done $0x0  }
0x1f3: {  	[sflag:s28] =	ssyncadd.s32 $0xFFFFF9C0  }
0x1f4: {  	_ =	swait.ge [sflag:s28], $0x640  }
0x1f5: {  	[sflag:s28] =	ssyncset.done $0x0  }
0x1f6: {  	[sflag:s28] =	ssyncadd.s32 $0xFFFFF9C0  }
0x1f7: {  	_ =	swait.ge [sflag:s28], $0x640  }
0x1f8: {  	p0 =	sne.s32 s31, $0x15E00;
	[sflag:s28] =	ssyncset.done $0x0  }
.Ltmp0:
0x1f9: {  	s0 =	sadd.s32 $0x1900, s5;
	[sflag:s28] =	ssyncadd.s32 $0xFFFFF9C0;
	(pc) =	sbr.rel @p0 .LBB2_2-.Ltmp0, $4  }
0x1fa: {  	[hbm4b:s0+s2] =	stream.linear.scatter [tilespmem:s10], [sflag:$0x3], $0xC800, $0x38;
	[tilespmem:$0x19E00] =	vst v63  }
0x1fb: {  	_ =	swait.ge [sflag:s6], $0xC800  }
0x1fc: {  	[sflag:s6] =	ssyncset.done $0x0  }
0x1fd: {  	s30 =	sadd.s32 $0x1C0, s30;
	s31 =	sadd.s32 $0x3200, s31;
	[sflag:s6] =	ssyncadd.s32 $0xFFFF3800  }
0x1fe: {  	s0 =	sld [smem:$0x7F5];
	_ =	sdelay $0x1  }
0x1ff: {  	s29 =	sadd.s32 $0x1, s29  }
0x200: {  	p0 =	sne.s32 s29, s0  }
.Ltmp1:
0x201: {  	_ = 	snop;
	(pc) =	sbr.rel @p0 .LBB2_1-.Ltmp1, $1  }
0x202: {  	_ =	sdelay $0x3  }
0x203: {  	_ =	sfence.sel $0x180000  }
0x204: {  	[bflag:$0x0] =	sbarrier.arrive $0xFFFF  }
0x205: {  	_ =	strace $0x90000047  }
0x206: {  	s0 =	stileid.u32;
	[bflag:$0x2] =	sbarrier.arrive $0xFFFF  }
0x207: {  	p0 =	sne.s32 s0, $0x0;
	s0 =	rddreg [dreg:$0x2]  }
0x208: {  	s0 =	sadd.s32 @!p0 $0x100000, s0  }
0x209: {  	[sflag:s0] =	ssyncadd.tile.s32 @!p0 $0x1;
	_ =	shalt  }
.Lfunc_end2:
_tile_overlayer_lowered:
.L_overlay_start_2:
0x20a: {  	(tag) =	ssettag $0x2  }
0x20b: {  	s0 =	rddreg [dreg:$0x0];
	s2 =	stileid.u32  }
0x20c: {  	s1 =	rddreg [dreg:$0x1];
	p0 =	sne.s32 s2, $0x0  }
0x20d: {  	s3 =	rddreg [dreg:$0x2];
	[bflag:$0x3] =	sbarrier.arrive $0xFFFF;
	s2 =	simm.s32 @!p0 $0x1C03  }
0x20e: {  	[timem:s3], [sflag:s2] =	dma.local @!p0 [hbm:s0], s1  }
0x20f: {  	s0 =	simm.s32 @!p0 $0x3  }
0x210: {  	_ =	swait.ge @!p0 [sflag:s0], s1  }
0x211: {  	s1 =	ssub.s32 @!p0 $0x0, s1;
	[sflag:s0] =	ssyncset.done @!p0 $0x0  }
0x212: {  	[sflag:s0] =	ssyncadd.s32 @!p0 s1  }
0x213: {  	[bflag:$0x3] =	sbarrier.arrive $0xFFFF  }
0x214: {  	_ =	shalt  }

// kernel: sparse-core-data-format-call.cloned.1.call-start
scs
called_computation_lowered:
.L_overlay_start_0:
0x0: {  	s2 =	sld [smem:$0x3FD9]  }
0x1: {  	s3 =	sld [smem:$0x3FFE];
	_ =	sdelay $0x1  }
0x2: {  	s1 =	srdreg.scid  }
0x3: {  	s0 =	sand.u32 $0x1, s1  }
0x4: {  	s18 =	sshll.u32 s0, $0xA;
	s2 =	sadd.s32 s3, s2  }
0x5: {  	s2 =	sadd.s32 s2, s18  }
0x6: {  	[smem:$0x3FC6] =	sst s2  }
0x7: {  	_ = 	snop  }
0x8: {  	s2 =	sld [smem:$0x3FD0];
	(tm) =	ssettm $0x1  }
0x9: {  	s19 =	sld [smem:$0x3FFB];
	_ =	sdelay $0x3  }
0xa: {  	_ =	strace s19  }
0xb: {  	s3 =	sld [smem:$0x3FFC];
	_ =	sdelay $0x3  }
0xc: {  	_ =	strace s3  }
0xd: {  	s3 =	sld [smem:$0x3FFD];
	_ =	sdelay $0x3  }
0xe: {  	_ =	strace s3  }
0xf: {  	_ =	strace $0x8FFFFFFF  }
0x10: {  	s20 =	sld [smem:$0x3FDB];
	_ =	sdelay $0x1  }
0x11: {  	s4 =	simm.s32 $_scs_section_size  }
0x12: {  	s5 =	simm.s32 $_size__tile_overlayer_lowered;
	s6 =	simm.s32 $_tile_overlayer_lowered  }
0x13: {  	s23 =	simm.s32 $0x1BFF;
	s22 =	sshll.u32 s6, $0x1;
	s3 =	sadd.s32 s4, s20  }
0x14: {  	s7 =	simm.s32 $0x0;
	s21 =	sshll.u32 s5, $0x1;
	s5 =	sadd.s32 s22, s3  }
0x15: {  	[timem:s7], [sflag:s23] =	dma.local [hbm:s5], s21  }
0x16: {  	_ =	swait.ge [sflag:s23], s21  }
0x17: {  	s4 =	ssub.s32 $0x0, s21;
	[sflag:s23] =	ssyncset.done $0x0  }
0x18: {  	[sflag:s23] =	ssyncadd.s32 s4;
	_ =	sdelay $0x1  }
0x19: {  	s24 =	simm.s32 $0x1B8B  }
0x1a: {  	_ =	swait.ge [sflag:s24], $0x1  }
0x1b: {  	[sflag:s24] =	ssyncset.done $0x0  }
0x1c: {  	s26 =	simm.s32 $0x1B8E;
	s25 =	sld [smem:$0x3FFE];
	[sflag:s24] =	ssyncadd.s32 $0xFFFFFFFF  }
0x1d: {  	s27 =	simm.s32 $execute0_lowered;
	[smem:$0x3FD2] =	sst s26  }
0x1e: {  	s5 =	sshll.u32 s27, $0x1;
	_ =	strace $0x80000049;
	[dreg:$0x1] =	wrdreg $0xFFFFFFFF  }
0x1f: {  	s28 =	simm.s32 $_size_execute0_lowered;
	s3 =	sadd.s32 s3, s5;
	[dreg:$0x0] =	wrdreg $0x0  }
0x20: {  	s5 =	sshll.u32 s28, $0x1;
	[dreg:$0x2] =	wrdreg s3  }
0x21: {  	[dreg:$0x3] =	wrdreg s5  }
0x22: {  	[dreg:$0x4] =	wrdreg $0xC0  }
0x23: {  	_ =	task [dreg:s7], $0x5FFFF  }
0x24: {  	[dreg:$0x1] =	wrdreg $0xFFFFFFFF  }
0x25: {  	[dreg:$0x0] =	wrdreg $0x60  }
0x26: {  	[dreg:$0x2] =	wrdreg s25  }
0x27: {  	[dreg:$0x3] =	wrdreg s2  }
0x28: {  	[dreg:$0x4] =	wrdreg $0x9  }
0x29: {  	_ =	task.clear_ibuf [dreg:s7], $0x5FFFF;
	_ =	strace $0x90000049  }
0x2a: {  	s29 =	simm.s32 $0x9;
	_ =	strace $0x8000004B  }
0x2b: {  	_ =	swait.ge [sflag:s29], $0x1  }
0x2c: {  	[sflag:s29] =	ssyncadd.s32 $0xFFFFFFFF  }
0x2d: {  	_ =	strace $0x9000004B  }
0x2e: {  	_ =	sfence  }
0x2f: {  	s30 =	sld [smem:$0x0];
	_ =	sdelay $0x2  }
0x30: {  	s31 =	sshll.u32 s1, $0xD;
	s1 =	sshrl.u32 s1, $0x2  }
0x31: {  	s3 =	sand.u32 $0x4000, s31;
	s1 =	sadd.s32 s1, s30  }
0x32: {  	s0 =	sor.u32 s3, s0;
	s1 =	sshll.u32 s1, $0x11  }
0x33: {  	s0 =	sor.u32 s1, s0  }
0x34: {  	s0 =	sadd.s32 $0x8F2B, s0  }
0x35: {  	[sflag:s0] =	ssyncadd.remote.s32 $0x1  }
0x36: {  	_ =	sfence.sel $0xFFFF  }
0x37: {  	[dreg:$0x0] =	wrdreg $0xFFFFFFFF;
	(pc) =	sbr.abs _section_cstart, $3  }
0x38: {  	[dreg:$0x1] =	wrdreg $0xFFFFFFFF  }
0x39: {  	_ =	task.clear_ibuf [dreg:s7], $0x2FFFF;
	_ =	strace $0x9FFFFFFF  }
0x3a: {  	(tm) =	ssettm $0x7FFFFFFF  }
0x3b: {  	_ =	shalt  }
tec
execute0_lowered:
.L_overlay_start_1:
0x0: {  	(tag) =	ssettag $0x1  }
0x1: {  	s0 =	srdreg.scid  }
0x2: {  	s1 =	sshll.u32 s0, $0x4  }
0x3: {  	s0 =	stileid.u32;
	s1 =	sand.u32 $0x10, s1  }
0x4: {  	s1 =	sor.u32 s0, s1  }
0x5: {  	s6 =	rddreg [dreg:$0x0];
	s4 =	simm.s32 $0x1;
	s2 =	sshll.u32 s1, $0x7  }
0x6: {  	s7 =	simm.s32 $0x2;
	s12 =	simm.s32 $0x0;
	s1 =	ssub.s32 $0x4000, s2  }
0x7: {  	s8 =	simm.s32 $0x20000;
	s13 =	simm.s32 $0x0;
	s3 =	sand.u32 $0xF80, s1  }
0x8: {  	s9 =	simm.s32 $0x0;
	s5 =	sshrl.u32 s1, $0xC;
	p0 =	sne.s32 s3, $0x0  }
.Ltmp0:
0x9: {  	s1 =	rddreg [dreg:$0x2];
	s4 =	simm.s32 @!p0 $0x0;
	(pc) =	sbr.rel .LBB1_1-.Ltmp0, $4  }
0xa: {  	s11 =	simm.s32 $0x0;
	s3 =	rddreg [dreg:$0x1];
	s5 =	sadd.s32 s4, s5  }
0xb: {  	_ =	strace $0x8000004A;
	s4 =	simm.s32 $0x1;
	s5 =	smul.u32 $0x32, s5  }
0xc: {  	s6 =	sadd.s32 $0xA00, s6;
	s10 =	smov.u32 s2;
	[sflag:s4] =	ssyncpa.u1 $0x0  }
0xd: {  	p0 =	por $0x0, $0x0;
	[sflag:s7] =	ssyncpa.u1 $0x0;
	s7 =	sor.u32 $0x1, s5  }
.LBB1_4:
0xe: {  	s16 =	sshll.u32 s13, $0x3;
	s17 =	sand.u32 $0x78, s13  }
0xf: {  	s30 =	sand.u32 $0xF800, s13;
	s12 =	sshll.u32 s12, $0x10;
	s16 =	sand.u32 $0x3C00, s16  }
0x10: {  	s31 =	sand.u32 $0x7, s13;
	s16 =	sor.u32 s17, s16;
	s17 =	sadd.s32 s3, s30  }
0x11: {  	s13 =	sshll.u32 s31, $0x12;
	s16 =	sshrl.u32 s16, $0x3;
	s12 =	sadd.s32 s12, s17  }
0x12: {  	[tilespmem:s15+$0x0 ss:$0x81] =	vst.msk $0xffff, v0;
	s13 =	sor.u32 $0x400, s13;
	s12 =	sadd.s32 s16, s12  }
0x13: {  	[hbm4b:s12+s13] =	stream.strided.scatter [tilespmem:s14], [sflag:$0x2], $0x1000, s8, s13, $0x20;
	[tilespmem:$0x4040] =	vst v63  }
.LBB1_5:
0x14: {  	s14 =	sadd.s32 $0x1, s9  }
0x15: {  	s12 =	sadd.s32 $0x1000, s10;
	s16 =	smov.u32 s10;
	p2 =	sgt.s32 s14, $0x31  }
0x16: {  	s16 =	smov.u32 @p2 s12  }
0x17: {  	s14 =	simm.s32 @p2 $0x0;
	p2 =	sgt.s32 s16, $0x3FFF  }
0x18: {  	s16 =	smov.u32 @p2 s2;
	p2 =	sne.s32 s11, s7  }
.Ltmp1:
0x19: {  	p1 =	slt.u32 s11, $0x2;
	(pc) =	sbr.rel @!p2 .LBB1_6-.Ltmp1, $4  }
0x1a: {  	s15 =	simm.s32 @!p1 $0x2  }
0x1b: {  	s13 =	smov.u32 s10;
	p0 =	por !p0, !p0;
	_ =	swait.ge @!p1 [sflag:s15], $0x1000  }
0x1c: {  	s12 =	smov.u32 s9;
	[sflag:s15] =	ssyncset.done @!p1 $0x0;
	s9 =	smov.u32 s14  }
0x1d: {  	s11 =	sadd.s32 $0x1, s11;
	[sflag:s15] =	ssyncadd.s32 @!p1 $0xFFFFF000;
	s10 =	smov.u32 s16  }
.LBB1_1:
0x1e: {  	p1 =	sge.u32 s11, s5  }
0x1f: {  	s14 =	sand.u32 @!p1 $0x1FFFFFF, s9  }
0x20: {  	s15 =	smulhi.u32 @!p1 $0x4924925, s14;
	_ =	sdelay $0x1  }
0x21: {  	s15 =	smul.u32 @!p1 $0x38, s15  }
0x22: {  	s16 =	sxor.u32 @!p1 $0xFFFFFFFF, s11;
	s17 =	smul.u32 @!p1 $0x380, s10  }
0x23: {  	s31 =	sadd.s32 $0xFFFFFFFF, s11;
	s16 =	sshll.u32 @!p1 s16, $0xC;
	s14 =	ssub.s32 @!p1 s14, s15  }
0x24: {  	s15 =	sand.u32 @!p1 $0x1000, s16;
	s16 =	sadd.s32 @!p1 s6, s17;
	s14 =	sshll.u32 @!p1 s14, $0x4  }
0x25: {  	s17 =	simm.s32 @!p1 $0x1C00;
	s14 =	sadd.s32 @!p1 s14, s16;
	s16 =	simm.s32 @!p1 $0x20  }
0x26: {  	[tilespmem:s15], [sflag:$0x1] =	stream.strided.gather @!p1 [hbm4b:s14+s16], $0x1000, s17, s16, $0x38;
	[tilespmem:$0x4040] =	vst v63  }
0x27: {  	p1 =	sge.u32 s31, s5  }
.Ltmp2:
0x28: {  	_ = 	snop;
	(pc) =	sbr.rel @p1 .LBB1_5-.Ltmp2, $1  }
0x29: {  	_ =	sdelay $0x3  }
0x2a: {  	s14 =	simm.s32 $0x1  }
0x2b: {  	_ =	swait.ge [sflag:s4], $0x1000;
	s14 =	simm.s32 @!p0 $0x0  }
0x2c: {  	[sflag:s4] =	ssyncset.done $0x0;
	s15 =	sshll.u32 s14, $0xC  }
0x2d: {  	[sflag:s4] =	ssyncadd.s32 $0xFFFFF000;
	s18 =	sor.u32 $0x10, s15  }
0x2e: {  	s14 =	smul.u32 $0x4080, s14;
	v1 =	vld [tilespmem:s18+$0x0]  }
0x2f: {  	s30 =	sand.u32 $0x1, s11;
	v0 =	vld [tilespmem:s18+$0xFFFFFFF0]  }
0x30: {  	s15 =	smul.u32 $0x4080, s30;
	s14 =	sshrl.u32 s14, $0x2  }
0x31: {  	s16 =	sor.u32 $0x2000, s14  }
0x32: {  	s31 =	sshrl.u32 s15, $0x2;
	s15 =	sadd.s32 $0x0, s16  }
0x33: {  	s17 =	simm.s32 $0x4;
	s18 =	sadd.s32 $0x20, s18;
	s14 =	sor.u32 $0x2000, s31;
	[tilespmem:s15+$0x810 ss:$0x81] =	vst.msk $0xffff, v1  }
.LBB1_3:
0x34: {  	v1 =	vld [tilespmem:s18+$0x0];
	p1 =	sne.s32 s17, $0x1FC;
	[tilespmem:s15+$0x0 ss:$0x81] =	vst.msk $0xffff, v0;
	s15 =	smov.u32 s17;
	s17 =	sadd.s32 $0x4, s17  }
.Ltmp3:
0x35: {  	v0 =	vld [tilespmem:s18+$0xFFFFFFF0];
	(pc) =	sbr.rel @p1 .LBB1_3-.Ltmp3, $4  }
0x36: {  	_ = 	snop  }
0x37: {  	s15 =	sshra.s32 s15, $0x2  }
0x38: {  	s15 =	sadd.s32 s15, s16  }
0x39: {  	s18 =	sadd.s32 $0x20, s18;
	[tilespmem:s15+$0x810 ss:$0x81] =	vst.msk $0xffff, v1  }
.Ltmp4:
0x3a: {  	_ = 	snop;
	(pc) =	sbr.rel .LBB1_4-.Ltmp4, $1  }
0x3b: {  	_ =	sdelay $0x3  }
.LBB1_6:
0x3c: {  	_ =	sfence.sel $0x180000  }
0x3d: {  	s2 =	simm.s32 $0x1;
	[bflag:$0x0] =	sbarrier.arrive $0xFFFF  }
0x3e: {  	s31 =	simm.s32 $0x2;
	[sflag:s2] =	ssyncpa.u1 $0x1  }
0x3f: {  	[sflag:s31] =	ssyncpa.u1 $0x1  }
0x40: {  	p0 =	sne.s32 s0, $0x0;
	_ =	strace $0x9000004A  }
0x41: {  	s0 =	sadd.s32 @!p0 $0x100000, s1;
	[bflag:$0x2] =	sbarrier.arrive $0xFFFF  }
0x42: {  	[sflag:s0] =	ssyncadd.tile.s32 @!p0 $0x1;
	_ =	shalt  }
.Lfunc_end1:
_tile_overlayer_lowered:
.L_overlay_start_2:
0x43: {  	(tag) =	ssettag $0x2  }
0x44: {  	s0 =	rddreg [dreg:$0x0];
	s2 =	stileid.u32  }
0x45: {  	s1 =	rddreg [dreg:$0x1];
	p0 =	sne.s32 s2, $0x0  }
0x46: {  	s3 =	rddreg [dreg:$0x2];
	[bflag:$0x3] =	sbarrier.arrive $0xFFFF;
	s2 =	simm.s32 @!p0 $0x1C01  }
0x47: {  	[timem:s3], [sflag:s2] =	dma.local @!p0 [hbm:s0], s1  }
0x48: {  	s0 =	simm.s32 @!p0 $0x1  }
0x49: {  	_ =	swait.ge @!p0 [sflag:s0], s1  }
0x4a: {  	s1 =	ssub.s32 @!p0 $0x0, s1;
	[sflag:s0] =	ssyncset.done @!p0 $0x0  }
0x4b: {  	[sflag:s0] =	ssyncadd.s32 @!p0 s1  }
0x4c: {  	[bflag:$0x3] =	sbarrier.arrive $0xFFFF  }
0x4d: {  	_ =	shalt  }

</sc_bundles>
